<compile_context>
chip_gen: v7x
topology: tpu7x:2x2x1
jax: 0.10.2.dev20260603
libtpu: 0.0.44.dev20260713+nightly
codegen_flags: <defaults>
</compile_context>

<pallas_src>
import functools

import jax
import jax.numpy as jnp
from jax import lax
from jax.experimental import pallas as pl
from jax.experimental.pallas import tpu as pltpu
from jax.experimental.pallas import tpu_sc as plsc

_C = 128
_NUM_WORKERS = 32


def _sc_spmm(h, srcp, dstp, wp, zeros, n_nodes, d, chunks_per_worker):
    mesh = plsc.VectorSubcoreMesh(core_axis_name="c", subcore_axis_name="s")
    rows_per_sub = n_nodes // 16
    nvec = d // 16

    @functools.partial(
        pl.kernel,
        out_type=(
            jax.ShapeDtypeStruct((n_nodes, d), jnp.float32),
            jax.ShapeDtypeStruct((n_nodes, d), jnp.float32),
        ),
        mesh=mesh,
        scratch_types=[
            pltpu.VMEM((_C,), jnp.int32),
            pltpu.VMEM((_C,), jnp.int32),
            pltpu.VMEM((_C,), jnp.float32),
            pltpu.VMEM((_C, d), jnp.float32),
            pltpu.VMEM_SHARED((n_nodes, d), jnp.float32),
            pltpu.SemaphoreType.DMA,
        ],
    )
    def spmm(h_hbm, src_hbm, dst_hbm, w_hbm, z_hbm, p0_hbm, p1_hbm,
             sidx, didx, wv, rows, acc, sem):
        cid = lax.axis_index("c")
        sid = lax.axis_index("s")
        wid = sid * 2 + cid

        pltpu.sync_copy(z_hbm.at[pl.ds(sid * rows_per_sub, rows_per_sub)],
                        acc.at[pl.ds(sid * rows_per_sub, rows_per_sub)])
        plsc.subcore_barrier()

        base0 = wid * (chunks_per_worker * _C)

        def chunk_body(j, carry):
            base = base0 + j * _C
            pltpu.sync_copy(src_hbm.at[pl.ds(base, _C)], sidx)
            pltpu.sync_copy(dst_hbm.at[pl.ds(base, _C)], didx)
            pltpu.sync_copy(w_hbm.at[pl.ds(base, _C)], wv)
            pltpu.async_copy(h_hbm.at[sidx], rows, sem).wait()

            def grp_body(g, c2):
                w16 = wv[pl.ds(g * 16, 16)]
                r0 = g * 16
                for j in range(16):
                    wr = w16[j]
                    for v in range(nvec):
                        sl = pl.ds(v * 16, 16)
                        rows[r0 + j, sl] = rows[r0 + j, sl] * wr
                return c2

            lax.fori_loop(0, _C // 16, grp_body, 0)

            pltpu.sync_copy(rows, acc.at[didx], add=True)
            return carry

        lax.fori_loop(0, chunks_per_worker, chunk_body, 0)
        plsc.subcore_barrier()

        sl = pl.ds(sid * rows_per_sub, rows_per_sub)

        @pl.when(cid == 0)
        def _():
            pltpu.sync_copy(acc.at[sl], p0_hbm.at[sl])

        @pl.when(cid == 1)
        def _():
            pltpu.sync_copy(acc.at[sl], p1_hbm.at[sl])

    return spmm(h, srcp, dstp, wp, zeros)


def _tc_combine(a, b):
    n, d = a.shape
    br = next(c for c in (1280, 1024, 640, 512, 256, 128, 8) if n % c == 0)

    def body(a_ref, b_ref, o_ref):
        o_ref[...] = a_ref[...] + b_ref[...]

    return pl.pallas_call(
        body,
        out_shape=jax.ShapeDtypeStruct((n, d), jnp.float32),
        grid=(n // br,),
        in_specs=[pl.BlockSpec((br, d), lambda i: (i, 0)),
                  pl.BlockSpec((br, d), lambda i: (i, 0))],
        out_specs=pl.BlockSpec((br, d), lambda i: (i, 0)),
    )(a, b)


def _tc_linear(h, wt, bias):
    n, d = h.shape
    br = 1000

    def body(h_ref, w_ref, b_ref, o_ref):
        o_ref[...] = jnp.dot(h_ref[...], w_ref[...],
                             preferred_element_type=jnp.float32) + b_ref[...]

    return pl.pallas_call(
        body,
        out_shape=jax.ShapeDtypeStruct((n, d), jnp.float32),
        grid=(n // br,),
        in_specs=[pl.BlockSpec((br, d), lambda i: (i, 0)),
                  pl.BlockSpec((d, d), lambda i: (0, 0)),
                  pl.BlockSpec((1, d), lambda i: (0, 0))],
        out_specs=pl.BlockSpec((br, d), lambda i: (i, 0)),
    )(h, wt, bias.reshape(1, d))


def kernel(x, edge_index, edge_weight, W, b, k):
    n_nodes, d = x.shape
    e = edge_weight.shape[0]
    dst = edge_index[0]
    src = edge_index[1]

    chunks_per_worker = -(-e // (_NUM_WORKERS * _C))
    e_pad = _NUM_WORKERS * chunks_per_worker * _C
    pad = e_pad - e
    srcp = jnp.concatenate([src, jnp.zeros((pad,), jnp.int32)])
    dstp = jnp.concatenate([dst, jnp.zeros((pad,), jnp.int32)])
    wp = jnp.concatenate([edge_weight, jnp.zeros((pad,), jnp.float32)])

    n_pad = -(-n_nodes // 128) * 128
    xp = jnp.pad(x, ((0, n_pad - n_nodes), (0, 0)))
    zeros = jnp.zeros((n_pad, d), jnp.float32)

    def body(_, h):
        p0, p1 = _sc_spmm(h, srcp, dstp, wp, zeros, n_pad, d,
                          chunks_per_worker)
        return _tc_combine(p0, p1)

    h = lax.fori_loop(0, k, body, xp)
    return _tc_linear(h[:n_nodes], W.T, b)

# --- scband reference (transcript-rebuilt; emitter-appended) ---
"""Pipeline reference for scband-sgconv-29978871726569 (READ-ONLY COPY).

The authoritative reference and input builder live on the scoring server;
editing this copy changes nothing except your own understanding.
"""

import jax, jax.numpy as jnp
import numpy as np

N = 10000
E = 320000
D = 128

def setup_inputs(seed: int = 0) -> dict:
    key = jax.random.key(seed)
    k1, k2, k3, k4, k5 = jax.random.split(key, 5)
    x = jax.random.normal(k1, (N, D), dtype=jnp.float32)
    edge_index = jax.random.randint(k2, (2, E), 0, N, dtype=jnp.int32)
    edge_weight = jax.random.uniform(k3, (E,), dtype=jnp.float32)
    # nn.Linear(in_features=128, out_features=128) parameters
    W = jax.random.normal(k4, (D, D), dtype=jnp.float32) * (1.0 / np.sqrt(D))
    b = jax.random.normal(k5, (D,), dtype=jnp.float32) * 0.01
    return {"x": x, "edge_index": edge_index, "edge_weight": edge_weight, "W": W, "b": b, "k": 4}

def reference(x, edge_index, edge_weight, W, b, k):
    # torch.spmm(adj, x) repeated k times, where adj is sparse COO with
    # rows=edge_index[0] (dst), cols=edge_index[1] (src), values=edge_weight.
    dst = edge_index[0]
    src = edge_index[1]

    def body(_, h):
        msgs = edge_weight[:, None] * jnp.take(h, src, axis=0)  # gather
        return jax.ops.segment_sum(msgs, dst, num_segments=N)   # scatter-add

    h = jax.lax.fori_loop(0, k, body, x)
    # linear layer: h @ W.T + b
    out = h @ W.T + b
    return out

if __name__ == "__main__":
    import jax
    _d = setup_inputs()
    print(jax.jit(kernel)(*tuple(_d.values())))

</pallas_src>

<mosaic_0001>
#map = affine_map<(d0, d1) -> (0, 0)>
#map1 = affine_map<(d0, d1) -> (0)>
module attributes {stable_mosaic.version = 14 : i64} {
  func.func @spmm(%arg0: i32, %arg1: i32, %arg2: memref<10112x128xf32, #tpu.memory_space<hbm>>, %arg3: memref<323584xi32, #tpu.memory_space<hbm>>, %arg4: memref<323584xi32, #tpu.memory_space<hbm>>, %arg5: memref<323584xf32, #tpu.memory_space<hbm>>, %arg6: memref<10112x128xf32, #tpu.memory_space<hbm>>, %arg7: memref<10112x128xf32, #tpu.memory_space<hbm>>, %arg8: memref<10112x128xf32, #tpu.memory_space<hbm>>, %arg9: memref<128xi32, #tpu.memory_space<vmem>>, %arg10: memref<128xi32, #tpu.memory_space<vmem>>, %arg11: memref<128xf32, #tpu.memory_space<vmem>>, %arg12: memref<128x128xf32, #tpu.memory_space<vmem>>, %arg13: memref<10112x128xf32, #tpu.memory_space<vmem_shared>>, %arg14: memref<!tpu.dma_semaphore, #tpu.memory_space<semaphore_mem>>) attributes {dimension_semantics = [#tpu.dimension_semantics<core_parallel>, #tpu.dimension_semantics<subcore_parallel>], iteration_bounds = array<i64: 2, 16>, scalar_prefetch = 0 : i64, scratch_operands = 6 : i64, tpu.core_type = #tpu.core_type<sc_vector_subcore>, window_params = [{transform_indices = #map}, {transform_indices = #map1}, {transform_indices = #map1}, {transform_indices = #map1}, {transform_indices = #map}, {transform_indices = #map}, {transform_indices = #map}]} {
    %mul3A = arith.constant 2 : i32
    %mul3A_0 = arith.muli %arg1, %mul3A : i32
    %add3A = arith.addi %mul3A_0, %arg0 : i32
    %mul3A_1 = arith.constant 632 : i32
    %mul3A_2 = arith.muli %arg1, %mul3A_1 : i32
    %mul3A_3 = arith.constant 632 : i32
    %mul3A_4 = arith.muli %arg1, %mul3A_3 : i32
    "tpu.region"() ({
      %run_scoped3A = tpu.sem_alloc : memref<!tpu.dma_semaphore, #tpu.memory_space<semaphore_mem>>
      %dma_start3A = arith.constant 0 : i32
      %dma_start3A_22 = tpu.memref_slice %arg13[%mul3A_4, %dma_start3A] : memref<10112x128xf32, #tpu.memory_space<vmem_shared>> -> memref<632x128xf32, #tpu.memory_space<vmem_shared>>
      %dma_start3A_23 = arith.constant 0 : i32
      %dma_start3A_24 = tpu.memref_slice %arg6[%mul3A_2, %dma_start3A_23] : memref<10112x128xf32, #tpu.memory_space<hbm>> -> memref<632x128xf32, #tpu.memory_space<hbm>>
      tpu.enqueue_dma source(%dma_start3A_24 : memref<632x128xf32, #tpu.memory_space<hbm>>) target(%dma_start3A_22 : memref<632x128xf32, #tpu.memory_space<vmem_shared>>) target_semaphore(%run_scoped3A : memref<!tpu.dma_semaphore, #tpu.memory_space<semaphore_mem>>)
      %dma_wait3A = arith.constant 0 : i32
      %dma_wait3A_25 = tpu.memref_slice %arg13[%mul3A_4, %dma_wait3A] : memref<10112x128xf32, #tpu.memory_space<vmem_shared>> -> memref<632x128xf32, #tpu.memory_space<vmem_shared>>
      %dma_wait3A_26 = arith.constant 0 : i32
      %dma_wait3A_27 = tpu.memref_slice %arg6[%mul3A_2, %dma_wait3A_26] : memref<10112x128xf32, #tpu.memory_space<hbm>> -> memref<632x128xf32, #tpu.memory_space<hbm>>
      tpu.wait_dma2 semaphore(%run_scoped3A : memref<!tpu.dma_semaphore, #tpu.memory_space<semaphore_mem>>) src(%dma_wait3A_27 : memref<632x128xf32, #tpu.memory_space<hbm>>) dst(%dma_wait3A_25 : memref<632x128xf32, #tpu.memory_space<vmem_shared>>)
      tpu.yield
    }) : () -> ()
    %barrier3A = arith.constant 0 : index
    tpu.barrier barrier_id(%barrier3A)
    %mul3A_5 = arith.constant 10112 : i32
    %mul3A_6 = arith.muli %add3A, %mul3A_5 : i32
    %scan3A = arith.constant 0 : i32
    %scan3A_7 = arith.constant 0 : i32
    %scan3A_8 = arith.constant 79 : i32
    %scan3A_9 = arith.addi %scan3A_7, %scan3A_8 : i32
    %scan3A_10 = arith.constant 1 : i32
    scf.for %scan3A_22 = %scan3A_7 to %scan3A_9 step %scan3A_10  : i32 {
      %mul3A_23 = arith.constant 128 : i32
      %mul3A_24 = arith.muli %scan3A_22, %mul3A_23 : i32
      %add3A_25 = arith.addi %mul3A_6, %mul3A_24 : i32
      "tpu.region"() ({
        %run_scoped3A = tpu.sem_alloc : memref<!tpu.dma_semaphore, #tpu.memory_space<semaphore_mem>>
        %dma_start3A_36 = tpu.memref_slice %arg3[%add3A_25] : memref<323584xi32, #tpu.memory_space<hbm>> -> memref<128xi32, #tpu.memory_space<hbm>>
        %dma_start3A_37 = tpu.memref_slice %arg3[%add3A_25] : memref<323584xi32, #tpu.memory_space<hbm>> -> memref<128xi32, #tpu.memory_space<hbm>>
        tpu.enqueue_dma source(%dma_start3A_37 : memref<128xi32, #tpu.memory_space<hbm>>) target(%arg9 : memref<128xi32, #tpu.memory_space<vmem>>) target_semaphore(%run_scoped3A : memref<!tpu.dma_semaphore, #tpu.memory_space<semaphore_mem>>)
        %dma_wait3A_38 = tpu.memref_slice %arg3[%add3A_25] : memref<323584xi32, #tpu.memory_space<hbm>> -> memref<128xi32, #tpu.memory_space<hbm>>
        %dma_wait3A_39 = tpu.memref_slice %arg3[%add3A_25] : memref<323584xi32, #tpu.memory_space<hbm>> -> memref<128xi32, #tpu.memory_space<hbm>>
        tpu.wait_dma2 semaphore(%run_scoped3A : memref<!tpu.dma_semaphore, #tpu.memory_space<semaphore_mem>>) src(%dma_wait3A_39 : memref<128xi32, #tpu.memory_space<hbm>>) dst(%arg9 : memref<128xi32, #tpu.memory_space<vmem>>)
        tpu.yield
      }) : () -> ()
      "tpu.region"() ({
        %run_scoped3A = tpu.sem_alloc : memref<!tpu.dma_semaphore, #tpu.memory_space<semaphore_mem>>
        %dma_start3A_36 = tpu.memref_slice %arg4[%add3A_25] : memref<323584xi32, #tpu.memory_space<hbm>> -> memref<128xi32, #tpu.memory_space<hbm>>
        %dma_start3A_37 = tpu.memref_slice %arg4[%add3A_25] : memref<323584xi32, #tpu.memory_space<hbm>> -> memref<128xi32, #tpu.memory_space<hbm>>
        tpu.enqueue_dma source(%dma_start3A_37 : memref<128xi32, #tpu.memory_space<hbm>>) target(%arg10 : memref<128xi32, #tpu.memory_space<vmem>>) target_semaphore(%run_scoped3A : memref<!tpu.dma_semaphore, #tpu.memory_space<semaphore_mem>>)
        %dma_wait3A_38 = tpu.memref_slice %arg4[%add3A_25] : memref<323584xi32, #tpu.memory_space<hbm>> -> memref<128xi32, #tpu.memory_space<hbm>>
        %dma_wait3A_39 = tpu.memref_slice %arg4[%add3A_25] : memref<323584xi32, #tpu.memory_space<hbm>> -> memref<128xi32, #tpu.memory_space<hbm>>
        tpu.wait_dma2 semaphore(%run_scoped3A : memref<!tpu.dma_semaphore, #tpu.memory_space<semaphore_mem>>) src(%dma_wait3A_39 : memref<128xi32, #tpu.memory_space<hbm>>) dst(%arg10 : memref<128xi32, #tpu.memory_space<vmem>>)
        tpu.yield
      }) : () -> ()
      "tpu.region"() ({
        %run_scoped3A = tpu.sem_alloc : memref<!tpu.dma_semaphore, #tpu.memory_space<semaphore_mem>>
        %dma_start3A_36 = tpu.memref_slice %arg5[%add3A_25] : memref<323584xf32, #tpu.memory_space<hbm>> -> memref<128xf32, #tpu.memory_space<hbm>>
        %dma_start3A_37 = tpu.memref_slice %arg5[%add3A_25] : memref<323584xf32, #tpu.memory_space<hbm>> -> memref<128xf32, #tpu.memory_space<hbm>>
        tpu.enqueue_dma source(%dma_start3A_37 : memref<128xf32, #tpu.memory_space<hbm>>) target(%arg11 : memref<128xf32, #tpu.memory_space<vmem>>) target_semaphore(%run_scoped3A : memref<!tpu.dma_semaphore, #tpu.memory_space<semaphore_mem>>)
        %dma_wait3A_38 = tpu.memref_slice %arg5[%add3A_25] : memref<323584xf32, #tpu.memory_space<hbm>> -> memref<128xf32, #tpu.memory_space<hbm>>
        %dma_wait3A_39 = tpu.memref_slice %arg5[%add3A_25] : memref<323584xf32, #tpu.memory_space<hbm>> -> memref<128xf32, #tpu.memory_space<hbm>>
        tpu.wait_dma2 semaphore(%run_scoped3A : memref<!tpu.dma_semaphore, #tpu.memory_space<semaphore_mem>>) src(%dma_wait3A_39 : memref<128xf32, #tpu.memory_space<hbm>>) dst(%arg11 : memref<128xf32, #tpu.memory_space<vmem>>)
        tpu.yield
      }) : () -> ()
      %dma_start3A = arith.constant 0 : i32
      %dma_start3A_26 = arith.constant 0 : i32
      %dma_start3A_27 = tpu.memref_slice %arg2[%dma_start3A, %dma_start3A_26] : memref<10112x128xf32, #tpu.memory_space<hbm>> -> memref<10112x128xf32, #tpu.memory_space<hbm>>
      tpu.enqueue_indirect_dma source(%dma_start3A_27 : memref<10112x128xf32, #tpu.memory_space<hbm>>) target(%arg12 : memref<128x128xf32, #tpu.memory_space<vmem>>) offsets(%arg9 : memref<128xi32, #tpu.memory_space<vmem>>) semaphore(%arg14 : memref<!tpu.dma_semaphore, #tpu.memory_space<semaphore_mem>>)
      %dma_wait3A = arith.constant 0 : i32
      %dma_wait3A_28 = arith.constant 0 : i32
      %dma_wait3A_29 = tpu.memref_slice %arg2[%dma_wait3A, %dma_wait3A_28] : memref<10112x128xf32, #tpu.memory_space<hbm>> -> memref<10112x128xf32, #tpu.memory_space<hbm>>
      tpu.wait_indirect_dma semaphore(%arg14 : memref<!tpu.dma_semaphore, #tpu.memory_space<semaphore_mem>>) src(%dma_wait3A_29 : memref<10112x128xf32, #tpu.memory_space<hbm>>) dst(%arg12 : memref<128x128xf32, #tpu.memory_space<vmem>>)
      %scan3A_30 = arith.constant 0 : i32
      %scan3A_31 = arith.constant 0 : i32
      %scan3A_32 = arith.constant 8 : i32
      %scan3A_33 = arith.addi %scan3A_31, %scan3A_32 : i32
      %scan3A_34 = arith.constant 1 : i32
      scf.for %scan3A_36 = %scan3A_31 to %scan3A_33 step %scan3A_34  : i32 {
        %mul3A_37 = arith.constant 16 : i32
        %mul3A_38 = arith.muli %scan3A_36, %mul3A_37 : i32
        %get3A = arith.index_cast %mul3A_38 : i32 to index
        %get3A_39 = tpu.vector_load %arg11[%get3A] {strides = array<i32>} : memref<128xf32, #tpu.memory_space<vmem>>, vector<16xf32>,
        %get3A_40 = vector.shape_cast %get3A_39 : vector<16xf32> to vector<16xf32>
        %mul3A_41 = arith.constant 16 : i32
        %mul3A_42 = arith.muli %scan3A_36, %mul3A_41 : i32
        %slice3A = vector.extract_strided_slice %get3A_40 {offsets = [0], sizes = [1], strides = [1]} : vector<16xf32> to vector<1xf32>
        %squeeze3A = vector.extract %slice3A[0] : f32 from vector<1xf32>
        %add3A_43 = arith.constant 0 : i32
        %add3A_44 = arith.addi %mul3A_42, %add3A_43 : i32
        %get3A_45 = arith.index_cast %add3A_44 : i32 to index
        %get3A_46 = arith.constant 0 : index
        %get3A_47 = tpu.vector_load %arg12[%get3A_45, %get3A_46] {strides = array<i32>} : memref<128x128xf32, #tpu.memory_space<vmem>>, vector<1x16xf32>,
        %get3A_48 = vector.shape_cast %get3A_47 : vector<1x16xf32> to vector<16xf32>
        %mul3A_49 = vector.broadcast %squeeze3A : f32 to vector<16xf32>
        %mul3A_50 = arith.mulf %get3A_48, %mul3A_49 : vector<16xf32>
        %add3A_51 = arith.constant 0 : i32
        %add3A_52 = arith.addi %mul3A_42, %add3A_51 : i32
        %swap3A = arith.index_cast %add3A_52 : i32 to index
        %swap3A_53 = arith.constant 0 : index
        %swap3A_54 = tpu.vector_load %arg12[%swap3A, %swap3A_53] {strides = array<i32>} : memref<128x128xf32, #tpu.memory_space<vmem>>, vector<1x16xf32>,
        %swap3A_55 = vector.shape_cast %swap3A_54 : vector<1x16xf32> to vector<16xf32>
        %swap3A_56 = vector.shape_cast %mul3A_50 : vector<16xf32> to vector<1x16xf32>
        tpu.vector_store %arg12[%swap3A, %swap3A_53], %swap3A_56 {strides = array<i32>} : memref<128x128xf32, #tpu.memory_space<vmem>>, vector<1x16xf32>,
        %add3A_57 = arith.constant 0 : i32
        %add3A_58 = arith.addi %mul3A_42, %add3A_57 : i32
        %get3A_59 = arith.index_cast %add3A_58 : i32 to index
        %get3A_60 = arith.constant 16 : index
        %get3A_61 = tpu.vector_load %arg12[%get3A_59, %get3A_60] {strides = array<i32>} : memref<128x128xf32, #tpu.memory_space<vmem>>, vector<1x16xf32>,
        %get3A_62 = vector.shape_cast %get3A_61 : vector<1x16xf32> to vector<16xf32>
        %mul3A_63 = vector.broadcast %squeeze3A : f32 to vector<16xf32>
        %mul3A_64 = arith.mulf %get3A_62, %mul3A_63 : vector<16xf32>
        %add3A_65 = arith.constant 0 : i32
        %add3A_66 = arith.addi %mul3A_42, %add3A_65 : i32
        %swap3A_67 = arith.index_cast %add3A_66 : i32 to index
        %swap3A_68 = arith.constant 16 : index
        %swap3A_69 = tpu.vector_load %arg12[%swap3A_67, %swap3A_68] {strides = array<i32>} : memref<128x128xf32, #tpu.memory_space<vmem>>, vector<1x16xf32>,
        %swap3A_70 = vector.shape_cast %swap3A_69 : vector<1x16xf32> to vector<16xf32>
        %swap3A_71 = vector.shape_cast %mul3A_64 : vector<16xf32> to vector<1x16xf32>
        tpu.vector_store %arg12[%swap3A_67, %swap3A_68], %swap3A_71 {strides = array<i32>} : memref<128x128xf32, #tpu.memory_space<vmem>>, vector<1x16xf32>,
        %add3A_72 = arith.constant 0 : i32
        %add3A_73 = arith.addi %mul3A_42, %add3A_72 : i32
        %get3A_74 = arith.index_cast %add3A_73 : i32 to index
        %get3A_75 = arith.constant 32 : index
        %get3A_76 = tpu.vector_load %arg12[%get3A_74, %get3A_75] {strides = array<i32>} : memref<128x128xf32, #tpu.memory_space<vmem>>, vector<1x16xf32>,
        %get3A_77 = vector.shape_cast %get3A_76 : vector<1x16xf32> to vector<16xf32>
        %mul3A_78 = vector.broadcast %squeeze3A : f32 to vector<16xf32>
        %mul3A_79 = arith.mulf %get3A_77, %mul3A_78 : vector<16xf32>
        %add3A_80 = arith.constant 0 : i32
        %add3A_81 = arith.addi %mul3A_42, %add3A_80 : i32
        %swap3A_82 = arith.index_cast %add3A_81 : i32 to index
        %swap3A_83 = arith.constant 32 : index
        %swap3A_84 = tpu.vector_load %arg12[%swap3A_82, %swap3A_83] {strides = array<i32>} : memref<128x128xf32, #tpu.memory_space<vmem>>, vector<1x16xf32>,
        %swap3A_85 = vector.shape_cast %swap3A_84 : vector<1x16xf32> to vector<16xf32>
        %swap3A_86 = vector.shape_cast %mul3A_79 : vector<16xf32> to vector<1x16xf32>
        tpu.vector_store %arg12[%swap3A_82, %swap3A_83], %swap3A_86 {strides = array<i32>} : memref<128x128xf32, #tpu.memory_space<vmem>>, vector<1x16xf32>,
        %add3A_87 = arith.constant 0 : i32
        %add3A_88 = arith.addi %mul3A_42, %add3A_87 : i32
        %get3A_89 = arith.index_cast %add3A_88 : i32 to index
        %get3A_90 = arith.constant 48 : index
        %get3A_91 = tpu.vector_load %arg12[%get3A_89, %get3A_90] {strides = array<i32>} : memref<128x128xf32, #tpu.memory_space<vmem>>, vector<1x16xf32>,
        %get3A_92 = vector.shape_cast %get3A_91 : vector<1x16xf32> to vector<16xf32>
        %mul3A_93 = vector.broadcast %squeeze3A : f32 to vector<16xf32>
        %mul3A_94 = arith.mulf %get3A_92, %mul3A_93 : vector<16xf32>
        %add3A_95 = arith.constant 0 : i32
        %add3A_96 = arith.addi %mul3A_42, %add3A_95 : i32
        %swap3A_97 = arith.index_cast %add3A_96 : i32 to index
        %swap3A_98 = arith.constant 48 : index
        %swap3A_99 = tpu.vector_load %arg12[%swap3A_97, %swap3A_98] {strides = array<i32>} : memref<128x128xf32, #tpu.memory_space<vmem>>, vector<1x16xf32>,
        %swap3A_100 = vector.shape_cast %swap3A_99 : vector<1x16xf32> to vector<16xf32>
        %swap3A_101 = vector.shape_cast %mul3A_94 : vector<16xf32> to vector<1x16xf32>
        tpu.vector_store %arg12[%swap3A_97, %swap3A_98], %swap3A_101 {strides = array<i32>} : memref<128x128xf32, #tpu.memory_space<vmem>>, vector<1x16xf32>,
        %add3A_102 = arith.constant 0 : i32
        %add3A_103 = arith.addi %mul3A_42, %add3A_102 : i32
        %get3A_104 = arith.index_cast %add3A_103 : i32 to index
        %get3A_105 = arith.constant 64 : index
        %get3A_106 = tpu.vector_load %arg12[%get3A_104, %get3A_105] {strides = array<i32>} : memref<128x128xf32, #tpu.memory_space<vmem>>, vector<1x16xf32>,
        %get3A_107 = vector.shape_cast %get3A_106 : vector<1x16xf32> to vector<16xf32>
        %mul3A_108 = vector.broadcast %squeeze3A : f32 to vector<16xf32>
        %mul3A_109 = arith.mulf %get3A_107, %mul3A_108 : vector<16xf32>
        %add3A_110 = arith.constant 0 : i32
        %add3A_111 = arith.addi %mul3A_42, %add3A_110 : i32
        %swap3A_112 = arith.index_cast %add3A_111 : i32 to index
        %swap3A_113 = arith.constant 64 : index
        %swap3A_114 = tpu.vector_load %arg12[%swap3A_112, %swap3A_113] {strides = array<i32>} : memref<128x128xf32, #tpu.memory_space<vmem>>, vector<1x16xf32>,
        %swap3A_115 = vector.shape_cast %swap3A_114 : vector<1x16xf32> to vector<16xf32>
        %swap3A_116 = vector.shape_cast %mul3A_109 : vector<16xf32> to vector<1x16xf32>
        tpu.vector_store %arg12[%swap3A_112, %swap3A_113], %swap3A_116 {strides = array<i32>} : memref<128x128xf32, #tpu.memory_space<vmem>>, vector<1x16xf32>,
        %add3A_117 = arith.constant 0 : i32
        %add3A_118 = arith.addi %mul3A_42, %add3A_117 : i32
        %get3A_119 = arith.index_cast %add3A_118 : i32 to index
        %get3A_120 = arith.constant 80 : index
        %get3A_121 = tpu.vector_load %arg12[%get3A_119, %get3A_120] {strides = array<i32>} : memref<128x128xf32, #tpu.memory_space<vmem>>, vector<1x16xf32>,
        %get3A_122 = vector.shape_cast %get3A_121 : vector<1x16xf32> to vector<16xf32>
        %mul3A_123 = vector.broadcast %squeeze3A : f32 to vector<16xf32>
        %mul3A_124 = arith.mulf %get3A_122, %mul3A_123 : vector<16xf32>
        %add3A_125 = arith.constant 0 : i32
        %add3A_126 = arith.addi %mul3A_42, %add3A_125 : i32
        %swap3A_127 = arith.index_cast %add3A_126 : i32 to index
        %swap3A_128 = arith.constant 80 : index
        %swap3A_129 = tpu.vector_load %arg12[%swap3A_127, %swap3A_128] {strides = array<i32>} : memref<128x128xf32, #tpu.memory_space<vmem>>, vector<1x16xf32>,
        %swap3A_130 = vector.shape_cast %swap3A_129 : vector<1x16xf32> to vector<16xf32>
        %swap3A_131 = vector.shape_cast %mul3A_124 : vector<16xf32> to vector<1x16xf32>
        tpu.vector_store %arg12[%swap3A_127, %swap3A_128], %swap3A_131 {strides = array<i32>} : memref<128x128xf32, #tpu.memory_space<vmem>>, vector<1x16xf32>,
        %add3A_132 = arith.constant 0 : i32
        %add3A_133 = arith.addi %mul3A_42, %add3A_132 : i32
        %get3A_134 = arith.index_cast %add3A_133 : i32 to index
        %get3A_135 = arith.constant 96 : index
        %get3A_136 = tpu.vector_load %arg12[%get3A_134, %get3A_135] {strides = array<i32>} : memref<128x128xf32, #tpu.memory_space<vmem>>, vector<1x16xf32>,
        %get3A_137 = vector.shape_cast %get3A_136 : vector<1x16xf32> to vector<16xf32>
        %mul3A_138 = vector.broadcast %squeeze3A : f32 to vector<16xf32>
        %mul3A_139 = arith.mulf %get3A_137, %mul3A_138 : vector<16xf32>
        %add3A_140 = arith.constant 0 : i32
        %add3A_141 = arith.addi %mul3A_42, %add3A_140 : i32
        %swap3A_142 = arith.index_cast %add3A_141 : i32 to index
        %swap3A_143 = arith.constant 96 : index
        %swap3A_144 = tpu.vector_load %arg12[%swap3A_142, %swap3A_143] {strides = array<i32>} : memref<128x128xf32, #tpu.memory_space<vmem>>, vector<1x16xf32>,
        %swap3A_145 = vector.shape_cast %swap3A_144 : vector<1x16xf32> to vector<16xf32>
        %swap3A_146 = vector.shape_cast %mul3A_139 : vector<16xf32> to vector<1x16xf32>
        tpu.vector_store %arg12[%swap3A_142, %swap3A_143], %swap3A_146 {strides = array<i32>} : memref<128x128xf32, #tpu.memory_space<vmem>>, vector<1x16xf32>,
        %add3A_147 = arith.constant 0 : i32
        %add3A_148 = arith.addi %mul3A_42, %add3A_147 : i32
        %get3A_149 = arith.index_cast %add3A_148 : i32 to index
        %get3A_150 = arith.constant 112 : index
        %get3A_151 = tpu.vector_load %arg12[%get3A_149, %get3A_150] {strides = array<i32>} : memref<128x128xf32, #tpu.memory_space<vmem>>, vector<1x16xf32>,
        %get3A_152 = vector.shape_cast %get3A_151 : vector<1x16xf32> to vector<16xf32>
        %mul3A_153 = vector.broadcast %squeeze3A : f32 to vector<16xf32>
        %mul3A_154 = arith.mulf %get3A_152, %mul3A_153 : vector<16xf32>
        %add3A_155 = arith.constant 0 : i32
        %add3A_156 = arith.addi %mul3A_42, %add3A_155 : i32
        %swap3A_157 = arith.index_cast %add3A_156 : i32 to index
        %swap3A_158 = arith.constant 112 : index
        %swap3A_159 = tpu.vector_load %arg12[%swap3A_157, %swap3A_158] {strides = array<i32>} : memref<128x128xf32, #tpu.memory_space<vmem>>, vector<1x16xf32>,
        %swap3A_160 = vector.shape_cast %swap3A_159 : vector<1x16xf32> to vector<16xf32>
        %swap3A_161 = vector.shape_cast %mul3A_154 : vector<16xf32> to vector<1x16xf32>
        tpu.vector_store %arg12[%swap3A_157, %swap3A_158], %swap3A_161 {strides = array<i32>} : memref<128x128xf32, #tpu.memory_space<vmem>>, vector<1x16xf32>,
        %slice3A_162 = vector.extract_strided_slice %get3A_40 {offsets = [1], sizes = [1], strides = [1]} : vector<16xf32> to vector<1xf32>
        %squeeze3A_163 = vector.extract %slice3A_162[0] : f32 from vector<1xf32>
        %add3A_164 = arith.constant 1 : i32
        %add3A_165 = arith.addi %mul3A_42, %add3A_164 : i32
        %get3A_166 = arith.index_cast %add3A_165 : i32 to index
        %get3A_167 = arith.constant 0 : index
        %get3A_168 = tpu.vector_load %arg12[%get3A_166, %get3A_167] {strides = array<i32>} : memref<128x128xf32, #tpu.memory_space<vmem>>, vector<1x16xf32>,
        %get3A_169 = vector.shape_cast %get3A_168 : vector<1x16xf32> to vector<16xf32>
        %mul3A_170 = vector.broadcast %squeeze3A_163 : f32 to vector<16xf32>
        %mul3A_171 = arith.mulf %get3A_169, %mul3A_170 : vector<16xf32>
        %add3A_172 = arith.constant 1 : i32
        %add3A_173 = arith.addi %mul3A_42, %add3A_172 : i32
        %swap3A_174 = arith.index_cast %add3A_173 : i32 to index
        %swap3A_175 = arith.constant 0 : index
        %swap3A_176 = tpu.vector_load %arg12[%swap3A_174, %swap3A_175] {strides = array<i32>} : memref<128x128xf32, #tpu.memory_space<vmem>>, vector<1x16xf32>,
        %swap3A_177 = vector.shape_cast %swap3A_176 : vector<1x16xf32> to vector<16xf32>
        %swap3A_178 = vector.shape_cast %mul3A_171 : vector<16xf32> to vector<1x16xf32>
        tpu.vector_store %arg12[%swap3A_174, %swap3A_175], %swap3A_178 {strides = array<i32>} : memref<128x128xf32, #tpu.memory_space<vmem>>, vector<1x16xf32>,
        %add3A_179 = arith.constant 1 : i32
        %add3A_180 = arith.addi %mul3A_42, %add3A_179 : i32
        %get3A_181 = arith.index_cast %add3A_180 : i32 to index
        %get3A_182 = arith.constant 16 : index
        %get3A_183 = tpu.vector_load %arg12[%get3A_181, %get3A_182] {strides = array<i32>} : memref<128x128xf32, #tpu.memory_space<vmem>>, vector<1x16xf32>,
        %get3A_184 = vector.shape_cast %get3A_183 : vector<1x16xf32> to vector<16xf32>
        %mul3A_185 = vector.broadcast %squeeze3A_163 : f32 to vector<16xf32>
        %mul3A_186 = arith.mulf %get3A_184, %mul3A_185 : vector<16xf32>
        %add3A_187 = arith.constant 1 : i32
        %add3A_188 = arith.addi %mul3A_42, %add3A_187 : i32
        %swap3A_189 = arith.index_cast %add3A_188 : i32 to index
        %swap3A_190 = arith.constant 16 : index
        %swap3A_191 = tpu.vector_load %arg12[%swap3A_189, %swap3A_190] {strides = array<i32>} : memref<128x128xf32, #tpu.memory_space<vmem>>, vector<1x16xf32>,
        %swap3A_192 = vector.shape_cast %swap3A_191 : vector<1x16xf32> to vector<16xf32>
        %swap3A_193 = vector.shape_cast %mul3A_186 : vector<16xf32> to vector<1x16xf32>
        tpu.vector_store %arg12[%swap3A_189, %swap3A_190], %swap3A_193 {strides = array<i32>} : memref<128x128xf32, #tpu.memory_space<vmem>>, vector<1x16xf32>,
        %add3A_194 = arith.constant 1 : i32
        %add3A_195 = arith.addi %mul3A_42, %add3A_194 : i32
        %get3A_196 = arith.index_cast %add3A_195 : i32 to index
        %get3A_197 = arith.constant 32 : index
        %get3A_198 = tpu.vector_load %arg12[%get3A_196, %get3A_197] {strides = array<i32>} : memref<128x128xf32, #tpu.memory_space<vmem>>, vector<1x16xf32>,
        %get3A_199 = vector.shape_cast %get3A_198 : vector<1x16xf32> to vector<16xf32>
        %mul3A_200 = vector.broadcast %squeeze3A_163 : f32 to vector<16xf32>
        %mul3A_201 = arith.mulf %get3A_199, %mul3A_200 : vector<16xf32>
        %add3A_202 = arith.constant 1 : i32
        %add3A_203 = arith.addi %mul3A_42, %add3A_202 : i32
        %swap3A_204 = arith.index_cast %add3A_203 : i32 to index
        %swap3A_205 = arith.constant 32 : index
        %swap3A_206 = tpu.vector_load %arg12[%swap3A_204, %swap3A_205] {strides = array<i32>} : memref<128x128xf32, #tpu.memory_space<vmem>>, vector<1x16xf32>,
        %swap3A_207 = vector.shape_cast %swap3A_206 : vector<1x16xf32> to vector<16xf32>
        %swap3A_208 = vector.shape_cast %mul3A_201 : vector<16xf32> to vector<1x16xf32>
        tpu.vector_store %arg12[%swap3A_204, %swap3A_205], %swap3A_208 {strides = array<i32>} : memref<128x128xf32, #tpu.memory_space<vmem>>, vector<1x16xf32>,
        %add3A_209 = arith.constant 1 : i32
        %add3A_210 = arith.addi %mul3A_42, %add3A_209 : i32
        %get3A_211 = arith.index_cast %add3A_210 : i32 to index
        %get3A_212 = arith.constant 48 : index
        %get3A_213 = tpu.vector_load %arg12[%get3A_211, %get3A_212] {strides = array<i32>} : memref<128x128xf32, #tpu.memory_space<vmem>>, vector<1x16xf32>,
        %get3A_214 = vector.shape_cast %get3A_213 : vector<1x16xf32> to vector<16xf32>
        %mul3A_215 = vector.broadcast %squeeze3A_163 : f32 to vector<16xf32>
        %mul3A_216 = arith.mulf %get3A_214, %mul3A_215 : vector<16xf32>
        %add3A_217 = arith.constant 1 : i32
        %add3A_218 = arith.addi %mul3A_42, %add3A_217 : i32
        %swap3A_219 = arith.index_cast %add3A_218 : i32 to index
        %swap3A_220 = arith.constant 48 : index
        %swap3A_221 = tpu.vector_load %arg12[%swap3A_219, %swap3A_220] {strides = array<i32>} : memref<128x128xf32, #tpu.memory_space<vmem>>, vector<1x16xf32>,
        %swap3A_222 = vector.shape_cast %swap3A_221 : vector<1x16xf32> to vector<16xf32>
        %swap3A_223 = vector.shape_cast %mul3A_216 : vector<16xf32> to vector<1x16xf32>
        tpu.vector_store %arg12[%swap3A_219, %swap3A_220], %swap3A_223 {strides = array<i32>} : memref<128x128xf32, #tpu.memory_space<vmem>>, vector<1x16xf32>,
        %add3A_224 = arith.constant 1 : i32
        %add3A_225 = arith.addi %mul3A_42, %add3A_224 : i32
        %get3A_226 = arith.index_cast %add3A_225 : i32 to index
        %get3A_227 = arith.constant 64 : index
        %get3A_228 = tpu.vector_load %arg12[%get3A_226, %get3A_227] {strides = array<i32>} : memref<128x128xf32, #tpu.memory_space<vmem>>, vector<1x16xf32>,
        %get3A_229 = vector.shape_cast %get3A_228 : vector<1x16xf32> to vector<16xf32>
        %mul3A_230 = vector.broadcast %squeeze3A_163 : f32 to vector<16xf32>
        %mul3A_231 = arith.mulf %get3A_229, %mul3A_230 : vector<16xf32>
        %add3A_232 = arith.constant 1 : i32
        %add3A_233 = arith.addi %mul3A_42, %add3A_232 : i32
        %swap3A_234 = arith.index_cast %add3A_233 : i32 to index
        %swap3A_235 = arith.constant 64 : index
        %swap3A_236 = tpu.vector_load %arg12[%swap3A_234, %swap3A_235] {strides = array<i32>} : memref<128x128xf32, #tpu.memory_space<vmem>>, vector<1x16xf32>,
        %swap3A_237 = vector.shape_cast %swap3A_236 : vector<1x16xf32> to vector<16xf32>
        %swap3A_238 = vector.shape_cast %mul3A_231 : vector<16xf32> to vector<1x16xf32>
        tpu.vector_store %arg12[%swap3A_234, %swap3A_235], %swap3A_238 {strides = array<i32>} : memref<128x128xf32, #tpu.memory_space<vmem>>, vector<1x16xf32>,
        %add3A_239 = arith.constant 1 : i32
        %add3A_240 = arith.addi %mul3A_42, %add3A_239 : i32
        %get3A_241 = arith.index_cast %add3A_240 : i32 to index
        %get3A_242 = arith.constant 80 : index
        %get3A_243 = tpu.vector_load %arg12[%get3A_241, %get3A_242] {strides = array<i32>} : memref<128x128xf32, #tpu.memory_space<vmem>>, vector<1x16xf32>,
        %get3A_244 = vector.shape_cast %get3A_243 : vector<1x16xf32> to vector<16xf32>
        %mul3A_245 = vector.broadcast %squeeze3A_163 : f32 to vector<16xf32>
        %mul3A_246 = arith.mulf %get3A_244, %mul3A_245 : vector<16xf32>
        %add3A_247 = arith.constant 1 : i32
        %add3A_248 = arith.addi %mul3A_42, %add3A_247 : i32
        %swap3A_249 = arith.index_cast %add3A_248 : i32 to index
        %swap3A_250 = arith.constant 80 : index
        %swap3A_251 = tpu.vector_load %arg12[%swap3A_249, %swap3A_250] {strides = array<i32>} : memref<128x128xf32, #tpu.memory_space<vmem>>, vector<1x16xf32>,
        %swap3A_252 = vector.shape_cast %swap3A_251 : vector<1x16xf32> to vector<16xf32>
        %swap3A_253 = vector.shape_cast %mul3A_246 : vector<16xf32> to vector<1x16xf32>
        tpu.vector_store %arg12[%swap3A_249, %swap3A_250], %swap3A_253 {strides = array<i32>} : memref<128x128xf32, #tpu.memory_space<vmem>>, vector<1x16xf32>,
        %add3A_254 = arith.constant 1 : i32
        %add3A_255 = arith.addi %mul3A_42, %add3A_254 : i32
        %get3A_256 = arith.index_cast %add3A_255 : i32 to index
        %get3A_257 = arith.constant 96 : index
        %get3A_258 = tpu.vector_load %arg12[%get3A_256, %get3A_257] {strides = array<i32>} : memref<128x128xf32, #tpu.memory_space<vmem>>, vector<1x16xf32>,
        %get3A_259 = vector.shape_cast %get3A_258 : vector<1x16xf32> to vector<16xf32>
        %mul3A_260 = vector.broadcast %squeeze3A_163 : f32 to vector<16xf32>
        %mul3A_261 = arith.mulf %get3A_259, %mul3A_260 : vector<16xf32>
        %add3A_262 = arith.constant 1 : i32
        %add3A_263 = arith.addi %mul3A_42, %add3A_262 : i32
        %swap3A_264 = arith.index_cast %add3A_263 : i32 to index
        %swap3A_265 = arith.constant 96 : index
        %swap3A_266 = tpu.vector_load %arg12[%swap3A_264, %swap3A_265] {strides = array<i32>} : memref<128x128xf32, #tpu.memory_space<vmem>>, vector<1x16xf32>,
        %swap3A_267 = vector.shape_cast %swap3A_266 : vector<1x16xf32> to vector<16xf32>
        %swap3A_268 = vector.shape_cast %mul3A_261 : vector<16xf32> to vector<1x16xf32>
        tpu.vector_store %arg12[%swap3A_264, %swap3A_265], %swap3A_268 {strides = array<i32>} : memref<128x128xf32, #tpu.memory_space<vmem>>, vector<1x16xf32>,
        %add3A_269 = arith.constant 1 : i32
        %add3A_270 = arith.addi %mul3A_42, %add3A_269 : i32
        %get3A_271 = arith.index_cast %add3A_270 : i32 to index
        %get3A_272 = arith.constant 112 : index
        %get3A_273 = tpu.vector_load %arg12[%get3A_271, %get3A_272] {strides = array<i32>} : memref<128x128xf32, #tpu.memory_space<vmem>>, vector<1x16xf32>,
        %get3A_274 = vector.shape_cast %get3A_273 : vector<1x16xf32> to vector<16xf32>
        %mul3A_275 = vector.broadcast %squeeze3A_163 : f32 to vector<16xf32>
        %mul3A_276 = arith.mulf %get3A_274, %mul3A_275 : vector<16xf32>
        %add3A_277 = arith.constant 1 : i32
        %add3A_278 = arith.addi %mul3A_42, %add3A_277 : i32
        %swap3A_279 = arith.index_cast %add3A_278 : i32 to index
        %swap3A_280 = arith.constant 112 : index
        %swap3A_281 = tpu.vector_load %arg12[%swap3A_279, %swap3A_280] {strides = array<i32>} : memref<128x128xf32, #tpu.memory_space<vmem>>, vector<1x16xf32>,
        %swap3A_282 = vector.shape_cast %swap3A_281 : vector<1x16xf32> to vector<16xf32>
        %swap3A_283 = vector.shape_cast %mul3A_276 : vector<16xf32> to vector<1x16xf32>
        tpu.vector_store %arg12[%swap3A_279, %swap3A_280], %swap3A_283 {strides = array<i32>} : memref<128x128xf32, #tpu.memory_space<vmem>>, vector<1x16xf32>,
        %slice3A_284 = vector.extract_strided_slice %get3A_40 {offsets = [2], sizes = [1], strides = [1]} : vector<16xf32> to vector<1xf32>
        %squeeze3A_285 = vector.extract %slice3A_284[0] : f32 from vector<1xf32>
        %add3A_286 = arith.constant 2 : i32
        %add3A_287 = arith.addi %mul3A_42, %add3A_286 : i32
        %get3A_288 = arith.index_cast %add3A_287 : i32 to index
        %get3A_289 = arith.constant 0 : index
        %get3A_290 = tpu.vector_load %arg12[%get3A_288, %get3A_289] {strides = array<i32>} : memref<128x128xf32, #tpu.memory_space<vmem>>, vector<1x16xf32>,
        %get3A_291 = vector.shape_cast %get3A_290 : vector<1x16xf32> to vector<16xf32>
        %mul3A_292 = vector.broadcast %squeeze3A_285 : f32 to vector<16xf32>
        %mul3A_293 = arith.mulf %get3A_291, %mul3A_292 : vector<16xf32>
        %add3A_294 = arith.constant 2 : i32
        %add3A_295 = arith.addi %mul3A_42, %add3A_294 : i32
        %swap3A_296 = arith.index_cast %add3A_295 : i32 to index
        %swap3A_297 = arith.constant 0 : index
        %swap3A_298 = tpu.vector_load %arg12[%swap3A_296, %swap3A_297] {strides = array<i32>} : memref<128x128xf32, #tpu.memory_space<vmem>>, vector<1x16xf32>,
        %swap3A_299 = vector.shape_cast %swap3A_298 : vector<1x16xf32> to vector<16xf32>
        %swap3A_300 = vector.shape_cast %mul3A_293 : vector<16xf32> to vector<1x16xf32>
        tpu.vector_store %arg12[%swap3A_296, %swap3A_297], %swap3A_300 {strides = array<i32>} : memref<128x128xf32, #tpu.memory_space<vmem>>, vector<1x16xf32>,
        %add3A_301 = arith.constant 2 : i32
        %add3A_302 = arith.addi %mul3A_42, %add3A_301 : i32
        %get3A_303 = arith.index_cast %add3A_302 : i32 to index
        %get3A_304 = arith.constant 16 : index
        %get3A_305 = tpu.vector_load %arg12[%get3A_303, %get3A_304] {strides = array<i32>} : memref<128x128xf32, #tpu.memory_space<vmem>>, vector<1x16xf32>,
        %get3A_306 = vector.shape_cast %get3A_305 : vector<1x16xf32> to vector<16xf32>
        %mul3A_307 = vector.broadcast %squeeze3A_285 : f32 to vector<16xf32>
        %mul3A_308 = arith.mulf %get3A_306, %mul3A_307 : vector<16xf32>
        %add3A_309 = arith.constant 2 : i32
        %add3A_310 = arith.addi %mul3A_42, %add3A_309 : i32
        %swap3A_311 = arith.index_cast %add3A_310 : i32 to index
        %swap3A_312 = arith.constant 16 : index
        %swap3A_313 = tpu.vector_load %arg12[%swap3A_311, %swap3A_312] {strides = array<i32>} : memref<128x128xf32, #tpu.memory_space<vmem>>, vector<1x16xf32>,
        %swap3A_314 = vector.shape_cast %swap3A_313 : vector<1x16xf32> to vector<16xf32>
        %swap3A_315 = vector.shape_cast %mul3A_308 : vector<16xf32> to vector<1x16xf32>
        tpu.vector_store %arg12[%swap3A_311, %swap3A_312], %swap3A_315 {strides = array<i32>} : memref<128x128xf32, #tpu.memory_space<vmem>>, vector<1x16xf32>,
        %add3A_316 = arith.constant 2 : i32
        %add3A_317 = arith.addi %mul3A_42, %add3A_316 : i32
        %get3A_318 = arith.index_cast %add3A_317 : i32 to index
        %get3A_319 = arith.constant 32 : index
        %get3A_320 = tpu.vector_load %arg12[%get3A_318, %get3A_319] {strides = array<i32>} : memref<128x128xf32, #tpu.memory_space<vmem>>, vector<1x16xf32>,
        %get3A_321 = vector.shape_cast %get3A_320 : vector<1x16xf32> to vector<16xf32>
        %mul3A_322 = vector.broadcast %squeeze3A_285 : f32 to vector<16xf32>
        %mul3A_323 = arith.mulf %get3A_321, %mul3A_322 : vector<16xf32>
        %add3A_324 = arith.constant 2 : i32
        %add3A_325 = arith.addi %mul3A_42, %add3A_324 : i32
        %swap3A_326 = arith.index_cast %add3A_325 : i32 to index
        %swap3A_327 = arith.constant 32 : index
        %swap3A_328 = tpu.vector_load %arg12[%swap3A_326, %swap3A_327] {strides = array<i32>} : memref<128x128xf32, #tpu.memory_space<vmem>>, vector<1x16xf32>,
        %swap3A_329 = vector.shape_cast %swap3A_328 : vector<1x16xf32> to vector<16xf32>
        %swap3A_330 = vector.shape_cast %mul3A_323 : vector<16xf32> to vector<1x16xf32>
        tpu.vector_store %arg12[%swap3A_326, %swap3A_327], %swap3A_330 {strides = array<i32>} : memref<128x128xf32, #tpu.memory_space<vmem>>, vector<1x16xf32>,
        %add3A_331 = arith.constant 2 : i32
        %add3A_332 = arith.addi %mul3A_42, %add3A_331 : i32
        %get3A_333 = arith.index_cast %add3A_332 : i32 to index
        %get3A_334 = arith.constant 48 : index
        %get3A_335 = tpu.vector_load %arg12[%get3A_333, %get3A_334] {strides = array<i32>} : memref<128x128xf32, #tpu.memory_space<vmem>>, vector<1x16xf32>,
        %get3A_336 = vector.shape_cast %get3A_335 : vector<1x16xf32> to vector<16xf32>
        %mul3A_337 = vector.broadcast %squeeze3A_285 : f32 to vector<16xf32>
        %mul3A_338 = arith.mulf %get3A_336, %mul3A_337 : vector<16xf32>
        %add3A_339 = arith.constant 2 : i32
        %add3A_340 = arith.addi %mul3A_42, %add3A_339 : i32
        %swap3A_341 = arith.index_cast %add3A_340 : i32 to index
        %swap3A_342 = arith.constant 48 : index
        %swap3A_343 = tpu.vector_load %arg12[%swap3A_341, %swap3A_342] {strides = array<i32>} : memref<128x128xf32, #tpu.memory_space<vmem>>, vector<1x16xf32>,
        %swap3A_344 = vector.shape_cast %swap3A_343 : vector<1x16xf32> to vector<16xf32>
        %swap3A_345 = vector.shape_cast %mul3A_338 : vector<16xf32> to vector<1x16xf32>
        tpu.vector_store %arg12[%swap3A_341, %swap3A_342], %swap3A_345 {strides = array<i32>} : memref<128x128xf32, #tpu.memory_space<vmem>>, vector<1x16xf32>,
        %add3A_346 = arith.constant 2 : i32
        %add3A_347 = arith.addi %mul3A_42, %add3A_346 : i32
        %get3A_348 = arith.index_cast %add3A_347 : i32 to index
        %get3A_349 = arith.constant 64 : index
        %get3A_350 = tpu.vector_load %arg12[%get3A_348, %get3A_349] {strides = array<i32>} : memref<128x128xf32, #tpu.memory_space<vmem>>, vector<1x16xf32>,
        %get3A_351 = vector.shape_cast %get3A_350 : vector<1x16xf32> to vector<16xf32>
        %mul3A_352 = vector.broadcast %squeeze3A_285 : f32 to vector<16xf32>
        %mul3A_353 = arith.mulf %get3A_351, %mul3A_352 : vector<16xf32>
        %add3A_354 = arith.constant 2 : i32
        %add3A_355 = arith.addi %mul3A_42, %add3A_354 : i32
        %swap3A_356 = arith.index_cast %add3A_355 : i32 to index
        %swap3A_357 = arith.constant 64 : index
        %swap3A_358 = tpu.vector_load %arg12[%swap3A_356, %swap3A_357] {strides = array<i32>} : memref<128x128xf32, #tpu.memory_space<vmem>>, vector<1x16xf32>,
        %swap3A_359 = vector.shape_cast %swap3A_358 : vector<1x16xf32> to vector<16xf32>
        %swap3A_360 = vector.shape_cast %mul3A_353 : vector<16xf32> to vector<1x16xf32>
        tpu.vector_store %arg12[%swap3A_356, %swap3A_357], %swap3A_360 {strides = array<i32>} : memref<128x128xf32, #tpu.memory_space<vmem>>, vector<1x16xf32>,
        %add3A_361 = arith.constant 2 : i32
        %add3A_362 = arith.addi %mul3A_42, %add3A_361 : i32
        %get3A_363 = arith.index_cast %add3A_362 : i32 to index
        %get3A_364 = arith.constant 80 : index
        %get3A_365 = tpu.vector_load %arg12[%get3A_363, %get3A_364] {strides = array<i32>} : memref<128x128xf32, #tpu.memory_space<vmem>>, vector<1x16xf32>,
        %get3A_366 = vector.shape_cast %get3A_365 : vector<1x16xf32> to vector<16xf32>
        %mul3A_367 = vector.broadcast %squeeze3A_285 : f32 to vector<16xf32>
        %mul3A_368 = arith.mulf %get3A_366, %mul3A_367 : vector<16xf32>
        %add3A_369 = arith.constant 2 : i32
        %add3A_370 = arith.addi %mul3A_42, %add3A_369 : i32
        %swap3A_371 = arith.index_cast %add3A_370 : i32 to index
        %swap3A_372 = arith.constant 80 : index
        %swap3A_373 = tpu.vector_load %arg12[%swap3A_371, %swap3A_372] {strides = array<i32>} : memref<128x128xf32, #tpu.memory_space<vmem>>, vector<1x16xf32>,
        %swap3A_374 = vector.shape_cast %swap3A_373 : vector<1x16xf32> to vector<16xf32>
        %swap3A_375 = vector.shape_cast %mul3A_368 : vector<16xf32> to vector<1x16xf32>
        tpu.vector_store %arg12[%swap3A_371, %swap3A_372], %swap3A_375 {strides = array<i32>} : memref<128x128xf32, #tpu.memory_space<vmem>>, vector<1x16xf32>,
        %add3A_376 = arith.constant 2 : i32
        %add3A_377 = arith.addi %mul3A_42, %add3A_376 : i32
        %get3A_378 = arith.index_cast %add3A_377 : i32 to index
        %get3A_379 = arith.constant 96 : index
        %get3A_380 = tpu.vector_load %arg12[%get3A_378, %get3A_379] {strides = array<i32>} : memref<128x128xf32, #tpu.memory_space<vmem>>, vector<1x16xf32>,
        %get3A_381 = vector.shape_cast %get3A_380 : vector<1x16xf32> to vector<16xf32>
        %mul3A_382 = vector.broadcast %squeeze3A_285 : f32 to vector<16xf32>
        %mul3A_383 = arith.mulf %get3A_381, %mul3A_382 : vector<16xf32>
        %add3A_384 = arith.constant 2 : i32
        %add3A_385 = arith.addi %mul3A_42, %add3A_384 : i32
        %swap3A_386 = arith.index_cast %add3A_385 : i32 to index
        %swap3A_387 = arith.constant 96 : index
        %swap3A_388 = tpu.vector_load %arg12[%swap3A_386, %swap3A_387] {strides = array<i32>} : memref<128x128xf32, #tpu.memory_space<vmem>>, vector<1x16xf32>,
        %swap3A_389 = vector.shape_cast %swap3A_388 : vector<1x16xf32> to vector<16xf32>
        %swap3A_390 = vector.shape_cast %mul3A_383 : vector<16xf32> to vector<1x16xf32>
        tpu.vector_store %arg12[%swap3A_386, %swap3A_387], %swap3A_390 {strides = array<i32>} : memref<128x128xf32, #tpu.memory_space<vmem>>, vector<1x16xf32>,
        %add3A_391 = arith.constant 2 : i32
        %add3A_392 = arith.addi %mul3A_42, %add3A_391 : i32
        %get3A_393 = arith.index_cast %add3A_392 : i32 to index
        %get3A_394 = arith.constant 112 : index
        %get3A_395 = tpu.vector_load %arg12[%get3A_393, %get3A_394] {strides = array<i32>} : memref<128x128xf32, #tpu.memory_space<vmem>>, vector<1x16xf32>,
        %get3A_396 = vector.shape_cast %get3A_395 : vector<1x16xf32> to vector<16xf32>
        %mul3A_397 = vector.broadcast %squeeze3A_285 : f32 to vector<16xf32>
        %mul3A_398 = arith.mulf %get3A_396, %mul3A_397 : vector<16xf32>
        %add3A_399 = arith.constant 2 : i32
        %add3A_400 = arith.addi %mul3A_42, %add3A_399 : i32
        %swap3A_401 = arith.index_cast %add3A_400 : i32 to index
        %swap3A_402 = arith.constant 112 : index
        %swap3A_403 = tpu.vector_load %arg12[%swap3A_401, %swap3A_402] {strides = array<i32>} : memref<128x128xf32, #tpu.memory_space<vmem>>, vector<1x16xf32>,
        %swap3A_404 = vector.shape_cast %swap3A_403 : vector<1x16xf32> to vector<16xf32>
        %swap3A_405 = vector.shape_cast %mul3A_398 : vector<16xf32> to vector<1x16xf32>
        tpu.vector_store %arg12[%swap3A_401, %swap3A_402], %swap3A_405 {strides = array<i32>} : memref<128x128xf32, #tpu.memory_space<vmem>>, vector<1x16xf32>,
        %slice3A_406 = vector.extract_strided_slice %get3A_40 {offsets = [3], sizes = [1], strides = [1]} : vector<16xf32> to vector<1xf32>
        %squeeze3A_407 = vector.extract %slice3A_406[0] : f32 from vector<1xf32>
        %add3A_408 = arith.constant 3 : i32
        %add3A_409 = arith.addi %mul3A_42, %add3A_408 : i32
        %get3A_410 = arith.index_cast %add3A_409 : i32 to index
        %get3A_411 = arith.constant 0 : index
        %get3A_412 = tpu.vector_load %arg12[%get3A_410, %get3A_411] {strides = array<i32>} : memref<128x128xf32, #tpu.memory_space<vmem>>, vector<1x16xf32>,
        %get3A_413 = vector.shape_cast %get3A_412 : vector<1x16xf32> to vector<16xf32>
        %mul3A_414 = vector.broadcast %squeeze3A_407 : f32 to vector<16xf32>
        %mul3A_415 = arith.mulf %get3A_413, %mul3A_414 : vector<16xf32>
        %add3A_416 = arith.constant 3 : i32
        %add3A_417 = arith.addi %mul3A_42, %add3A_416 : i32
        %swap3A_418 = arith.index_cast %add3A_417 : i32 to index
        %swap3A_419 = arith.constant 0 : index
        %swap3A_420 = tpu.vector_load %arg12[%swap3A_418, %swap3A_419] {strides = array<i32>} : memref<128x128xf32, #tpu.memory_space<vmem>>, vector<1x16xf32>,
        %swap3A_421 = vector.shape_cast %swap3A_420 : vector<1x16xf32> to vector<16xf32>
        %swap3A_422 = vector.shape_cast %mul3A_415 : vector<16xf32> to vector<1x16xf32>
        tpu.vector_store %arg12[%swap3A_418, %swap3A_419], %swap3A_422 {strides = array<i32>} : memref<128x128xf32, #tpu.memory_space<vmem>>, vector<1x16xf32>,
        %add3A_423 = arith.constant 3 : i32
        %add3A_424 = arith.addi %mul3A_42, %add3A_423 : i32
        %get3A_425 = arith.index_cast %add3A_424 : i32 to index
        %get3A_426 = arith.constant 16 : index
        %get3A_427 = tpu.vector_load %arg12[%get3A_425, %get3A_426] {strides = array<i32>} : memref<128x128xf32, #tpu.memory_space<vmem>>, vector<1x16xf32>,
        %get3A_428 = vector.shape_cast %get3A_427 : vector<1x16xf32> to vector<16xf32>
        %mul3A_429 = vector.broadcast %squeeze3A_407 : f32 to vector<16xf32>
        %mul3A_430 = arith.mulf %get3A_428, %mul3A_429 : vector<16xf32>
        %add3A_431 = arith.constant 3 : i32
        %add3A_432 = arith.addi %mul3A_42, %add3A_431 : i32
        %swap3A_433 = arith.index_cast %add3A_432 : i32 to index
        %swap3A_434 = arith.constant 16 : index
        %swap3A_435 = tpu.vector_load %arg12[%swap3A_433, %swap3A_434] {strides = array<i32>} : memref<128x128xf32, #tpu.memory_space<vmem>>, vector<1x16xf32>,
        %swap3A_436 = vector.shape_cast %swap3A_435 : vector<1x16xf32> to vector<16xf32>
        %swap3A_437 = vector.shape_cast %mul3A_430 : vector<16xf32> to vector<1x16xf32>
        tpu.vector_store %arg12[%swap3A_433, %swap3A_434], %swap3A_437 {strides = array<i32>} : memref<128x128xf32, #tpu.memory_space<vmem>>, vector<1x16xf32>,
        %add3A_438 = arith.constant 3 : i32
        %add3A_439 = arith.addi %mul3A_42, %add3A_438 : i32
        %get3A_440 = arith.index_cast %add3A_439 : i32 to index
        %get3A_441 = arith.constant 32 : index
        %get3A_442 = tpu.vector_load %arg12[%get3A_440, %get3A_441] {strides = array<i32>} : memref<128x128xf32, #tpu.memory_space<vmem>>, vector<1x16xf32>,
        %get3A_443 = vector.shape_cast %get3A_442 : vector<1x16xf32> to vector<16xf32>
        %mul3A_444 = vector.broadcast %squeeze3A_407 : f32 to vector<16xf32>
        %mul3A_445 = arith.mulf %get3A_443, %mul3A_444 : vector<16xf32>
        %add3A_446 = arith.constant 3 : i32
        %add3A_447 = arith.addi %mul3A_42, %add3A_446 : i32
        %swap3A_448 = arith.index_cast %add3A_447 : i32 to index
        %swap3A_449 = arith.constant 32 : index
        %swap3A_450 = tpu.vector_load %arg12[%swap3A_448, %swap3A_449] {strides = array<i32>} : memref<128x128xf32, #tpu.memory_space<vmem>>, vector<1x16xf32>,
        %swap3A_451 = vector.shape_cast %swap3A_450 : vector<1x16xf32> to vector<16xf32>
        %swap3A_452 = vector.shape_cast %mul3A_445 : vector<16xf32> to vector<1x16xf32>
        tpu.vector_store %arg12[%swap3A_448, %swap3A_449], %swap3A_452 {strides = array<i32>} : memref<128x128xf32, #tpu.memory_space<vmem>>, vector<1x16xf32>,
        %add3A_453 = arith.constant 3 : i32
        %add3A_454 = arith.addi %mul3A_42, %add3A_453 : i32
        %get3A_455 = arith.index_cast %add3A_454 : i32 to index
        %get3A_456 = arith.constant 48 : index
        %get3A_457 = tpu.vector_load %arg12[%get3A_455, %get3A_456] {strides = array<i32>} : memref<128x128xf32, #tpu.memory_space<vmem>>, vector<1x16xf32>,
        %get3A_458 = vector.shape_cast %get3A_457 : vector<1x16xf32> to vector<16xf32>
        %mul3A_459 = vector.broadcast %squeeze3A_407 : f32 to vector<16xf32>
        %mul3A_460 = arith.mulf %get3A_458, %mul3A_459 : vector<16xf32>
        %add3A_461 = arith.constant 3 : i32
        %add3A_462 = arith.addi %mul3A_42, %add3A_461 : i32
        %swap3A_463 = arith.index_cast %add3A_462 : i32 to index
        %swap3A_464 = arith.constant 48 : index
        %swap3A_465 = tpu.vector_load %arg12[%swap3A_463, %swap3A_464] {strides = array<i32>} : memref<128x128xf32, #tpu.memory_space<vmem>>, vector<1x16xf32>,
        %swap3A_466 = vector.shape_cast %swap3A_465 : vector<1x16xf32> to vector<16xf32>
        %swap3A_467 = vector.shape_cast %mul3A_460 : vector<16xf32> to vector<1x16xf32>
        tpu.vector_store %arg12[%swap3A_463, %swap3A_464], %swap3A_467 {strides = array<i32>} : memref<128x128xf32, #tpu.memory_space<vmem>>, vector<1x16xf32>,
        %add3A_468 = arith.constant 3 : i32
        %add3A_469 = arith.addi %mul3A_42, %add3A_468 : i32
        %get3A_470 = arith.index_cast %add3A_469 : i32 to index
        %get3A_471 = arith.constant 64 : index
        %get3A_472 = tpu.vector_load %arg12[%get3A_470, %get3A_471] {strides = array<i32>} : memref<128x128xf32, #tpu.memory_space<vmem>>, vector<1x16xf32>,
        %get3A_473 = vector.shape_cast %get3A_472 : vector<1x16xf32> to vector<16xf32>
        %mul3A_474 = vector.broadcast %squeeze3A_407 : f32 to vector<16xf32>
        %mul3A_475 = arith.mulf %get3A_473, %mul3A_474 : vector<16xf32>
        %add3A_476 = arith.constant 3 : i32
        %add3A_477 = arith.addi %mul3A_42, %add3A_476 : i32
        %swap3A_478 = arith.index_cast %add3A_477 : i32 to index
        %swap3A_479 = arith.constant 64 : index
        %swap3A_480 = tpu.vector_load %arg12[%swap3A_478, %swap3A_479] {strides = array<i32>} : memref<128x128xf32, #tpu.memory_space<vmem>>, vector<1x16xf32>,
        %swap3A_481 = vector.shape_cast %swap3A_480 : vector<1x16xf32> to vector<16xf32>
        %swap3A_482 = vector.shape_cast %mul3A_475 : vector<16xf32> to vector<1x16xf32>
        tpu.vector_store %arg12[%swap3A_478, %swap3A_479], %swap3A_482 {strides = array<i32>} : memref<128x128xf32, #tpu.memory_space<vmem>>, vector<1x16xf32>,
        %add3A_483 = arith.constant 3 : i32
        %add3A_484 = arith.addi %mul3A_42, %add3A_483 : i32
        %get3A_485 = arith.index_cast %add3A_484 : i32 to index
        %get3A_486 = arith.constant 80 : index
        %get3A_487 = tpu.vector_load %arg12[%get3A_485, %get3A_486] {strides = array<i32>} : memref<128x128xf32, #tpu.memory_space<vmem>>, vector<1x16xf32>,
        %get3A_488 = vector.shape_cast %get3A_487 : vector<1x16xf32> to vector<16xf32>
        %mul3A_489 = vector.broadcast %squeeze3A_407 : f32 to vector<16xf32>
        %mul3A_490 = arith.mulf %get3A_488, %mul3A_489 : vector<16xf32>
        %add3A_491 = arith.constant 3 : i32
        %add3A_492 = arith.addi %mul3A_42, %add3A_491 : i32
        %swap3A_493 = arith.index_cast %add3A_492 : i32 to index
        %swap3A_494 = arith.constant 80 : index
        %swap3A_495 = tpu.vector_load %arg12[%swap3A_493, %swap3A_494] {strides = array<i32>} : memref<128x128xf32, #tpu.memory_space<vmem>>, vector<1x16xf32>,
        %swap3A_496 = vector.shape_cast %swap3A_495 : vector<1x16xf32> to vector<16xf32>
        %swap3A_497 = vector.shape_cast %mul3A_490 : vector<16xf32> to vector<1x16xf32>
        tpu.vector_store %arg12[%swap3A_493, %swap3A_494], %swap3A_497 {strides = array<i32>} : memref<128x128xf32, #tpu.memory_space<vmem>>, vector<1x16xf32>,
        %add3A_498 = arith.constant 3 : i32
        %add3A_499 = arith.addi %mul3A_42, %add3A_498 : i32
        %get3A_500 = arith.index_cast %add3A_499 : i32 to index
        %get3A_501 = arith.constant 96 : index
        %get3A_502 = tpu.vector_load %arg12[%get3A_500, %get3A_501] {strides = array<i32>} : memref<128x128xf32, #tpu.memory_space<vmem>>, vector<1x16xf32>,
        %get3A_503 = vector.shape_cast %get3A_502 : vector<1x16xf32> to vector<16xf32>
        %mul3A_504 = vector.broadcast %squeeze3A_407 : f32 to vector<16xf32>
        %mul3A_505 = arith.mulf %get3A_503, %mul3A_504 : vector<16xf32>
        %add3A_506 = arith.constant 3 : i32
        %add3A_507 = arith.addi %mul3A_42, %add3A_506 : i32
        %swap3A_508 = arith.index_cast %add3A_507 : i32 to index
        %swap3A_509 = arith.constant 96 : index
        %swap3A_510 = tpu.vector_load %arg12[%swap3A_508, %swap3A_509] {strides = array<i32>} : memref<128x128xf32, #tpu.memory_space<vmem>>, vector<1x16xf32>,
        %swap3A_511 = vector.shape_cast %swap3A_510 : vector<1x16xf32> to vector<16xf32>
        %swap3A_512 = vector.shape_cast %mul3A_505 : vector<16xf32> to vector<1x16xf32>
        tpu.vector_store %arg12[%swap3A_508, %swap3A_509], %swap3A_512 {strides = array<i32>} : memref<128x128xf32, #tpu.memory_space<vmem>>, vector<1x16xf32>,
        %add3A_513 = arith.constant 3 : i32
        %add3A_514 = arith.addi %mul3A_42, %add3A_513 : i32
        %get3A_515 = arith.index_cast %add3A_514 : i32 to index
        %get3A_516 = arith.constant 112 : index
        %get3A_517 = tpu.vector_load %arg12[%get3A_515, %get3A_516] {strides = array<i32>} : memref<128x128xf32, #tpu.memory_space<vmem>>, vector<1x16xf32>,
        %get3A_518 = vector.shape_cast %get3A_517 : vector<1x16xf32> to vector<16xf32>
        %mul3A_519 = vector.broadcast %squeeze3A_407 : f32 to vector<16xf32>
        %mul3A_520 = arith.mulf %get3A_518, %mul3A_519 : vector<16xf32>
        %add3A_521 = arith.constant 3 : i32
        %add3A_522 = arith.addi %mul3A_42, %add3A_521 : i32
        %swap3A_523 = arith.index_cast %add3A_522 : i32 to index
        %swap3A_524 = arith.constant 112 : index
        %swap3A_525 = tpu.vector_load %arg12[%swap3A_523, %swap3A_524] {strides = array<i32>} : memref<128x128xf32, #tpu.memory_space<vmem>>, vector<1x16xf32>,
        %swap3A_526 = vector.shape_cast %swap3A_525 : vector<1x16xf32> to vector<16xf32>
        %swap3A_527 = vector.shape_cast %mul3A_520 : vector<16xf32> to vector<1x16xf32>
        tpu.vector_store %arg12[%swap3A_523, %swap3A_524], %swap3A_527 {strides = array<i32>} : memref<128x128xf32, #tpu.memory_space<vmem>>, vector<1x16xf32>,
        %slice3A_528 = vector.extract_strided_slice %get3A_40 {offsets = [4], sizes = [1], strides = [1]} : vector<16xf32> to vector<1xf32>
        %squeeze3A_529 = vector.extract %slice3A_528[0] : f32 from vector<1xf32>
        %add3A_530 = arith.constant 4 : i32
        %add3A_531 = arith.addi %mul3A_42, %add3A_530 : i32
        %get3A_532 = arith.index_cast %add3A_531 : i32 to index
        %get3A_533 = arith.constant 0 : index
        %get3A_534 = tpu.vector_load %arg12[%get3A_532, %get3A_533] {strides = array<i32>} : memref<128x128xf32, #tpu.memory_space<vmem>>, vector<1x16xf32>,
        %get3A_535 = vector.shape_cast %get3A_534 : vector<1x16xf32> to vector<16xf32>
        %mul3A_536 = vector.broadcast %squeeze3A_529 : f32 to vector<16xf32>
        %mul3A_537 = arith.mulf %get3A_535, %mul3A_536 : vector<16xf32>
        %add3A_538 = arith.constant 4 : i32
        %add3A_539 = arith.addi %mul3A_42, %add3A_538 : i32
        %swap3A_540 = arith.index_cast %add3A_539 : i32 to index
        %swap3A_541 = arith.constant 0 : index
        %swap3A_542 = tpu.vector_load %arg12[%swap3A_540, %swap3A_541] {strides = array<i32>} : memref<128x128xf32, #tpu.memory_space<vmem>>, vector<1x16xf32>,
        %swap3A_543 = vector.shape_cast %swap3A_542 : vector<1x16xf32> to vector<16xf32>
        %swap3A_544 = vector.shape_cast %mul3A_537 : vector<16xf32> to vector<1x16xf32>
        tpu.vector_store %arg12[%swap3A_540, %swap3A_541], %swap3A_544 {strides = array<i32>} : memref<128x128xf32, #tpu.memory_space<vmem>>, vector<1x16xf32>,
        %add3A_545 = arith.constant 4 : i32
        %add3A_546 = arith.addi %mul3A_42, %add3A_545 : i32
        %get3A_547 = arith.index_cast %add3A_546 : i32 to index
        %get3A_548 = arith.constant 16 : index
        %get3A_549 = tpu.vector_load %arg12[%get3A_547, %get3A_548] {strides = array<i32>} : memref<128x128xf32, #tpu.memory_space<vmem>>, vector<1x16xf32>,
        %get3A_550 = vector.shape_cast %get3A_549 : vector<1x16xf32> to vector<16xf32>
        %mul3A_551 = vector.broadcast %squeeze3A_529 : f32 to vector<16xf32>
        %mul3A_552 = arith.mulf %get3A_550, %mul3A_551 : vector<16xf32>
        %add3A_553 = arith.constant 4 : i32
        %add3A_554 = arith.addi %mul3A_42, %add3A_553 : i32
        %swap3A_555 = arith.index_cast %add3A_554 : i32 to index
        %swap3A_556 = arith.constant 16 : index
        %swap3A_557 = tpu.vector_load %arg12[%swap3A_555, %swap3A_556] {strides = array<i32>} : memref<128x128xf32, #tpu.memory_space<vmem>>, vector<1x16xf32>,
        %swap3A_558 = vector.shape_cast %swap3A_557 : vector<1x16xf32> to vector<16xf32>
        %swap3A_559 = vector.shape_cast %mul3A_552 : vector<16xf32> to vector<1x16xf32>
        tpu.vector_store %arg12[%swap3A_555, %swap3A_556], %swap3A_559 {strides = array<i32>} : memref<128x128xf32, #tpu.memory_space<vmem>>, vector<1x16xf32>,
        %add3A_560 = arith.constant 4 : i32
        %add3A_561 = arith.addi %mul3A_42, %add3A_560 : i32
        %get3A_562 = arith.index_cast %add3A_561 : i32 to index
        %get3A_563 = arith.constant 32 : index
        %get3A_564 = tpu.vector_load %arg12[%get3A_562, %get3A_563] {strides = array<i32>} : memref<128x128xf32, #tpu.memory_space<vmem>>, vector<1x16xf32>,
        %get3A_565 = vector.shape_cast %get3A_564 : vector<1x16xf32> to vector<16xf32>
        %mul3A_566 = vector.broadcast %squeeze3A_529 : f32 to vector<16xf32>
        %mul3A_567 = arith.mulf %get3A_565, %mul3A_566 : vector<16xf32>
        %add3A_568 = arith.constant 4 : i32
        %add3A_569 = arith.addi %mul3A_42, %add3A_568 : i32
        %swap3A_570 = arith.index_cast %add3A_569 : i32 to index
        %swap3A_571 = arith.constant 32 : index
        %swap3A_572 = tpu.vector_load %arg12[%swap3A_570, %swap3A_571] {strides = array<i32>} : memref<128x128xf32, #tpu.memory_space<vmem>>, vector<1x16xf32>,
        %swap3A_573 = vector.shape_cast %swap3A_572 : vector<1x16xf32> to vector<16xf32>
        %swap3A_574 = vector.shape_cast %mul3A_567 : vector<16xf32> to vector<1x16xf32>
        tpu.vector_store %arg12[%swap3A_570, %swap3A_571], %swap3A_574 {strides = array<i32>} : memref<128x128xf32, #tpu.memory_space<vmem>>, vector<1x16xf32>,
        %add3A_575 = arith.constant 4 : i32
        %add3A_576 = arith.addi %mul3A_42, %add3A_575 : i32
        %get3A_577 = arith.index_cast %add3A_576 : i32 to index
        %get3A_578 = arith.constant 48 : index
        %get3A_579 = tpu.vector_load %arg12[%get3A_577, %get3A_578] {strides = array<i32>} : memref<128x128xf32, #tpu.memory_space<vmem>>, vector<1x16xf32>,
        %get3A_580 = vector.shape_cast %get3A_579 : vector<1x16xf32> to vector<16xf32>
        %mul3A_581 = vector.broadcast %squeeze3A_529 : f32 to vector<16xf32>
        %mul3A_582 = arith.mulf %get3A_580, %mul3A_581 : vector<16xf32>
        %add3A_583 = arith.constant 4 : i32
        %add3A_584 = arith.addi %mul3A_42, %add3A_583 : i32
        %swap3A_585 = arith.index_cast %add3A_584 : i32 to index
        %swap3A_586 = arith.constant 48 : index
        %swap3A_587 = tpu.vector_load %arg12[%swap3A_585, %swap3A_586] {strides = array<i32>} : memref<128x128xf32, #tpu.memory_space<vmem>>, vector<1x16xf32>,
        %swap3A_588 = vector.shape_cast %swap3A_587 : vector<1x16xf32> to vector<16xf32>
        %swap3A_589 = vector.shape_cast %mul3A_582 : vector<16xf32> to vector<1x16xf32>
        tpu.vector_store %arg12[%swap3A_585, %swap3A_586], %swap3A_589 {strides = array<i32>} : memref<128x128xf32, #tpu.memory_space<vmem>>, vector<1x16xf32>,
        %add3A_590 = arith.constant 4 : i32
        %add3A_591 = arith.addi %mul3A_42, %add3A_590 : i32
        %get3A_592 = arith.index_cast %add3A_591 : i32 to index
        %get3A_593 = arith.constant 64 : index
        %get3A_594 = tpu.vector_load %arg12[%get3A_592, %get3A_593] {strides = array<i32>} : memref<128x128xf32, #tpu.memory_space<vmem>>, vector<1x16xf32>,
        %get3A_595 = vector.shape_cast %get3A_594 : vector<1x16xf32> to vector<16xf32>
        %mul3A_596 = vector.broadcast %squeeze3A_529 : f32 to vector<16xf32>
        %mul3A_597 = arith.mulf %get3A_595, %mul3A_596 : vector<16xf32>
        %add3A_598 = arith.constant 4 : i32
        %add3A_599 = arith.addi %mul3A_42, %add3A_598 : i32
        %swap3A_600 = arith.index_cast %add3A_599 : i32 to index
        %swap3A_601 = arith.constant 64 : index
        %swap3A_602 = tpu.vector_load %arg12[%swap3A_600, %swap3A_601] {strides = array<i32>} : memref<128x128xf32, #tpu.memory_space<vmem>>, vector<1x16xf32>,
        %swap3A_603 = vector.shape_cast %swap3A_602 : vector<1x16xf32> to vector<16xf32>
        %swap3A_604 = vector.shape_cast %mul3A_597 : vector<16xf32> to vector<1x16xf32>
        tpu.vector_store %arg12[%swap3A_600, %swap3A_601], %swap3A_604 {strides = array<i32>} : memref<128x128xf32, #tpu.memory_space<vmem>>, vector<1x16xf32>,
        %add3A_605 = arith.constant 4 : i32
        %add3A_606 = arith.addi %mul3A_42, %add3A_605 : i32
        %get3A_607 = arith.index_cast %add3A_606 : i32 to index
        %get3A_608 = arith.constant 80 : index
        %get3A_609 = tpu.vector_load %arg12[%get3A_607, %get3A_608] {strides = array<i32>} : memref<128x128xf32, #tpu.memory_space<vmem>>, vector<1x16xf32>,
        %get3A_610 = vector.shape_cast %get3A_609 : vector<1x16xf32> to vector<16xf32>
        %mul3A_611 = vector.broadcast %squeeze3A_529 : f32 to vector<16xf32>
        %mul3A_612 = arith.mulf %get3A_610, %mul3A_611 : vector<16xf32>
        %add3A_613 = arith.constant 4 : i32
        %add3A_614 = arith.addi %mul3A_42, %add3A_613 : i32
        %swap3A_615 = arith.index_cast %add3A_614 : i32 to index
        %swap3A_616 = arith.constant 80 : index
        %swap3A_617 = tpu.vector_load %arg12[%swap3A_615, %swap3A_616] {strides = array<i32>} : memref<128x128xf32, #tpu.memory_space<vmem>>, vector<1x16xf32>,
        %swap3A_618 = vector.shape_cast %swap3A_617 : vector<1x16xf32> to vector<16xf32>
        %swap3A_619 = vector.shape_cast %mul3A_612 : vector<16xf32> to vector<1x16xf32>
        tpu.vector_store %arg12[%swap3A_615, %swap3A_616], %swap3A_619 {strides = array<i32>} : memref<128x128xf32, #tpu.memory_space<vmem>>, vector<1x16xf32>,
        %add3A_620 = arith.constant 4 : i32
        %add3A_621 = arith.addi %mul3A_42, %add3A_620 : i32
        %get3A_622 = arith.index_cast %add3A_621 : i32 to index
        %get3A_623 = arith.constant 96 : index
        %get3A_624 = tpu.vector_load %arg12[%get3A_622, %get3A_623] {strides = array<i32>} : memref<128x128xf32, #tpu.memory_space<vmem>>, vector<1x16xf32>,
        %get3A_625 = vector.shape_cast %get3A_624 : vector<1x16xf32> to vector<16xf32>
        %mul3A_626 = vector.broadcast %squeeze3A_529 : f32 to vector<16xf32>
        %mul3A_627 = arith.mulf %get3A_625, %mul3A_626 : vector<16xf32>
        %add3A_628 = arith.constant 4 : i32
        %add3A_629 = arith.addi %mul3A_42, %add3A_628 : i32
        %swap3A_630 = arith.index_cast %add3A_629 : i32 to index
        %swap3A_631 = arith.constant 96 : index
        %swap3A_632 = tpu.vector_load %arg12[%swap3A_630, %swap3A_631] {strides = array<i32>} : memref<128x128xf32, #tpu.memory_space<vmem>>, vector<1x16xf32>,
        %swap3A_633 = vector.shape_cast %swap3A_632 : vector<1x16xf32> to vector<16xf32>
        %swap3A_634 = vector.shape_cast %mul3A_627 : vector<16xf32> to vector<1x16xf32>
        tpu.vector_store %arg12[%swap3A_630, %swap3A_631], %swap3A_634 {strides = array<i32>} : memref<128x128xf32, #tpu.memory_space<vmem>>, vector<1x16xf32>,
        %add3A_635 = arith.constant 4 : i32
        %add3A_636 = arith.addi %mul3A_42, %add3A_635 : i32
        %get3A_637 = arith.index_cast %add3A_636 : i32 to index
        %get3A_638 = arith.constant 112 : index
        %get3A_639 = tpu.vector_load %arg12[%get3A_637, %get3A_638] {strides = array<i32>} : memref<128x128xf32, #tpu.memory_space<vmem>>, vector<1x16xf32>,
        %get3A_640 = vector.shape_cast %get3A_639 : vector<1x16xf32> to vector<16xf32>
        %mul3A_641 = vector.broadcast %squeeze3A_529 : f32 to vector<16xf32>
        %mul3A_642 = arith.mulf %get3A_640, %mul3A_641 : vector<16xf32>
        %add3A_643 = arith.constant 4 : i32
        %add3A_644 = arith.addi %mul3A_42, %add3A_643 : i32
        %swap3A_645 = arith.index_cast %add3A_644 : i32 to index
        %swap3A_646 = arith.constant 112 : index
        %swap3A_647 = tpu.vector_load %arg12[%swap3A_645, %swap3A_646] {strides = array<i32>} : memref<128x128xf32, #tpu.memory_space<vmem>>, vector<1x16xf32>,
        %swap3A_648 = vector.shape_cast %swap3A_647 : vector<1x16xf32> to vector<16xf32>
        %swap3A_649 = vector.shape_cast %mul3A_642 : vector<16xf32> to vector<1x16xf32>
        tpu.vector_store %arg12[%swap3A_645, %swap3A_646], %swap3A_649 {strides = array<i32>} : memref<128x128xf32, #tpu.memory_space<vmem>>, vector<1x16xf32>,
        %slice3A_650 = vector.extract_strided_slice %get3A_40 {offsets = [5], sizes = [1], strides = [1]} : vector<16xf32> to vector<1xf32>
        %squeeze3A_651 = vector.extract %slice3A_650[0] : f32 from vector<1xf32>
        %add3A_652 = arith.constant 5 : i32
        %add3A_653 = arith.addi %mul3A_42, %add3A_652 : i32
        %get3A_654 = arith.index_cast %add3A_653 : i32 to index
        %get3A_655 = arith.constant 0 : index
        %get3A_656 = tpu.vector_load %arg12[%get3A_654, %get3A_655] {strides = array<i32>} : memref<128x128xf32, #tpu.memory_space<vmem>>, vector<1x16xf32>,
        %get3A_657 = vector.shape_cast %get3A_656 : vector<1x16xf32> to vector<16xf32>
        %mul3A_658 = vector.broadcast %squeeze3A_651 : f32 to vector<16xf32>
        %mul3A_659 = arith.mulf %get3A_657, %mul3A_658 : vector<16xf32>
        %add3A_660 = arith.constant 5 : i32
        %add3A_661 = arith.addi %mul3A_42, %add3A_660 : i32
        %swap3A_662 = arith.index_cast %add3A_661 : i32 to index
        %swap3A_663 = arith.constant 0 : index
        %swap3A_664 = tpu.vector_load %arg12[%swap3A_662, %swap3A_663] {strides = array<i32>} : memref<128x128xf32, #tpu.memory_space<vmem>>, vector<1x16xf32>,
        %swap3A_665 = vector.shape_cast %swap3A_664 : vector<1x16xf32> to vector<16xf32>
        %swap3A_666 = vector.shape_cast %mul3A_659 : vector<16xf32> to vector<1x16xf32>
        tpu.vector_store %arg12[%swap3A_662, %swap3A_663], %swap3A_666 {strides = array<i32>} : memref<128x128xf32, #tpu.memory_space<vmem>>, vector<1x16xf32>,
        %add3A_667 = arith.constant 5 : i32
        %add3A_668 = arith.addi %mul3A_42, %add3A_667 : i32
        %get3A_669 = arith.index_cast %add3A_668 : i32 to index
        %get3A_670 = arith.constant 16 : index
        %get3A_671 = tpu.vector_load %arg12[%get3A_669, %get3A_670] {strides = array<i32>} : memref<128x128xf32, #tpu.memory_space<vmem>>, vector<1x16xf32>,
        %get3A_672 = vector.shape_cast %get3A_671 : vector<1x16xf32> to vector<16xf32>
        %mul3A_673 = vector.broadcast %squeeze3A_651 : f32 to vector<16xf32>
        %mul3A_674 = arith.mulf %get3A_672, %mul3A_673 : vector<16xf32>
        %add3A_675 = arith.constant 5 : i32
        %add3A_676 = arith.addi %mul3A_42, %add3A_675 : i32
        %swap3A_677 = arith.index_cast %add3A_676 : i32 to index
        %swap3A_678 = arith.constant 16 : index
        %swap3A_679 = tpu.vector_load %arg12[%swap3A_677, %swap3A_678] {strides = array<i32>} : memref<128x128xf32, #tpu.memory_space<vmem>>, vector<1x16xf32>,
        %swap3A_680 = vector.shape_cast %swap3A_679 : vector<1x16xf32> to vector<16xf32>
        %swap3A_681 = vector.shape_cast %mul3A_674 : vector<16xf32> to vector<1x16xf32>
        tpu.vector_store %arg12[%swap3A_677, %swap3A_678], %swap3A_681 {strides = array<i32>} : memref<128x128xf32, #tpu.memory_space<vmem>>, vector<1x16xf32>,
        %add3A_682 = arith.constant 5 : i32
        %add3A_683 = arith.addi %mul3A_42, %add3A_682 : i32
        %get3A_684 = arith.index_cast %add3A_683 : i32 to index
        %get3A_685 = arith.constant 32 : index
        %get3A_686 = tpu.vector_load %arg12[%get3A_684, %get3A_685] {strides = array<i32>} : memref<128x128xf32, #tpu.memory_space<vmem>>, vector<1x16xf32>,
        %get3A_687 = vector.shape_cast %get3A_686 : vector<1x16xf32> to vector<16xf32>
        %mul3A_688 = vector.broadcast %squeeze3A_651 : f32 to vector<16xf32>
        %mul3A_689 = arith.mulf %get3A_687, %mul3A_688 : vector<16xf32>
        %add3A_690 = arith.constant 5 : i32
        %add3A_691 = arith.addi %mul3A_42, %add3A_690 : i32
        %swap3A_692 = arith.index_cast %add3A_691 : i32 to index
        %swap3A_693 = arith.constant 32 : index
        %swap3A_694 = tpu.vector_load %arg12[%swap3A_692, %swap3A_693] {strides = array<i32>} : memref<128x128xf32, #tpu.memory_space<vmem>>, vector<1x16xf32>,
        %swap3A_695 = vector.shape_cast %swap3A_694 : vector<1x16xf32> to vector<16xf32>
        %swap3A_696 = vector.shape_cast %mul3A_689 : vector<16xf32> to vector<1x16xf32>
        tpu.vector_store %arg12[%swap3A_692, %swap3A_693], %swap3A_696 {strides = array<i32>} : memref<128x128xf32, #tpu.memory_space<vmem>>, vector<1x16xf32>,
        %add3A_697 = arith.constant 5 : i32
        %add3A_698 = arith.addi %mul3A_42, %add3A_697 : i32
        %get3A_699 = arith.index_cast %add3A_698 : i32 to index
        %get3A_700 = arith.constant 48 : index
        %get3A_701 = tpu.vector_load %arg12[%get3A_699, %get3A_700] {strides = array<i32>} : memref<128x128xf32, #tpu.memory_space<vmem>>, vector<1x16xf32>,
        %get3A_702 = vector.shape_cast %get3A_701 : vector<1x16xf32> to vector<16xf32>
        %mul3A_703 = vector.broadcast %squeeze3A_651 : f32 to vector<16xf32>
        %mul3A_704 = arith.mulf %get3A_702, %mul3A_703 : vector<16xf32>
        %add3A_705 = arith.constant 5 : i32
        %add3A_706 = arith.addi %mul3A_42, %add3A_705 : i32
        %swap3A_707 = arith.index_cast %add3A_706 : i32 to index
        %swap3A_708 = arith.constant 48 : index
        %swap3A_709 = tpu.vector_load %arg12[%swap3A_707, %swap3A_708] {strides = array<i32>} : memref<128x128xf32, #tpu.memory_space<vmem>>, vector<1x16xf32>,
        %swap3A_710 = vector.shape_cast %swap3A_709 : vector<1x16xf32> to vector<16xf32>
        %swap3A_711 = vector.shape_cast %mul3A_704 : vector<16xf32> to vector<1x16xf32>
        tpu.vector_store %arg12[%swap3A_707, %swap3A_708], %swap3A_711 {strides = array<i32>} : memref<128x128xf32, #tpu.memory_space<vmem>>, vector<1x16xf32>,
        %add3A_712 = arith.constant 5 : i32
        %add3A_713 = arith.addi %mul3A_42, %add3A_712 : i32
        %get3A_714 = arith.index_cast %add3A_713 : i32 to index
        %get3A_715 = arith.constant 64 : index
        %get3A_716 = tpu.vector_load %arg12[%get3A_714, %get3A_715] {strides = array<i32>} : memref<128x128xf32, #tpu.memory_space<vmem>>, vector<1x16xf32>,
        %get3A_717 = vector.shape_cast %get3A_716 : vector<1x16xf32> to vector<16xf32>
        %mul3A_718 = vector.broadcast %squeeze3A_651 : f32 to vector<16xf32>
        %mul3A_719 = arith.mulf %get3A_717, %mul3A_718 : vector<16xf32>
        %add3A_720 = arith.constant 5 : i32
        %add3A_721 = arith.addi %mul3A_42, %add3A_720 : i32
        %swap3A_722 = arith.index_cast %add3A_721 : i32 to index
        %swap3A_723 = arith.constant 64 : index
        %swap3A_724 = tpu.vector_load %arg12[%swap3A_722, %swap3A_723] {strides = array<i32>} : memref<128x128xf32, #tpu.memory_space<vmem>>, vector<1x16xf32>,
        %swap3A_725 = vector.shape_cast %swap3A_724 : vector<1x16xf32> to vector<16xf32>
        %swap3A_726 = vector.shape_cast %mul3A_719 : vector<16xf32> to vector<1x16xf32>
        tpu.vector_store %arg12[%swap3A_722, %swap3A_723], %swap3A_726 {strides = array<i32>} : memref<128x128xf32, #tpu.memory_space<vmem>>, vector<1x16xf32>,
        %add3A_727 = arith.constant 5 : i32
        %add3A_728 = arith.addi %mul3A_42, %add3A_727 : i32
        %get3A_729 = arith.index_cast %add3A_728 : i32 to index
        %get3A_730 = arith.constant 80 : index
        %get3A_731 = tpu.vector_load %arg12[%get3A_729, %get3A_730] {strides = array<i32>} : memref<128x128xf32, #tpu.memory_space<vmem>>, vector<1x16xf32>,
        %get3A_732 = vector.shape_cast %get3A_731 : vector<1x16xf32> to vector<16xf32>
        %mul3A_733 = vector.broadcast %squeeze3A_651 : f32 to vector<16xf32>
        %mul3A_734 = arith.mulf %get3A_732, %mul3A_733 : vector<16xf32>
        %add3A_735 = arith.constant 5 : i32
        %add3A_736 = arith.addi %mul3A_42, %add3A_735 : i32
        %swap3A_737 = arith.index_cast %add3A_736 : i32 to index
        %swap3A_738 = arith.constant 80 : index
        %swap3A_739 = tpu.vector_load %arg12[%swap3A_737, %swap3A_738] {strides = array<i32>} : memref<128x128xf32, #tpu.memory_space<vmem>>, vector<1x16xf32>,
        %swap3A_740 = vector.shape_cast %swap3A_739 : vector<1x16xf32> to vector<16xf32>
        %swap3A_741 = vector.shape_cast %mul3A_734 : vector<16xf32> to vector<1x16xf32>
        tpu.vector_store %arg12[%swap3A_737, %swap3A_738], %swap3A_741 {strides = array<i32>} : memref<128x128xf32, #tpu.memory_space<vmem>>, vector<1x16xf32>,
        %add3A_742 = arith.constant 5 : i32
        %add3A_743 = arith.addi %mul3A_42, %add3A_742 : i32
        %get3A_744 = arith.index_cast %add3A_743 : i32 to index
        %get3A_745 = arith.constant 96 : index
        %get3A_746 = tpu.vector_load %arg12[%get3A_744, %get3A_745] {strides = array<i32>} : memref<128x128xf32, #tpu.memory_space<vmem>>, vector<1x16xf32>,
        %get3A_747 = vector.shape_cast %get3A_746 : vector<1x16xf32> to vector<16xf32>
        %mul3A_748 = vector.broadcast %squeeze3A_651 : f32 to vector<16xf32>
        %mul3A_749 = arith.mulf %get3A_747, %mul3A_748 : vector<16xf32>
        %add3A_750 = arith.constant 5 : i32
        %add3A_751 = arith.addi %mul3A_42, %add3A_750 : i32
        %swap3A_752 = arith.index_cast %add3A_751 : i32 to index
        %swap3A_753 = arith.constant 96 : index
        %swap3A_754 = tpu.vector_load %arg12[%swap3A_752, %swap3A_753] {strides = array<i32>} : memref<128x128xf32, #tpu.memory_space<vmem>>, vector<1x16xf32>,
        %swap3A_755 = vector.shape_cast %swap3A_754 : vector<1x16xf32> to vector<16xf32>
        %swap3A_756 = vector.shape_cast %mul3A_749 : vector<16xf32> to vector<1x16xf32>
        tpu.vector_store %arg12[%swap3A_752, %swap3A_753], %swap3A_756 {strides = array<i32>} : memref<128x128xf32, #tpu.memory_space<vmem>>, vector<1x16xf32>,
        %add3A_757 = arith.constant 5 : i32
        %add3A_758 = arith.addi %mul3A_42, %add3A_757 : i32
        %get3A_759 = arith.index_cast %add3A_758 : i32 to index
        %get3A_760 = arith.constant 112 : index
        %get3A_761 = tpu.vector_load %arg12[%get3A_759, %get3A_760] {strides = array<i32>} : memref<128x128xf32, #tpu.memory_space<vmem>>, vector<1x16xf32>,
        %get3A_762 = vector.shape_cast %get3A_761 : vector<1x16xf32> to vector<16xf32>
        %mul3A_763 = vector.broadcast %squeeze3A_651 : f32 to vector<16xf32>
        %mul3A_764 = arith.mulf %get3A_762, %mul3A_763 : vector<16xf32>
        %add3A_765 = arith.constant 5 : i32
        %add3A_766 = arith.addi %mul3A_42, %add3A_765 : i32
        %swap3A_767 = arith.index_cast %add3A_766 : i32 to index
        %swap3A_768 = arith.constant 112 : index
        %swap3A_769 = tpu.vector_load %arg12[%swap3A_767, %swap3A_768] {strides = array<i32>} : memref<128x128xf32, #tpu.memory_space<vmem>>, vector<1x16xf32>,
        %swap3A_770 = vector.shape_cast %swap3A_769 : vector<1x16xf32> to vector<16xf32>
        %swap3A_771 = vector.shape_cast %mul3A_764 : vector<16xf32> to vector<1x16xf32>
        tpu.vector_store %arg12[%swap3A_767, %swap3A_768], %swap3A_771 {strides = array<i32>} : memref<128x128xf32, #tpu.memory_space<vmem>>, vector<1x16xf32>,
        %slice3A_772 = vector.extract_strided_slice %get3A_40 {offsets = [6], sizes = [1], strides = [1]} : vector<16xf32> to vector<1xf32>
        %squeeze3A_773 = vector.extract %slice3A_772[0] : f32 from vector<1xf32>
        %add3A_774 = arith.constant 6 : i32
        %add3A_775 = arith.addi %mul3A_42, %add3A_774 : i32
        %get3A_776 = arith.index_cast %add3A_775 : i32 to index
        %get3A_777 = arith.constant 0 : index
        %get3A_778 = tpu.vector_load %arg12[%get3A_776, %get3A_777] {strides = array<i32>} : memref<128x128xf32, #tpu.memory_space<vmem>>, vector<1x16xf32>,
        %get3A_779 = vector.shape_cast %get3A_778 : vector<1x16xf32> to vector<16xf32>
        %mul3A_780 = vector.broadcast %squeeze3A_773 : f32 to vector<16xf32>
        %mul3A_781 = arith.mulf %get3A_779, %mul3A_780 : vector<16xf32>
        %add3A_782 = arith.constant 6 : i32
        %add3A_783 = arith.addi %mul3A_42, %add3A_782 : i32
        %swap3A_784 = arith.index_cast %add3A_783 : i32 to index
        %swap3A_785 = arith.constant 0 : index
        %swap3A_786 = tpu.vector_load %arg12[%swap3A_784, %swap3A_785] {strides = array<i32>} : memref<128x128xf32, #tpu.memory_space<vmem>>, vector<1x16xf32>,
        %swap3A_787 = vector.shape_cast %swap3A_786 : vector<1x16xf32> to vector<16xf32>
        %swap3A_788 = vector.shape_cast %mul3A_781 : vector<16xf32> to vector<1x16xf32>
        tpu.vector_store %arg12[%swap3A_784, %swap3A_785], %swap3A_788 {strides = array<i32>} : memref<128x128xf32, #tpu.memory_space<vmem>>, vector<1x16xf32>,
        %add3A_789 = arith.constant 6 : i32
        %add3A_790 = arith.addi %mul3A_42, %add3A_789 : i32
        %get3A_791 = arith.index_cast %add3A_790 : i32 to index
        %get3A_792 = arith.constant 16 : index
        %get3A_793 = tpu.vector_load %arg12[%get3A_791, %get3A_792] {strides = array<i32>} : memref<128x128xf32, #tpu.memory_space<vmem>>, vector<1x16xf32>,
        %get3A_794 = vector.shape_cast %get3A_793 : vector<1x16xf32> to vector<16xf32>
        %mul3A_795 = vector.broadcast %squeeze3A_773 : f32 to vector<16xf32>
        %mul3A_796 = arith.mulf %get3A_794, %mul3A_795 : vector<16xf32>
        %add3A_797 = arith.constant 6 : i32
        %add3A_798 = arith.addi %mul3A_42, %add3A_797 : i32
        %swap3A_799 = arith.index_cast %add3A_798 : i32 to index
        %swap3A_800 = arith.constant 16 : index
        %swap3A_801 = tpu.vector_load %arg12[%swap3A_799, %swap3A_800] {strides = array<i32>} : memref<128x128xf32, #tpu.memory_space<vmem>>, vector<1x16xf32>,
        %swap3A_802 = vector.shape_cast %swap3A_801 : vector<1x16xf32> to vector<16xf32>
        %swap3A_803 = vector.shape_cast %mul3A_796 : vector<16xf32> to vector<1x16xf32>
        tpu.vector_store %arg12[%swap3A_799, %swap3A_800], %swap3A_803 {strides = array<i32>} : memref<128x128xf32, #tpu.memory_space<vmem>>, vector<1x16xf32>,
        %add3A_804 = arith.constant 6 : i32
        %add3A_805 = arith.addi %mul3A_42, %add3A_804 : i32
        %get3A_806 = arith.index_cast %add3A_805 : i32 to index
        %get3A_807 = arith.constant 32 : index
        %get3A_808 = tpu.vector_load %arg12[%get3A_806, %get3A_807] {strides = array<i32>} : memref<128x128xf32, #tpu.memory_space<vmem>>, vector<1x16xf32>,
        %get3A_809 = vector.shape_cast %get3A_808 : vector<1x16xf32> to vector<16xf32>
        %mul3A_810 = vector.broadcast %squeeze3A_773 : f32 to vector<16xf32>
        %mul3A_811 = arith.mulf %get3A_809, %mul3A_810 : vector<16xf32>
        %add3A_812 = arith.constant 6 : i32
        %add3A_813 = arith.addi %mul3A_42, %add3A_812 : i32
        %swap3A_814 = arith.index_cast %add3A_813 : i32 to index
        %swap3A_815 = arith.constant 32 : index
        %swap3A_816 = tpu.vector_load %arg12[%swap3A_814, %swap3A_815] {strides = array<i32>} : memref<128x128xf32, #tpu.memory_space<vmem>>, vector<1x16xf32>,
        %swap3A_817 = vector.shape_cast %swap3A_816 : vector<1x16xf32> to vector<16xf32>
        %swap3A_818 = vector.shape_cast %mul3A_811 : vector<16xf32> to vector<1x16xf32>
        tpu.vector_store %arg12[%swap3A_814, %swap3A_815], %swap3A_818 {strides = array<i32>} : memref<128x128xf32, #tpu.memory_space<vmem>>, vector<1x16xf32>,
        %add3A_819 = arith.constant 6 : i32
        %add3A_820 = arith.addi %mul3A_42, %add3A_819 : i32
        %get3A_821 = arith.index_cast %add3A_820 : i32 to index
        %get3A_822 = arith.constant 48 : index
        %get3A_823 = tpu.vector_load %arg12[%get3A_821, %get3A_822] {strides = array<i32>} : memref<128x128xf32, #tpu.memory_space<vmem>>, vector<1x16xf32>,
        %get3A_824 = vector.shape_cast %get3A_823 : vector<1x16xf32> to vector<16xf32>
        %mul3A_825 = vector.broadcast %squeeze3A_773 : f32 to vector<16xf32>
        %mul3A_826 = arith.mulf %get3A_824, %mul3A_825 : vector<16xf32>
        %add3A_827 = arith.constant 6 : i32
        %add3A_828 = arith.addi %mul3A_42, %add3A_827 : i32
        %swap3A_829 = arith.index_cast %add3A_828 : i32 to index
        %swap3A_830 = arith.constant 48 : index
        %swap3A_831 = tpu.vector_load %arg12[%swap3A_829, %swap3A_830] {strides = array<i32>} : memref<128x128xf32, #tpu.memory_space<vmem>>, vector<1x16xf32>,
        %swap3A_832 = vector.shape_cast %swap3A_831 : vector<1x16xf32> to vector<16xf32>
        %swap3A_833 = vector.shape_cast %mul3A_826 : vector<16xf32> to vector<1x16xf32>
        tpu.vector_store %arg12[%swap3A_829, %swap3A_830], %swap3A_833 {strides = array<i32>} : memref<128x128xf32, #tpu.memory_space<vmem>>, vector<1x16xf32>,
        %add3A_834 = arith.constant 6 : i32
        %add3A_835 = arith.addi %mul3A_42, %add3A_834 : i32
        %get3A_836 = arith.index_cast %add3A_835 : i32 to index
        %get3A_837 = arith.constant 64 : index
        %get3A_838 = tpu.vector_load %arg12[%get3A_836, %get3A_837] {strides = array<i32>} : memref<128x128xf32, #tpu.memory_space<vmem>>, vector<1x16xf32>,
        %get3A_839 = vector.shape_cast %get3A_838 : vector<1x16xf32> to vector<16xf32>
        %mul3A_840 = vector.broadcast %squeeze3A_773 : f32 to vector<16xf32>
        %mul3A_841 = arith.mulf %get3A_839, %mul3A_840 : vector<16xf32>
        %add3A_842 = arith.constant 6 : i32
        %add3A_843 = arith.addi %mul3A_42, %add3A_842 : i32
        %swap3A_844 = arith.index_cast %add3A_843 : i32 to index
        %swap3A_845 = arith.constant 64 : index
        %swap3A_846 = tpu.vector_load %arg12[%swap3A_844, %swap3A_845] {strides = array<i32>} : memref<128x128xf32, #tpu.memory_space<vmem>>, vector<1x16xf32>,
        %swap3A_847 = vector.shape_cast %swap3A_846 : vector<1x16xf32> to vector<16xf32>
        %swap3A_848 = vector.shape_cast %mul3A_841 : vector<16xf32> to vector<1x16xf32>
        tpu.vector_store %arg12[%swap3A_844, %swap3A_845], %swap3A_848 {strides = array<i32>} : memref<128x128xf32, #tpu.memory_space<vmem>>, vector<1x16xf32>,
        %add3A_849 = arith.constant 6 : i32
        %add3A_850 = arith.addi %mul3A_42, %add3A_849 : i32
        %get3A_851 = arith.index_cast %add3A_850 : i32 to index
        %get3A_852 = arith.constant 80 : index
        %get3A_853 = tpu.vector_load %arg12[%get3A_851, %get3A_852] {strides = array<i32>} : memref<128x128xf32, #tpu.memory_space<vmem>>, vector<1x16xf32>,
        %get3A_854 = vector.shape_cast %get3A_853 : vector<1x16xf32> to vector<16xf32>
        %mul3A_855 = vector.broadcast %squeeze3A_773 : f32 to vector<16xf32>
        %mul3A_856 = arith.mulf %get3A_854, %mul3A_855 : vector<16xf32>
        %add3A_857 = arith.constant 6 : i32
        %add3A_858 = arith.addi %mul3A_42, %add3A_857 : i32
        %swap3A_859 = arith.index_cast %add3A_858 : i32 to index
        %swap3A_860 = arith.constant 80 : index
        %swap3A_861 = tpu.vector_load %arg12[%swap3A_859, %swap3A_860] {strides = array<i32>} : memref<128x128xf32, #tpu.memory_space<vmem>>, vector<1x16xf32>,
        %swap3A_862 = vector.shape_cast %swap3A_861 : vector<1x16xf32> to vector<16xf32>
        %swap3A_863 = vector.shape_cast %mul3A_856 : vector<16xf32> to vector<1x16xf32>
        tpu.vector_store %arg12[%swap3A_859, %swap3A_860], %swap3A_863 {strides = array<i32>} : memref<128x128xf32, #tpu.memory_space<vmem>>, vector<1x16xf32>,
        %add3A_864 = arith.constant 6 : i32
        %add3A_865 = arith.addi %mul3A_42, %add3A_864 : i32
        %get3A_866 = arith.index_cast %add3A_865 : i32 to index
        %get3A_867 = arith.constant 96 : index
        %get3A_868 = tpu.vector_load %arg12[%get3A_866, %get3A_867] {strides = array<i32>} : memref<128x128xf32, #tpu.memory_space<vmem>>, vector<1x16xf32>,
        %get3A_869 = vector.shape_cast %get3A_868 : vector<1x16xf32> to vector<16xf32>
        %mul3A_870 = vector.broadcast %squeeze3A_773 : f32 to vector<16xf32>
        %mul3A_871 = arith.mulf %get3A_869, %mul3A_870 : vector<16xf32>
        %add3A_872 = arith.constant 6 : i32
        %add3A_873 = arith.addi %mul3A_42, %add3A_872 : i32
        %swap3A_874 = arith.index_cast %add3A_873 : i32 to index
        %swap3A_875 = arith.constant 96 : index
        %swap3A_876 = tpu.vector_load %arg12[%swap3A_874, %swap3A_875] {strides = array<i32>} : memref<128x128xf32, #tpu.memory_space<vmem>>, vector<1x16xf32>,
        %swap3A_877 = vector.shape_cast %swap3A_876 : vector<1x16xf32> to vector<16xf32>
        %swap3A_878 = vector.shape_cast %mul3A_871 : vector<16xf32> to vector<1x16xf32>
        tpu.vector_store %arg12[%swap3A_874, %swap3A_875], %swap3A_878 {strides = array<i32>} : memref<128x128xf32, #tpu.memory_space<vmem>>, vector<1x16xf32>,
        %add3A_879 = arith.constant 6 : i32
        %add3A_880 = arith.addi %mul3A_42, %add3A_879 : i32
        %get3A_881 = arith.index_cast %add3A_880 : i32 to index
        %get3A_882 = arith.constant 112 : index
        %get3A_883 = tpu.vector_load %arg12[%get3A_881, %get3A_882] {strides = array<i32>} : memref<128x128xf32, #tpu.memory_space<vmem>>, vector<1x16xf32>,
        %get3A_884 = vector.shape_cast %get3A_883 : vector<1x16xf32> to vector<16xf32>
        %mul3A_885 = vector.broadcast %squeeze3A_773 : f32 to vector<16xf32>
        %mul3A_886 = arith.mulf %get3A_884, %mul3A_885 : vector<16xf32>
        %add3A_887 = arith.constant 6 : i32
        %add3A_888 = arith.addi %mul3A_42, %add3A_887 : i32
        %swap3A_889 = arith.index_cast %add3A_888 : i32 to index
        %swap3A_890 = arith.constant 112 : index
        %swap3A_891 = tpu.vector_load %arg12[%swap3A_889, %swap3A_890] {strides = array<i32>} : memref<128x128xf32, #tpu.memory_space<vmem>>, vector<1x16xf32>,
        %swap3A_892 = vector.shape_cast %swap3A_891 : vector<1x16xf32> to vector<16xf32>
        %swap3A_893 = vector.shape_cast %mul3A_886 : vector<16xf32> to vector<1x16xf32>
        tpu.vector_store %arg12[%swap3A_889, %swap3A_890], %swap3A_893 {strides = array<i32>} : memref<128x128xf32, #tpu.memory_space<vmem>>, vector<1x16xf32>,
        %slice3A_894 = vector.extract_strided_slice %get3A_40 {offsets = [7], sizes = [1], strides = [1]} : vector<16xf32> to vector<1xf32>
        %squeeze3A_895 = vector.extract %slice3A_894[0] : f32 from vector<1xf32>
        %add3A_896 = arith.constant 7 : i32
        %add3A_897 = arith.addi %mul3A_42, %add3A_896 : i32
        %get3A_898 = arith.index_cast %add3A_897 : i32 to index
        %get3A_899 = arith.constant 0 : index
        %get3A_900 = tpu.vector_load %arg12[%get3A_898, %get3A_899] {strides = array<i32>} : memref<128x128xf32, #tpu.memory_space<vmem>>, vector<1x16xf32>,
        %get3A_901 = vector.shape_cast %get3A_900 : vector<1x16xf32> to vector<16xf32>
        %mul3A_902 = vector.broadcast %squeeze3A_895 : f32 to vector<16xf32>
        %mul3A_903 = arith.mulf %get3A_901, %mul3A_902 : vector<16xf32>
        %add3A_904 = arith.constant 7 : i32
        %add3A_905 = arith.addi %mul3A_42, %add3A_904 : i32
        %swap3A_906 = arith.index_cast %add3A_905 : i32 to index
        %swap3A_907 = arith.constant 0 : index
        %swap3A_908 = tpu.vector_load %arg12[%swap3A_906, %swap3A_907] {strides = array<i32>} : memref<128x128xf32, #tpu.memory_space<vmem>>, vector<1x16xf32>,
        %swap3A_909 = vector.shape_cast %swap3A_908 : vector<1x16xf32> to vector<16xf32>
        %swap3A_910 = vector.shape_cast %mul3A_903 : vector<16xf32> to vector<1x16xf32>
        tpu.vector_store %arg12[%swap3A_906, %swap3A_907], %swap3A_910 {strides = array<i32>} : memref<128x128xf32, #tpu.memory_space<vmem>>, vector<1x16xf32>,
        %add3A_911 = arith.constant 7 : i32
        %add3A_912 = arith.addi %mul3A_42, %add3A_911 : i32
        %get3A_913 = arith.index_cast %add3A_912 : i32 to index
        %get3A_914 = arith.constant 16 : index
        %get3A_915 = tpu.vector_load %arg12[%get3A_913, %get3A_914] {strides = array<i32>} : memref<128x128xf32, #tpu.memory_space<vmem>>, vector<1x16xf32>,
        %get3A_916 = vector.shape_cast %get3A_915 : vector<1x16xf32> to vector<16xf32>
        %mul3A_917 = vector.broadcast %squeeze3A_895 : f32 to vector<16xf32>
        %mul3A_918 = arith.mulf %get3A_916, %mul3A_917 : vector<16xf32>
        %add3A_919 = arith.constant 7 : i32
        %add3A_920 = arith.addi %mul3A_42, %add3A_919 : i32
        %swap3A_921 = arith.index_cast %add3A_920 : i32 to index
        %swap3A_922 = arith.constant 16 : index
        %swap3A_923 = tpu.vector_load %arg12[%swap3A_921, %swap3A_922] {strides = array<i32>} : memref<128x128xf32, #tpu.memory_space<vmem>>, vector<1x16xf32>,
        %swap3A_924 = vector.shape_cast %swap3A_923 : vector<1x16xf32> to vector<16xf32>
        %swap3A_925 = vector.shape_cast %mul3A_918 : vector<16xf32> to vector<1x16xf32>
        tpu.vector_store %arg12[%swap3A_921, %swap3A_922], %swap3A_925 {strides = array<i32>} : memref<128x128xf32, #tpu.memory_space<vmem>>, vector<1x16xf32>,
        %add3A_926 = arith.constant 7 : i32
        %add3A_927 = arith.addi %mul3A_42, %add3A_926 : i32
        %get3A_928 = arith.index_cast %add3A_927 : i32 to index
        %get3A_929 = arith.constant 32 : index
        %get3A_930 = tpu.vector_load %arg12[%get3A_928, %get3A_929] {strides = array<i32>} : memref<128x128xf32, #tpu.memory_space<vmem>>, vector<1x16xf32>,
        %get3A_931 = vector.shape_cast %get3A_930 : vector<1x16xf32> to vector<16xf32>
        %mul3A_932 = vector.broadcast %squeeze3A_895 : f32 to vector<16xf32>
        %mul3A_933 = arith.mulf %get3A_931, %mul3A_932 : vector<16xf32>
        %add3A_934 = arith.constant 7 : i32
        %add3A_935 = arith.addi %mul3A_42, %add3A_934 : i32
        %swap3A_936 = arith.index_cast %add3A_935 : i32 to index
        %swap3A_937 = arith.constant 32 : index
        %swap3A_938 = tpu.vector_load %arg12[%swap3A_936, %swap3A_937] {strides = array<i32>} : memref<128x128xf32, #tpu.memory_space<vmem>>, vector<1x16xf32>,
        %swap3A_939 = vector.shape_cast %swap3A_938 : vector<1x16xf32> to vector<16xf32>
        %swap3A_940 = vector.shape_cast %mul3A_933 : vector<16xf32> to vector<1x16xf32>
        tpu.vector_store %arg12[%swap3A_936, %swap3A_937], %swap3A_940 {strides = array<i32>} : memref<128x128xf32, #tpu.memory_space<vmem>>, vector<1x16xf32>,
        %add3A_941 = arith.constant 7 : i32
        %add3A_942 = arith.addi %mul3A_42, %add3A_941 : i32
        %get3A_943 = arith.index_cast %add3A_942 : i32 to index
        %get3A_944 = arith.constant 48 : index
        %get3A_945 = tpu.vector_load %arg12[%get3A_943, %get3A_944] {strides = array<i32>} : memref<128x128xf32, #tpu.memory_space<vmem>>, vector<1x16xf32>,
        %get3A_946 = vector.shape_cast %get3A_945 : vector<1x16xf32> to vector<16xf32>
        %mul3A_947 = vector.broadcast %squeeze3A_895 : f32 to vector<16xf32>
        %mul3A_948 = arith.mulf %get3A_946, %mul3A_947 : vector<16xf32>
        %add3A_949 = arith.constant 7 : i32
        %add3A_950 = arith.addi %mul3A_42, %add3A_949 : i32
        %swap3A_951 = arith.index_cast %add3A_950 : i32 to index
        %swap3A_952 = arith.constant 48 : index
        %swap3A_953 = tpu.vector_load %arg12[%swap3A_951, %swap3A_952] {strides = array<i32>} : memref<128x128xf32, #tpu.memory_space<vmem>>, vector<1x16xf32>,
        %swap3A_954 = vector.shape_cast %swap3A_953 : vector<1x16xf32> to vector<16xf32>
        %swap3A_955 = vector.shape_cast %mul3A_948 : vector<16xf32> to vector<1x16xf32>
        tpu.vector_store %arg12[%swap3A_951, %swap3A_952], %swap3A_955 {strides = array<i32>} : memref<128x128xf32, #tpu.memory_space<vmem>>, vector<1x16xf32>,
        %add3A_956 = arith.constant 7 : i32
        %add3A_957 = arith.addi %mul3A_42, %add3A_956 : i32
        %get3A_958 = arith.index_cast %add3A_957 : i32 to index
        %get3A_959 = arith.constant 64 : index
        %get3A_960 = tpu.vector_load %arg12[%get3A_958, %get3A_959] {strides = array<i32>} : memref<128x128xf32, #tpu.memory_space<vmem>>, vector<1x16xf32>,
        %get3A_961 = vector.shape_cast %get3A_960 : vector<1x16xf32> to vector<16xf32>
        %mul3A_962 = vector.broadcast %squeeze3A_895 : f32 to vector<16xf32>
        %mul3A_963 = arith.mulf %get3A_961, %mul3A_962 : vector<16xf32>
        %add3A_964 = arith.constant 7 : i32
        %add3A_965 = arith.addi %mul3A_42, %add3A_964 : i32
        %swap3A_966 = arith.index_cast %add3A_965 : i32 to index
        %swap3A_967 = arith.constant 64 : index
        %swap3A_968 = tpu.vector_load %arg12[%swap3A_966, %swap3A_967] {strides = array<i32>} : memref<128x128xf32, #tpu.memory_space<vmem>>, vector<1x16xf32>,
        %swap3A_969 = vector.shape_cast %swap3A_968 : vector<1x16xf32> to vector<16xf32>
        %swap3A_970 = vector.shape_cast %mul3A_963 : vector<16xf32> to vector<1x16xf32>
        tpu.vector_store %arg12[%swap3A_966, %swap3A_967], %swap3A_970 {strides = array<i32>} : memref<128x128xf32, #tpu.memory_space<vmem>>, vector<1x16xf32>,
        %add3A_971 = arith.constant 7 : i32
        %add3A_972 = arith.addi %mul3A_42, %add3A_971 : i32
        %get3A_973 = arith.index_cast %add3A_972 : i32 to index
        %get3A_974 = arith.constant 80 : index
        %get3A_975 = tpu.vector_load %arg12[%get3A_973, %get3A_974] {strides = array<i32>} : memref<128x128xf32, #tpu.memory_space<vmem>>, vector<1x16xf32>,
        %get3A_976 = vector.shape_cast %get3A_975 : vector<1x16xf32> to vector<16xf32>
        %mul3A_977 = vector.broadcast %squeeze3A_895 : f32 to vector<16xf32>
        %mul3A_978 = arith.mulf %get3A_976, %mul3A_977 : vector<16xf32>
        %add3A_979 = arith.constant 7 : i32
        %add3A_980 = arith.addi %mul3A_42, %add3A_979 : i32
        %swap3A_981 = arith.index_cast %add3A_980 : i32 to index
        %swap3A_982 = arith.constant 80 : index
        %swap3A_983 = tpu.vector_load %arg12[%swap3A_981, %swap3A_982] {strides = array<i32>} : memref<128x128xf32, #tpu.memory_space<vmem>>, vector<1x16xf32>,
        %swap3A_984 = vector.shape_cast %swap3A_983 : vector<1x16xf32> to vector<16xf32>
        %swap3A_985 = vector.shape_cast %mul3A_978 : vector<16xf32> to vector<1x16xf32>
        tpu.vector_store %arg12[%swap3A_981, %swap3A_982], %swap3A_985 {strides = array<i32>} : memref<128x128xf32, #tpu.memory_space<vmem>>, vector<1x16xf32>,
        %add3A_986 = arith.constant 7 : i32
        %add3A_987 = arith.addi %mul3A_42, %add3A_986 : i32
        %get3A_988 = arith.index_cast %add3A_987 : i32 to index
        %get3A_989 = arith.constant 96 : index
        %get3A_990 = tpu.vector_load %arg12[%get3A_988, %get3A_989] {strides = array<i32>} : memref<128x128xf32, #tpu.memory_space<vmem>>, vector<1x16xf32>,
        %get3A_991 = vector.shape_cast %get3A_990 : vector<1x16xf32> to vector<16xf32>
        %mul3A_992 = vector.broadcast %squeeze3A_895 : f32 to vector<16xf32>
        %mul3A_993 = arith.mulf %get3A_991, %mul3A_992 : vector<16xf32>
        %add3A_994 = arith.constant 7 : i32
        %add3A_995 = arith.addi %mul3A_42, %add3A_994 : i32
        %swap3A_996 = arith.index_cast %add3A_995 : i32 to index
        %swap3A_997 = arith.constant 96 : index
        %swap3A_998 = tpu.vector_load %arg12[%swap3A_996, %swap3A_997] {strides = array<i32>} : memref<128x128xf32, #tpu.memory_space<vmem>>, vector<1x16xf32>,
        %swap3A_999 = vector.shape_cast %swap3A_998 : vector<1x16xf32> to vector<16xf32>
        %swap3A_1000 = vector.shape_cast %mul3A_993 : vector<16xf32> to vector<1x16xf32>
        tpu.vector_store %arg12[%swap3A_996, %swap3A_997], %swap3A_1000 {strides = array<i32>} : memref<128x128xf32, #tpu.memory_space<vmem>>, vector<1x16xf32>,
        %add3A_1001 = arith.constant 7 : i32
        %add3A_1002 = arith.addi %mul3A_42, %add3A_1001 : i32
        %get3A_1003 = arith.index_cast %add3A_1002 : i32 to index
        %get3A_1004 = arith.constant 112 : index
        %get3A_1005 = tpu.vector_load %arg12[%get3A_1003, %get3A_1004] {strides = array<i32>} : memref<128x128xf32, #tpu.memory_space<vmem>>, vector<1x16xf32>,
        %get3A_1006 = vector.shape_cast %get3A_1005 : vector<1x16xf32> to vector<16xf32>
        %mul3A_1007 = vector.broadcast %squeeze3A_895 : f32 to vector<16xf32>
        %mul3A_1008 = arith.mulf %get3A_1006, %mul3A_1007 : vector<16xf32>
        %add3A_1009 = arith.constant 7 : i32
        %add3A_1010 = arith.addi %mul3A_42, %add3A_1009 : i32
        %swap3A_1011 = arith.index_cast %add3A_1010 : i32 to index
        %swap3A_1012 = arith.constant 112 : index
        %swap3A_1013 = tpu.vector_load %arg12[%swap3A_1011, %swap3A_1012] {strides = array<i32>} : memref<128x128xf32, #tpu.memory_space<vmem>>, vector<1x16xf32>,
        %swap3A_1014 = vector.shape_cast %swap3A_1013 : vector<1x16xf32> to vector<16xf32>
        %swap3A_1015 = vector.shape_cast %mul3A_1008 : vector<16xf32> to vector<1x16xf32>
        tpu.vector_store %arg12[%swap3A_1011, %swap3A_1012], %swap3A_1015 {strides = array<i32>} : memref<128x128xf32, #tpu.memory_space<vmem>>, vector<1x16xf32>,
        %slice3A_1016 = vector.extract_strided_slice %get3A_40 {offsets = [8], sizes = [1], strides = [1]} : vector<16xf32> to vector<1xf32>
        %squeeze3A_1017 = vector.extract %slice3A_1016[0] : f32 from vector<1xf32>
        %add3A_1018 = arith.constant 8 : i32
        %add3A_1019 = arith.addi %mul3A_42, %add3A_1018 : i32
        %get3A_1020 = arith.index_cast %add3A_1019 : i32 to index
        %get3A_1021 = arith.constant 0 : index
        %get3A_1022 = tpu.vector_load %arg12[%get3A_1020, %get3A_1021] {strides = array<i32>} : memref<128x128xf32, #tpu.memory_space<vmem>>, vector<1x16xf32>,
        %get3A_1023 = vector.shape_cast %get3A_1022 : vector<1x16xf32> to vector<16xf32>
        %mul3A_1024 = vector.broadcast %squeeze3A_1017 : f32 to vector<16xf32>
        %mul3A_1025 = arith.mulf %get3A_1023, %mul3A_1024 : vector<16xf32>
        %add3A_1026 = arith.constant 8 : i32
        %add3A_1027 = arith.addi %mul3A_42, %add3A_1026 : i32
        %swap3A_1028 = arith.index_cast %add3A_1027 : i32 to index
        %swap3A_1029 = arith.constant 0 : index
        %swap3A_1030 = tpu.vector_load %arg12[%swap3A_1028, %swap3A_1029] {strides = array<i32>} : memref<128x128xf32, #tpu.memory_space<vmem>>, vector<1x16xf32>,
        %swap3A_1031 = vector.shape_cast %swap3A_1030 : vector<1x16xf32> to vector<16xf32>
        %swap3A_1032 = vector.shape_cast %mul3A_1025 : vector<16xf32> to vector<1x16xf32>
        tpu.vector_store %arg12[%swap3A_1028, %swap3A_1029], %swap3A_1032 {strides = array<i32>} : memref<128x128xf32, #tpu.memory_space<vmem>>, vector<1x16xf32>,
        %add3A_1033 = arith.constant 8 : i32
        %add3A_1034 = arith.addi %mul3A_42, %add3A_1033 : i32
        %get3A_1035 = arith.index_cast %add3A_1034 : i32 to index
        %get3A_1036 = arith.constant 16 : index
        %get3A_1037 = tpu.vector_load %arg12[%get3A_1035, %get3A_1036] {strides = array<i32>} : memref<128x128xf32, #tpu.memory_space<vmem>>, vector<1x16xf32>,
        %get3A_1038 = vector.shape_cast %get3A_1037 : vector<1x16xf32> to vector<16xf32>
        %mul3A_1039 = vector.broadcast %squeeze3A_1017 : f32 to vector<16xf32>
        %mul3A_1040 = arith.mulf %get3A_1038, %mul3A_1039 : vector<16xf32>
        %add3A_1041 = arith.constant 8 : i32
        %add3A_1042 = arith.addi %mul3A_42, %add3A_1041 : i32
        %swap3A_1043 = arith.index_cast %add3A_1042 : i32 to index
        %swap3A_1044 = arith.constant 16 : index
        %swap3A_1045 = tpu.vector_load %arg12[%swap3A_1043, %swap3A_1044] {strides = array<i32>} : memref<128x128xf32, #tpu.memory_space<vmem>>, vector<1x16xf32>,
        %swap3A_1046 = vector.shape_cast %swap3A_1045 : vector<1x16xf32> to vector<16xf32>
        %swap3A_1047 = vector.shape_cast %mul3A_1040 : vector<16xf32> to vector<1x16xf32>
        tpu.vector_store %arg12[%swap3A_1043, %swap3A_1044], %swap3A_1047 {strides = array<i32>} : memref<128x128xf32, #tpu.memory_space<vmem>>, vector<1x16xf32>,
        %add3A_1048 = arith.constant 8 : i32
        %add3A_1049 = arith.addi %mul3A_42, %add3A_1048 : i32
        %get3A_1050 = arith.index_cast %add3A_1049 : i32 to index
        %get3A_1051 = arith.constant 32 : index
        %get3A_1052 = tpu.vector_load %arg12[%get3A_1050, %get3A_1051] {strides = array<i32>} : memref<128x128xf32, #tpu.memory_space<vmem>>, vector<1x16xf32>,
        %get3A_1053 = vector.shape_cast %get3A_1052 : vector<1x16xf32> to vector<16xf32>
        %mul3A_1054 = vector.broadcast %squeeze3A_1017 : f32 to vector<16xf32>
        %mul3A_1055 = arith.mulf %get3A_1053, %mul3A_1054 : vector<16xf32>
        %add3A_1056 = arith.constant 8 : i32
        %add3A_1057 = arith.addi %mul3A_42, %add3A_1056 : i32
        %swap3A_1058 = arith.index_cast %add3A_1057 : i32 to index
        %swap3A_1059 = arith.constant 32 : index
        %swap3A_1060 = tpu.vector_load %arg12[%swap3A_1058, %swap3A_1059] {strides = array<i32>} : memref<128x128xf32, #tpu.memory_space<vmem>>, vector<1x16xf32>,
        %swap3A_1061 = vector.shape_cast %swap3A_1060 : vector<1x16xf32> to vector<16xf32>
        %swap3A_1062 = vector.shape_cast %mul3A_1055 : vector<16xf32> to vector<1x16xf32>
        tpu.vector_store %arg12[%swap3A_1058, %swap3A_1059], %swap3A_1062 {strides = array<i32>} : memref<128x128xf32, #tpu.memory_space<vmem>>, vector<1x16xf32>,
        %add3A_1063 = arith.constant 8 : i32
        %add3A_1064 = arith.addi %mul3A_42, %add3A_1063 : i32
        %get3A_1065 = arith.index_cast %add3A_1064 : i32 to index
        %get3A_1066 = arith.constant 48 : index
        %get3A_1067 = tpu.vector_load %arg12[%get3A_1065, %get3A_1066] {strides = array<i32>} : memref<128x128xf32, #tpu.memory_space<vmem>>, vector<1x16xf32>,
        %get3A_1068 = vector.shape_cast %get3A_1067 : vector<1x16xf32> to vector<16xf32>
        %mul3A_1069 = vector.broadcast %squeeze3A_1017 : f32 to vector<16xf32>
        %mul3A_1070 = arith.mulf %get3A_1068, %mul3A_1069 : vector<16xf32>
        %add3A_1071 = arith.constant 8 : i32
        %add3A_1072 = arith.addi %mul3A_42, %add3A_1071 : i32
        %swap3A_1073 = arith.index_cast %add3A_1072 : i32 to index
        %swap3A_1074 = arith.constant 48 : index
        %swap3A_1075 = tpu.vector_load %arg12[%swap3A_1073, %swap3A_1074] {strides = array<i32>} : memref<128x128xf32, #tpu.memory_space<vmem>>, vector<1x16xf32>,
        %swap3A_1076 = vector.shape_cast %swap3A_1075 : vector<1x16xf32> to vector<16xf32>
        %swap3A_1077 = vector.shape_cast %mul3A_1070 : vector<16xf32> to vector<1x16xf32>
        tpu.vector_store %arg12[%swap3A_1073, %swap3A_1074], %swap3A_1077 {strides = array<i32>} : memref<128x128xf32, #tpu.memory_space<vmem>>, vector<1x16xf32>,
        %add3A_1078 = arith.constant 8 : i32
        %add3A_1079 = arith.addi %mul3A_42, %add3A_1078 : i32
        %get3A_1080 = arith.index_cast %add3A_1079 : i32 to index
        %get3A_1081 = arith.constant 64 : index
        %get3A_1082 = tpu.vector_load %arg12[%get3A_1080, %get3A_1081] {strides = array<i32>} : memref<128x128xf32, #tpu.memory_space<vmem>>, vector<1x16xf32>,
        %get3A_1083 = vector.shape_cast %get3A_1082 : vector<1x16xf32> to vector<16xf32>
        %mul3A_1084 = vector.broadcast %squeeze3A_1017 : f32 to vector<16xf32>
        %mul3A_1085 = arith.mulf %get3A_1083, %mul3A_1084 : vector<16xf32>
        %add3A_1086 = arith.constant 8 : i32
        %add3A_1087 = arith.addi %mul3A_42, %add3A_1086 : i32
        %swap3A_1088 = arith.index_cast %add3A_1087 : i32 to index
        %swap3A_1089 = arith.constant 64 : index
        %swap3A_1090 = tpu.vector_load %arg12[%swap3A_1088, %swap3A_1089] {strides = array<i32>} : memref<128x128xf32, #tpu.memory_space<vmem>>, vector<1x16xf32>,
        %swap3A_1091 = vector.shape_cast %swap3A_1090 : vector<1x16xf32> to vector<16xf32>
        %swap3A_1092 = vector.shape_cast %mul3A_1085 : vector<16xf32> to vector<1x16xf32>
        tpu.vector_store %arg12[%swap3A_1088, %swap3A_1089], %swap3A_1092 {strides = array<i32>} : memref<128x128xf32, #tpu.memory_space<vmem>>, vector<1x16xf32>,
        %add3A_1093 = arith.constant 8 : i32
        %add3A_1094 = arith.addi %mul3A_42, %add3A_1093 : i32
        %get3A_1095 = arith.index_cast %add3A_1094 : i32 to index
        %get3A_1096 = arith.constant 80 : index
        %get3A_1097 = tpu.vector_load %arg12[%get3A_1095, %get3A_1096] {strides = array<i32>} : memref<128x128xf32, #tpu.memory_space<vmem>>, vector<1x16xf32>,
        %get3A_1098 = vector.shape_cast %get3A_1097 : vector<1x16xf32> to vector<16xf32>
        %mul3A_1099 = vector.broadcast %squeeze3A_1017 : f32 to vector<16xf32>
        %mul3A_1100 = arith.mulf %get3A_1098, %mul3A_1099 : vector<16xf32>
        %add3A_1101 = arith.constant 8 : i32
        %add3A_1102 = arith.addi %mul3A_42, %add3A_1101 : i32
        %swap3A_1103 = arith.index_cast %add3A_1102 : i32 to index
        %swap3A_1104 = arith.constant 80 : index
        %swap3A_1105 = tpu.vector_load %arg12[%swap3A_1103, %swap3A_1104] {strides = array<i32>} : memref<128x128xf32, #tpu.memory_space<vmem>>, vector<1x16xf32>,
        %swap3A_1106 = vector.shape_cast %swap3A_1105 : vector<1x16xf32> to vector<16xf32>
        %swap3A_1107 = vector.shape_cast %mul3A_1100 : vector<16xf32> to vector<1x16xf32>
        tpu.vector_store %arg12[%swap3A_1103, %swap3A_1104], %swap3A_1107 {strides = array<i32>} : memref<128x128xf32, #tpu.memory_space<vmem>>, vector<1x16xf32>,
        %add3A_1108 = arith.constant 8 : i32
        %add3A_1109 = arith.addi %mul3A_42, %add3A_1108 : i32
        %get3A_1110 = arith.index_cast %add3A_1109 : i32 to index
        %get3A_1111 = arith.constant 96 : index
        %get3A_1112 = tpu.vector_load %arg12[%get3A_1110, %get3A_1111] {strides = array<i32>} : memref<128x128xf32, #tpu.memory_space<vmem>>, vector<1x16xf32>,
        %get3A_1113 = vector.shape_cast %get3A_1112 : vector<1x16xf32> to vector<16xf32>
        %mul3A_1114 = vector.broadcast %squeeze3A_1017 : f32 to vector<16xf32>
        %mul3A_1115 = arith.mulf %get3A_1113, %mul3A_1114 : vector<16xf32>
        %add3A_1116 = arith.constant 8 : i32
        %add3A_1117 = arith.addi %mul3A_42, %add3A_1116 : i32
        %swap3A_1118 = arith.index_cast %add3A_1117 : i32 to index
        %swap3A_1119 = arith.constant 96 : index
        %swap3A_1120 = tpu.vector_load %arg12[%swap3A_1118, %swap3A_1119] {strides = array<i32>} : memref<128x128xf32, #tpu.memory_space<vmem>>, vector<1x16xf32>,
        %swap3A_1121 = vector.shape_cast %swap3A_1120 : vector<1x16xf32> to vector<16xf32>
        %swap3A_1122 = vector.shape_cast %mul3A_1115 : vector<16xf32> to vector<1x16xf32>
        tpu.vector_store %arg12[%swap3A_1118, %swap3A_1119], %swap3A_1122 {strides = array<i32>} : memref<128x128xf32, #tpu.memory_space<vmem>>, vector<1x16xf32>,
        %add3A_1123 = arith.constant 8 : i32
        %add3A_1124 = arith.addi %mul3A_42, %add3A_1123 : i32
        %get3A_1125 = arith.index_cast %add3A_1124 : i32 to index
        %get3A_1126 = arith.constant 112 : index
        %get3A_1127 = tpu.vector_load %arg12[%get3A_1125, %get3A_1126] {strides = array<i32>} : memref<128x128xf32, #tpu.memory_space<vmem>>, vector<1x16xf32>,
        %get3A_1128 = vector.shape_cast %get3A_1127 : vector<1x16xf32> to vector<16xf32>
        %mul3A_1129 = vector.broadcast %squeeze3A_1017 : f32 to vector<16xf32>
        %mul3A_1130 = arith.mulf %get3A_1128, %mul3A_1129 : vector<16xf32>
        %add3A_1131 = arith.constant 8 : i32
        %add3A_1132 = arith.addi %mul3A_42, %add3A_1131 : i32
        %swap3A_1133 = arith.index_cast %add3A_1132 : i32 to index
        %swap3A_1134 = arith.constant 112 : index
        %swap3A_1135 = tpu.vector_load %arg12[%swap3A_1133, %swap3A_1134] {strides = array<i32>} : memref<128x128xf32, #tpu.memory_space<vmem>>, vector<1x16xf32>,
        %swap3A_1136 = vector.shape_cast %swap3A_1135 : vector<1x16xf32> to vector<16xf32>
        %swap3A_1137 = vector.shape_cast %mul3A_1130 : vector<16xf32> to vector<1x16xf32>
        tpu.vector_store %arg12[%swap3A_1133, %swap3A_1134], %swap3A_1137 {strides = array<i32>} : memref<128x128xf32, #tpu.memory_space<vmem>>, vector<1x16xf32>,
        %slice3A_1138 = vector.extract_strided_slice %get3A_40 {offsets = [9], sizes = [1], strides = [1]} : vector<16xf32> to vector<1xf32>
        %squeeze3A_1139 = vector.extract %slice3A_1138[0] : f32 from vector<1xf32>
        %add3A_1140 = arith.constant 9 : i32
        %add3A_1141 = arith.addi %mul3A_42, %add3A_1140 : i32
        %get3A_1142 = arith.index_cast %add3A_1141 : i32 to index
        %get3A_1143 = arith.constant 0 : index
        %get3A_1144 = tpu.vector_load %arg12[%get3A_1142, %get3A_1143] {strides = array<i32>} : memref<128x128xf32, #tpu.memory_space<vmem>>, vector<1x16xf32>,
        %get3A_1145 = vector.shape_cast %get3A_1144 : vector<1x16xf32> to vector<16xf32>
        %mul3A_1146 = vector.broadcast %squeeze3A_1139 : f32 to vector<16xf32>
        %mul3A_1147 = arith.mulf %get3A_1145, %mul3A_1146 : vector<16xf32>
        %add3A_1148 = arith.constant 9 : i32
        %add3A_1149 = arith.addi %mul3A_42, %add3A_1148 : i32
        %swap3A_1150 = arith.index_cast %add3A_1149 : i32 to index
        %swap3A_1151 = arith.constant 0 : index
        %swap3A_1152 = tpu.vector_load %arg12[%swap3A_1150, %swap3A_1151] {strides = array<i32>} : memref<128x128xf32, #tpu.memory_space<vmem>>, vector<1x16xf32>,
        %swap3A_1153 = vector.shape_cast %swap3A_1152 : vector<1x16xf32> to vector<16xf32>
        %swap3A_1154 = vector.shape_cast %mul3A_1147 : vector<16xf32> to vector<1x16xf32>
        tpu.vector_store %arg12[%swap3A_1150, %swap3A_1151], %swap3A_1154 {strides = array<i32>} : memref<128x128xf32, #tpu.memory_space<vmem>>, vector<1x16xf32>,
        %add3A_1155 = arith.constant 9 : i32
        %add3A_1156 = arith.addi %mul3A_42, %add3A_1155 : i32
        %get3A_1157 = arith.index_cast %add3A_1156 : i32 to index
        %get3A_1158 = arith.constant 16 : index
        %get3A_1159 = tpu.vector_load %arg12[%get3A_1157, %get3A_1158] {strides = array<i32>} : memref<128x128xf32, #tpu.memory_space<vmem>>, vector<1x16xf32>,
        %get3A_1160 = vector.shape_cast %get3A_1159 : vector<1x16xf32> to vector<16xf32>
        %mul3A_1161 = vector.broadcast %squeeze3A_1139 : f32 to vector<16xf32>
        %mul3A_1162 = arith.mulf %get3A_1160, %mul3A_1161 : vector<16xf32>
        %add3A_1163 = arith.constant 9 : i32
        %add3A_1164 = arith.addi %mul3A_42, %add3A_1163 : i32
        %swap3A_1165 = arith.index_cast %add3A_1164 : i32 to index
        %swap3A_1166 = arith.constant 16 : index
        %swap3A_1167 = tpu.vector_load %arg12[%swap3A_1165, %swap3A_1166] {strides = array<i32>} : memref<128x128xf32, #tpu.memory_space<vmem>>, vector<1x16xf32>,
        %swap3A_1168 = vector.shape_cast %swap3A_1167 : vector<1x16xf32> to vector<16xf32>
        %swap3A_1169 = vector.shape_cast %mul3A_1162 : vector<16xf32> to vector<1x16xf32>
        tpu.vector_store %arg12[%swap3A_1165, %swap3A_1166], %swap3A_1169 {strides = array<i32>} : memref<128x128xf32, #tpu.memory_space<vmem>>, vector<1x16xf32>,
        %add3A_1170 = arith.constant 9 : i32
        %add3A_1171 = arith.addi %mul3A_42, %add3A_1170 : i32
        %get3A_1172 = arith.index_cast %add3A_1171 : i32 to index
        %get3A_1173 = arith.constant 32 : index
        %get3A_1174 = tpu.vector_load %arg12[%get3A_1172, %get3A_1173] {strides = array<i32>} : memref<128x128xf32, #tpu.memory_space<vmem>>, vector<1x16xf32>,
        %get3A_1175 = vector.shape_cast %get3A_1174 : vector<1x16xf32> to vector<16xf32>
        %mul3A_1176 = vector.broadcast %squeeze3A_1139 : f32 to vector<16xf32>
        %mul3A_1177 = arith.mulf %get3A_1175, %mul3A_1176 : vector<16xf32>
        %add3A_1178 = arith.constant 9 : i32
        %add3A_1179 = arith.addi %mul3A_42, %add3A_1178 : i32
        %swap3A_1180 = arith.index_cast %add3A_1179 : i32 to index
        %swap3A_1181 = arith.constant 32 : index
        %swap3A_1182 = tpu.vector_load %arg12[%swap3A_1180, %swap3A_1181] {strides = array<i32>} : memref<128x128xf32, #tpu.memory_space<vmem>>, vector<1x16xf32>,
        %swap3A_1183 = vector.shape_cast %swap3A_1182 : vector<1x16xf32> to vector<16xf32>
        %swap3A_1184 = vector.shape_cast %mul3A_1177 : vector<16xf32> to vector<1x16xf32>
        tpu.vector_store %arg12[%swap3A_1180, %swap3A_1181], %swap3A_1184 {strides = array<i32>} : memref<128x128xf32, #tpu.memory_space<vmem>>, vector<1x16xf32>,
        %add3A_1185 = arith.constant 9 : i32
        %add3A_1186 = arith.addi %mul3A_42, %add3A_1185 : i32
        %get3A_1187 = arith.index_cast %add3A_1186 : i32 to index
        %get3A_1188 = arith.constant 48 : index
        %get3A_1189 = tpu.vector_load %arg12[%get3A_1187, %get3A_1188] {strides = array<i32>} : memref<128x128xf32, #tpu.memory_space<vmem>>, vector<1x16xf32>,
        %get3A_1190 = vector.shape_cast %get3A_1189 : vector<1x16xf32> to vector<16xf32>
        %mul3A_1191 = vector.broadcast %squeeze3A_1139 : f32 to vector<16xf32>
        %mul3A_1192 = arith.mulf %get3A_1190, %mul3A_1191 : vector<16xf32>
        %add3A_1193 = arith.constant 9 : i32
        %add3A_1194 = arith.addi %mul3A_42, %add3A_1193 : i32
        %swap3A_1195 = arith.index_cast %add3A_1194 : i32 to index
        %swap3A_1196 = arith.constant 48 : index
        %swap3A_1197 = tpu.vector_load %arg12[%swap3A_1195, %swap3A_1196] {strides = array<i32>} : memref<128x128xf32, #tpu.memory_space<vmem>>, vector<1x16xf32>,
        %swap3A_1198 = vector.shape_cast %swap3A_1197 : vector<1x16xf32> to vector<16xf32>
        %swap3A_1199 = vector.shape_cast %mul3A_1192 : vector<16xf32> to vector<1x16xf32>
        tpu.vector_store %arg12[%swap3A_1195, %swap3A_1196], %swap3A_1199 {strides = array<i32>} : memref<128x128xf32, #tpu.memory_space<vmem>>, vector<1x16xf32>,
        %add3A_1200 = arith.constant 9 : i32
        %add3A_1201 = arith.addi %mul3A_42, %add3A_1200 : i32
        %get3A_1202 = arith.index_cast %add3A_1201 : i32 to index
        %get3A_1203 = arith.constant 64 : index
        %get3A_1204 = tpu.vector_load %arg12[%get3A_1202, %get3A_1203] {strides = array<i32>} : memref<128x128xf32, #tpu.memory_space<vmem>>, vector<1x16xf32>,
        %get3A_1205 = vector.shape_cast %get3A_1204 : vector<1x16xf32> to vector<16xf32>
        %mul3A_1206 = vector.broadcast %squeeze3A_1139 : f32 to vector<16xf32>
        %mul3A_1207 = arith.mulf %get3A_1205, %mul3A_1206 : vector<16xf32>
        %add3A_1208 = arith.constant 9 : i32
        %add3A_1209 = arith.addi %mul3A_42, %add3A_1208 : i32
        %swap3A_1210 = arith.index_cast %add3A_1209 : i32 to index
        %swap3A_1211 = arith.constant 64 : index
        %swap3A_1212 = tpu.vector_load %arg12[%swap3A_1210, %swap3A_1211] {strides = array<i32>} : memref<128x128xf32, #tpu.memory_space<vmem>>, vector<1x16xf32>,
        %swap3A_1213 = vector.shape_cast %swap3A_1212 : vector<1x16xf32> to vector<16xf32>
        %swap3A_1214 = vector.shape_cast %mul3A_1207 : vector<16xf32> to vector<1x16xf32>
        tpu.vector_store %arg12[%swap3A_1210, %swap3A_1211], %swap3A_1214 {strides = array<i32>} : memref<128x128xf32, #tpu.memory_space<vmem>>, vector<1x16xf32>,
        %add3A_1215 = arith.constant 9 : i32
        %add3A_1216 = arith.addi %mul3A_42, %add3A_1215 : i32
        %get3A_1217 = arith.index_cast %add3A_1216 : i32 to index
        %get3A_1218 = arith.constant 80 : index
        %get3A_1219 = tpu.vector_load %arg12[%get3A_1217, %get3A_1218] {strides = array<i32>} : memref<128x128xf32, #tpu.memory_space<vmem>>, vector<1x16xf32>,
        %get3A_1220 = vector.shape_cast %get3A_1219 : vector<1x16xf32> to vector<16xf32>
        %mul3A_1221 = vector.broadcast %squeeze3A_1139 : f32 to vector<16xf32>
        %mul3A_1222 = arith.mulf %get3A_1220, %mul3A_1221 : vector<16xf32>
        %add3A_1223 = arith.constant 9 : i32
        %add3A_1224 = arith.addi %mul3A_42, %add3A_1223 : i32
        %swap3A_1225 = arith.index_cast %add3A_1224 : i32 to index
        %swap3A_1226 = arith.constant 80 : index
        %swap3A_1227 = tpu.vector_load %arg12[%swap3A_1225, %swap3A_1226] {strides = array<i32>} : memref<128x128xf32, #tpu.memory_space<vmem>>, vector<1x16xf32>,
        %swap3A_1228 = vector.shape_cast %swap3A_1227 : vector<1x16xf32> to vector<16xf32>
        %swap3A_1229 = vector.shape_cast %mul3A_1222 : vector<16xf32> to vector<1x16xf32>
        tpu.vector_store %arg12[%swap3A_1225, %swap3A_1226], %swap3A_1229 {strides = array<i32>} : memref<128x128xf32, #tpu.memory_space<vmem>>, vector<1x16xf32>,
        %add3A_1230 = arith.constant 9 : i32
        %add3A_1231 = arith.addi %mul3A_42, %add3A_1230 : i32
        %get3A_1232 = arith.index_cast %add3A_1231 : i32 to index
        %get3A_1233 = arith.constant 96 : index
        %get3A_1234 = tpu.vector_load %arg12[%get3A_1232, %get3A_1233] {strides = array<i32>} : memref<128x128xf32, #tpu.memory_space<vmem>>, vector<1x16xf32>,
        %get3A_1235 = vector.shape_cast %get3A_1234 : vector<1x16xf32> to vector<16xf32>
        %mul3A_1236 = vector.broadcast %squeeze3A_1139 : f32 to vector<16xf32>
        %mul3A_1237 = arith.mulf %get3A_1235, %mul3A_1236 : vector<16xf32>
        %add3A_1238 = arith.constant 9 : i32
        %add3A_1239 = arith.addi %mul3A_42, %add3A_1238 : i32
        %swap3A_1240 = arith.index_cast %add3A_1239 : i32 to index
        %swap3A_1241 = arith.constant 96 : index
        %swap3A_1242 = tpu.vector_load %arg12[%swap3A_1240, %swap3A_1241] {strides = array<i32>} : memref<128x128xf32, #tpu.memory_space<vmem>>, vector<1x16xf32>,
        %swap3A_1243 = vector.shape_cast %swap3A_1242 : vector<1x16xf32> to vector<16xf32>
        %swap3A_1244 = vector.shape_cast %mul3A_1237 : vector<16xf32> to vector<1x16xf32>
        tpu.vector_store %arg12[%swap3A_1240, %swap3A_1241], %swap3A_1244 {strides = array<i32>} : memref<128x128xf32, #tpu.memory_space<vmem>>, vector<1x16xf32>,
        %add3A_1245 = arith.constant 9 : i32
        %add3A_1246 = arith.addi %mul3A_42, %add3A_1245 : i32
        %get3A_1247 = arith.index_cast %add3A_1246 : i32 to index
        %get3A_1248 = arith.constant 112 : index
        %get3A_1249 = tpu.vector_load %arg12[%get3A_1247, %get3A_1248] {strides = array<i32>} : memref<128x128xf32, #tpu.memory_space<vmem>>, vector<1x16xf32>,
        %get3A_1250 = vector.shape_cast %get3A_1249 : vector<1x16xf32> to vector<16xf32>
        %mul3A_1251 = vector.broadcast %squeeze3A_1139 : f32 to vector<16xf32>
        %mul3A_1252 = arith.mulf %get3A_1250, %mul3A_1251 : vector<16xf32>
        %add3A_1253 = arith.constant 9 : i32
        %add3A_1254 = arith.addi %mul3A_42, %add3A_1253 : i32
        %swap3A_1255 = arith.index_cast %add3A_1254 : i32 to index
        %swap3A_1256 = arith.constant 112 : index
        %swap3A_1257 = tpu.vector_load %arg12[%swap3A_1255, %swap3A_1256] {strides = array<i32>} : memref<128x128xf32, #tpu.memory_space<vmem>>, vector<1x16xf32>,
        %swap3A_1258 = vector.shape_cast %swap3A_1257 : vector<1x16xf32> to vector<16xf32>
        %swap3A_1259 = vector.shape_cast %mul3A_1252 : vector<16xf32> to vector<1x16xf32>
        tpu.vector_store %arg12[%swap3A_1255, %swap3A_1256], %swap3A_1259 {strides = array<i32>} : memref<128x128xf32, #tpu.memory_space<vmem>>, vector<1x16xf32>,
        %slice3A_1260 = vector.extract_strided_slice %get3A_40 {offsets = [10], sizes = [1], strides = [1]} : vector<16xf32> to vector<1xf32>
        %squeeze3A_1261 = vector.extract %slice3A_1260[0] : f32 from vector<1xf32>
        %add3A_1262 = arith.constant 10 : i32
        %add3A_1263 = arith.addi %mul3A_42, %add3A_1262 : i32
        %get3A_1264 = arith.index_cast %add3A_1263 : i32 to index
        %get3A_1265 = arith.constant 0 : index
        %get3A_1266 = tpu.vector_load %arg12[%get3A_1264, %get3A_1265] {strides = array<i32>} : memref<128x128xf32, #tpu.memory_space<vmem>>, vector<1x16xf32>,
        %get3A_1267 = vector.shape_cast %get3A_1266 : vector<1x16xf32> to vector<16xf32>
        %mul3A_1268 = vector.broadcast %squeeze3A_1261 : f32 to vector<16xf32>
        %mul3A_1269 = arith.mulf %get3A_1267, %mul3A_1268 : vector<16xf32>
        %add3A_1270 = arith.constant 10 : i32
        %add3A_1271 = arith.addi %mul3A_42, %add3A_1270 : i32
        %swap3A_1272 = arith.index_cast %add3A_1271 : i32 to index
        %swap3A_1273 = arith.constant 0 : index
        %swap3A_1274 = tpu.vector_load %arg12[%swap3A_1272, %swap3A_1273] {strides = array<i32>} : memref<128x128xf32, #tpu.memory_space<vmem>>, vector<1x16xf32>,
        %swap3A_1275 = vector.shape_cast %swap3A_1274 : vector<1x16xf32> to vector<16xf32>
        %swap3A_1276 = vector.shape_cast %mul3A_1269 : vector<16xf32> to vector<1x16xf32>
        tpu.vector_store %arg12[%swap3A_1272, %swap3A_1273], %swap3A_1276 {strides = array<i32>} : memref<128x128xf32, #tpu.memory_space<vmem>>, vector<1x16xf32>,
        %add3A_1277 = arith.constant 10 : i32
        %add3A_1278 = arith.addi %mul3A_42, %add3A_1277 : i32
        %get3A_1279 = arith.index_cast %add3A_1278 : i32 to index
        %get3A_1280 = arith.constant 16 : index
        %get3A_1281 = tpu.vector_load %arg12[%get3A_1279, %get3A_1280] {strides = array<i32>} : memref<128x128xf32, #tpu.memory_space<vmem>>, vector<1x16xf32>,
        %get3A_1282 = vector.shape_cast %get3A_1281 : vector<1x16xf32> to vector<16xf32>
        %mul3A_1283 = vector.broadcast %squeeze3A_1261 : f32 to vector<16xf32>
        %mul3A_1284 = arith.mulf %get3A_1282, %mul3A_1283 : vector<16xf32>
        %add3A_1285 = arith.constant 10 : i32
        %add3A_1286 = arith.addi %mul3A_42, %add3A_1285 : i32
        %swap3A_1287 = arith.index_cast %add3A_1286 : i32 to index
        %swap3A_1288 = arith.constant 16 : index
        %swap3A_1289 = tpu.vector_load %arg12[%swap3A_1287, %swap3A_1288] {strides = array<i32>} : memref<128x128xf32, #tpu.memory_space<vmem>>, vector<1x16xf32>,
        %swap3A_1290 = vector.shape_cast %swap3A_1289 : vector<1x16xf32> to vector<16xf32>
        %swap3A_1291 = vector.shape_cast %mul3A_1284 : vector<16xf32> to vector<1x16xf32>
        tpu.vector_store %arg12[%swap3A_1287, %swap3A_1288], %swap3A_1291 {strides = array<i32>} : memref<128x128xf32, #tpu.memory_space<vmem>>, vector<1x16xf32>,
        %add3A_1292 = arith.constant 10 : i32
        %add3A_1293 = arith.addi %mul3A_42, %add3A_1292 : i32
        %get3A_1294 = arith.index_cast %add3A_1293 : i32 to index
        %get3A_1295 = arith.constant 32 : index
        %get3A_1296 = tpu.vector_load %arg12[%get3A_1294, %get3A_1295] {strides = array<i32>} : memref<128x128xf32, #tpu.memory_space<vmem>>, vector<1x16xf32>,
        %get3A_1297 = vector.shape_cast %get3A_1296 : vector<1x16xf32> to vector<16xf32>
        %mul3A_1298 = vector.broadcast %squeeze3A_1261 : f32 to vector<16xf32>
        %mul3A_1299 = arith.mulf %get3A_1297, %mul3A_1298 : vector<16xf32>
        %add3A_1300 = arith.constant 10 : i32
        %add3A_1301 = arith.addi %mul3A_42, %add3A_1300 : i32
        %swap3A_1302 = arith.index_cast %add3A_1301 : i32 to index
        %swap3A_1303 = arith.constant 32 : index
        %swap3A_1304 = tpu.vector_load %arg12[%swap3A_1302, %swap3A_1303] {strides = array<i32>} : memref<128x128xf32, #tpu.memory_space<vmem>>, vector<1x16xf32>,
        %swap3A_1305 = vector.shape_cast %swap3A_1304 : vector<1x16xf32> to vector<16xf32>
        %swap3A_1306 = vector.shape_cast %mul3A_1299 : vector<16xf32> to vector<1x16xf32>
        tpu.vector_store %arg12[%swap3A_1302, %swap3A_1303], %swap3A_1306 {strides = array<i32>} : memref<128x128xf32, #tpu.memory_space<vmem>>, vector<1x16xf32>,
        %add3A_1307 = arith.constant 10 : i32
        %add3A_1308 = arith.addi %mul3A_42, %add3A_1307 : i32
        %get3A_1309 = arith.index_cast %add3A_1308 : i32 to index
        %get3A_1310 = arith.constant 48 : index
        %get3A_1311 = tpu.vector_load %arg12[%get3A_1309, %get3A_1310] {strides = array<i32>} : memref<128x128xf32, #tpu.memory_space<vmem>>, vector<1x16xf32>,
        %get3A_1312 = vector.shape_cast %get3A_1311 : vector<1x16xf32> to vector<16xf32>
        %mul3A_1313 = vector.broadcast %squeeze3A_1261 : f32 to vector<16xf32>
        %mul3A_1314 = arith.mulf %get3A_1312, %mul3A_1313 : vector<16xf32>
        %add3A_1315 = arith.constant 10 : i32
        %add3A_1316 = arith.addi %mul3A_42, %add3A_1315 : i32
        %swap3A_1317 = arith.index_cast %add3A_1316 : i32 to index
        %swap3A_1318 = arith.constant 48 : index
        %swap3A_1319 = tpu.vector_load %arg12[%swap3A_1317, %swap3A_1318] {strides = array<i32>} : memref<128x128xf32, #tpu.memory_space<vmem>>, vector<1x16xf32>,
        %swap3A_1320 = vector.shape_cast %swap3A_1319 : vector<1x16xf32> to vector<16xf32>
        %swap3A_1321 = vector.shape_cast %mul3A_1314 : vector<16xf32> to vector<1x16xf32>
        tpu.vector_store %arg12[%swap3A_1317, %swap3A_1318], %swap3A_1321 {strides = array<i32>} : memref<128x128xf32, #tpu.memory_space<vmem>>, vector<1x16xf32>,
        %add3A_1322 = arith.constant 10 : i32
        %add3A_1323 = arith.addi %mul3A_42, %add3A_1322 : i32
        %get3A_1324 = arith.index_cast %add3A_1323 : i32 to index
        %get3A_1325 = arith.constant 64 : index
        %get3A_1326 = tpu.vector_load %arg12[%get3A_1324, %get3A_1325] {strides = array<i32>} : memref<128x128xf32, #tpu.memory_space<vmem>>, vector<1x16xf32>,
        %get3A_1327 = vector.shape_cast %get3A_1326 : vector<1x16xf32> to vector<16xf32>
        %mul3A_1328 = vector.broadcast %squeeze3A_1261 : f32 to vector<16xf32>
        %mul3A_1329 = arith.mulf %get3A_1327, %mul3A_1328 : vector<16xf32>
        %add3A_1330 = arith.constant 10 : i32
        %add3A_1331 = arith.addi %mul3A_42, %add3A_1330 : i32
        %swap3A_1332 = arith.index_cast %add3A_1331 : i32 to index
        %swap3A_1333 = arith.constant 64 : index
        %swap3A_1334 = tpu.vector_load %arg12[%swap3A_1332, %swap3A_1333] {strides = array<i32>} : memref<128x128xf32, #tpu.memory_space<vmem>>, vector<1x16xf32>,
        %swap3A_1335 = vector.shape_cast %swap3A_1334 : vector<1x16xf32> to vector<16xf32>
        %swap3A_1336 = vector.shape_cast %mul3A_1329 : vector<16xf32> to vector<1x16xf32>
        tpu.vector_store %arg12[%swap3A_1332, %swap3A_1333], %swap3A_1336 {strides = array<i32>} : memref<128x128xf32, #tpu.memory_space<vmem>>, vector<1x16xf32>,
        %add3A_1337 = arith.constant 10 : i32
        %add3A_1338 = arith.addi %mul3A_42, %add3A_1337 : i32
        %get3A_1339 = arith.index_cast %add3A_1338 : i32 to index
        %get3A_1340 = arith.constant 80 : index
        %get3A_1341 = tpu.vector_load %arg12[%get3A_1339, %get3A_1340] {strides = array<i32>} : memref<128x128xf32, #tpu.memory_space<vmem>>, vector<1x16xf32>,
        %get3A_1342 = vector.shape_cast %get3A_1341 : vector<1x16xf32> to vector<16xf32>
        %mul3A_1343 = vector.broadcast %squeeze3A_1261 : f32 to vector<16xf32>
        %mul3A_1344 = arith.mulf %get3A_1342, %mul3A_1343 : vector<16xf32>
        %add3A_1345 = arith.constant 10 : i32
        %add3A_1346 = arith.addi %mul3A_42, %add3A_1345 : i32
        %swap3A_1347 = arith.index_cast %add3A_1346 : i32 to index
        %swap3A_1348 = arith.constant 80 : index
        %swap3A_1349 = tpu.vector_load %arg12[%swap3A_1347, %swap3A_1348] {strides = array<i32>} : memref<128x128xf32, #tpu.memory_space<vmem>>, vector<1x16xf32>,
        %swap3A_1350 = vector.shape_cast %swap3A_1349 : vector<1x16xf32> to vector<16xf32>
        %swap3A_1351 = vector.shape_cast %mul3A_1344 : vector<16xf32> to vector<1x16xf32>
        tpu.vector_store %arg12[%swap3A_1347, %swap3A_1348], %swap3A_1351 {strides = array<i32>} : memref<128x128xf32, #tpu.memory_space<vmem>>, vector<1x16xf32>,
        %add3A_1352 = arith.constant 10 : i32
        %add3A_1353 = arith.addi %mul3A_42, %add3A_1352 : i32
        %get3A_1354 = arith.index_cast %add3A_1353 : i32 to index
        %get3A_1355 = arith.constant 96 : index
        %get3A_1356 = tpu.vector_load %arg12[%get3A_1354, %get3A_1355] {strides = array<i32>} : memref<128x128xf32, #tpu.memory_space<vmem>>, vector<1x16xf32>,
        %get3A_1357 = vector.shape_cast %get3A_1356 : vector<1x16xf32> to vector<16xf32>
        %mul3A_1358 = vector.broadcast %squeeze3A_1261 : f32 to vector<16xf32>
        %mul3A_1359 = arith.mulf %get3A_1357, %mul3A_1358 : vector<16xf32>
        %add3A_1360 = arith.constant 10 : i32
        %add3A_1361 = arith.addi %mul3A_42, %add3A_1360 : i32
        %swap3A_1362 = arith.index_cast %add3A_1361 : i32 to index
        %swap3A_1363 = arith.constant 96 : index
        %swap3A_1364 = tpu.vector_load %arg12[%swap3A_1362, %swap3A_1363] {strides = array<i32>} : memref<128x128xf32, #tpu.memory_space<vmem>>, vector<1x16xf32>,
        %swap3A_1365 = vector.shape_cast %swap3A_1364 : vector<1x16xf32> to vector<16xf32>
        %swap3A_1366 = vector.shape_cast %mul3A_1359 : vector<16xf32> to vector<1x16xf32>
        tpu.vector_store %arg12[%swap3A_1362, %swap3A_1363], %swap3A_1366 {strides = array<i32>} : memref<128x128xf32, #tpu.memory_space<vmem>>, vector<1x16xf32>,
        %add3A_1367 = arith.constant 10 : i32
        %add3A_1368 = arith.addi %mul3A_42, %add3A_1367 : i32
        %get3A_1369 = arith.index_cast %add3A_1368 : i32 to index
        %get3A_1370 = arith.constant 112 : index
        %get3A_1371 = tpu.vector_load %arg12[%get3A_1369, %get3A_1370] {strides = array<i32>} : memref<128x128xf32, #tpu.memory_space<vmem>>, vector<1x16xf32>,
        %get3A_1372 = vector.shape_cast %get3A_1371 : vector<1x16xf32> to vector<16xf32>
        %mul3A_1373 = vector.broadcast %squeeze3A_1261 : f32 to vector<16xf32>
        %mul3A_1374 = arith.mulf %get3A_1372, %mul3A_1373 : vector<16xf32>
        %add3A_1375 = arith.constant 10 : i32
        %add3A_1376 = arith.addi %mul3A_42, %add3A_1375 : i32
        %swap3A_1377 = arith.index_cast %add3A_1376 : i32 to index
        %swap3A_1378 = arith.constant 112 : index
        %swap3A_1379 = tpu.vector_load %arg12[%swap3A_1377, %swap3A_1378] {strides = array<i32>} : memref<128x128xf32, #tpu.memory_space<vmem>>, vector<1x16xf32>,
        %swap3A_1380 = vector.shape_cast %swap3A_1379 : vector<1x16xf32> to vector<16xf32>
        %swap3A_1381 = vector.shape_cast %mul3A_1374 : vector<16xf32> to vector<1x16xf32>
        tpu.vector_store %arg12[%swap3A_1377, %swap3A_1378], %swap3A_1381 {strides = array<i32>} : memref<128x128xf32, #tpu.memory_space<vmem>>, vector<1x16xf32>,
        %slice3A_1382 = vector.extract_strided_slice %get3A_40 {offsets = [11], sizes = [1], strides = [1]} : vector<16xf32> to vector<1xf32>
        %squeeze3A_1383 = vector.extract %slice3A_1382[0] : f32 from vector<1xf32>
        %add3A_1384 = arith.constant 11 : i32
        %add3A_1385 = arith.addi %mul3A_42, %add3A_1384 : i32
        %get3A_1386 = arith.index_cast %add3A_1385 : i32 to index
        %get3A_1387 = arith.constant 0 : index
        %get3A_1388 = tpu.vector_load %arg12[%get3A_1386, %get3A_1387] {strides = array<i32>} : memref<128x128xf32, #tpu.memory_space<vmem>>, vector<1x16xf32>,
        %get3A_1389 = vector.shape_cast %get3A_1388 : vector<1x16xf32> to vector<16xf32>
        %mul3A_1390 = vector.broadcast %squeeze3A_1383 : f32 to vector<16xf32>
        %mul3A_1391 = arith.mulf %get3A_1389, %mul3A_1390 : vector<16xf32>
        %add3A_1392 = arith.constant 11 : i32
        %add3A_1393 = arith.addi %mul3A_42, %add3A_1392 : i32
        %swap3A_1394 = arith.index_cast %add3A_1393 : i32 to index
        %swap3A_1395 = arith.constant 0 : index
        %swap3A_1396 = tpu.vector_load %arg12[%swap3A_1394, %swap3A_1395] {strides = array<i32>} : memref<128x128xf32, #tpu.memory_space<vmem>>, vector<1x16xf32>,
        %swap3A_1397 = vector.shape_cast %swap3A_1396 : vector<1x16xf32> to vector<16xf32>
        %swap3A_1398 = vector.shape_cast %mul3A_1391 : vector<16xf32> to vector<1x16xf32>
        tpu.vector_store %arg12[%swap3A_1394, %swap3A_1395], %swap3A_1398 {strides = array<i32>} : memref<128x128xf32, #tpu.memory_space<vmem>>, vector<1x16xf32>,
        %add3A_1399 = arith.constant 11 : i32
        %add3A_1400 = arith.addi %mul3A_42, %add3A_1399 : i32
        %get3A_1401 = arith.index_cast %add3A_1400 : i32 to index
        %get3A_1402 = arith.constant 16 : index
        %get3A_1403 = tpu.vector_load %arg12[%get3A_1401, %get3A_1402] {strides = array<i32>} : memref<128x128xf32, #tpu.memory_space<vmem>>, vector<1x16xf32>,
        %get3A_1404 = vector.shape_cast %get3A_1403 : vector<1x16xf32> to vector<16xf32>
        %mul3A_1405 = vector.broadcast %squeeze3A_1383 : f32 to vector<16xf32>
        %mul3A_1406 = arith.mulf %get3A_1404, %mul3A_1405 : vector<16xf32>
        %add3A_1407 = arith.constant 11 : i32
        %add3A_1408 = arith.addi %mul3A_42, %add3A_1407 : i32
        %swap3A_1409 = arith.index_cast %add3A_1408 : i32 to index
        %swap3A_1410 = arith.constant 16 : index
        %swap3A_1411 = tpu.vector_load %arg12[%swap3A_1409, %swap3A_1410] {strides = array<i32>} : memref<128x128xf32, #tpu.memory_space<vmem>>, vector<1x16xf32>,
        %swap3A_1412 = vector.shape_cast %swap3A_1411 : vector<1x16xf32> to vector<16xf32>
        %swap3A_1413 = vector.shape_cast %mul3A_1406 : vector<16xf32> to vector<1x16xf32>
        tpu.vector_store %arg12[%swap3A_1409, %swap3A_1410], %swap3A_1413 {strides = array<i32>} : memref<128x128xf32, #tpu.memory_space<vmem>>, vector<1x16xf32>,
        %add3A_1414 = arith.constant 11 : i32
        %add3A_1415 = arith.addi %mul3A_42, %add3A_1414 : i32
        %get3A_1416 = arith.index_cast %add3A_1415 : i32 to index
        %get3A_1417 = arith.constant 32 : index
        %get3A_1418 = tpu.vector_load %arg12[%get3A_1416, %get3A_1417] {strides = array<i32>} : memref<128x128xf32, #tpu.memory_space<vmem>>, vector<1x16xf32>,
        %get3A_1419 = vector.shape_cast %get3A_1418 : vector<1x16xf32> to vector<16xf32>
        %mul3A_1420 = vector.broadcast %squeeze3A_1383 : f32 to vector<16xf32>
        %mul3A_1421 = arith.mulf %get3A_1419, %mul3A_1420 : vector<16xf32>
        %add3A_1422 = arith.constant 11 : i32
        %add3A_1423 = arith.addi %mul3A_42, %add3A_1422 : i32
        %swap3A_1424 = arith.index_cast %add3A_1423 : i32 to index
        %swap3A_1425 = arith.constant 32 : index
        %swap3A_1426 = tpu.vector_load %arg12[%swap3A_1424, %swap3A_1425] {strides = array<i32>} : memref<128x128xf32, #tpu.memory_space<vmem>>, vector<1x16xf32>,
        %swap3A_1427 = vector.shape_cast %swap3A_1426 : vector<1x16xf32> to vector<16xf32>
        %swap3A_1428 = vector.shape_cast %mul3A_1421 : vector<16xf32> to vector<1x16xf32>
        tpu.vector_store %arg12[%swap3A_1424, %swap3A_1425], %swap3A_1428 {strides = array<i32>} : memref<128x128xf32, #tpu.memory_space<vmem>>, vector<1x16xf32>,
        %add3A_1429 = arith.constant 11 : i32
        %add3A_1430 = arith.addi %mul3A_42, %add3A_1429 : i32
        %get3A_1431 = arith.index_cast %add3A_1430 : i32 to index
        %get3A_1432 = arith.constant 48 : index
        %get3A_1433 = tpu.vector_load %arg12[%get3A_1431, %get3A_1432] {strides = array<i32>} : memref<128x128xf32, #tpu.memory_space<vmem>>, vector<1x16xf32>,
        %get3A_1434 = vector.shape_cast %get3A_1433 : vector<1x16xf32> to vector<16xf32>
        %mul3A_1435 = vector.broadcast %squeeze3A_1383 : f32 to vector<16xf32>
        %mul3A_1436 = arith.mulf %get3A_1434, %mul3A_1435 : vector<16xf32>
        %add3A_1437 = arith.constant 11 : i32
        %add3A_1438 = arith.addi %mul3A_42, %add3A_1437 : i32
        %swap3A_1439 = arith.index_cast %add3A_1438 : i32 to index
        %swap3A_1440 = arith.constant 48 : index
        %swap3A_1441 = tpu.vector_load %arg12[%swap3A_1439, %swap3A_1440] {strides = array<i32>} : memref<128x128xf32, #tpu.memory_space<vmem>>, vector<1x16xf32>,
        %swap3A_1442 = vector.shape_cast %swap3A_1441 : vector<1x16xf32> to vector<16xf32>
        %swap3A_1443 = vector.shape_cast %mul3A_1436 : vector<16xf32> to vector<1x16xf32>
        tpu.vector_store %arg12[%swap3A_1439, %swap3A_1440], %swap3A_1443 {strides = array<i32>} : memref<128x128xf32, #tpu.memory_space<vmem>>, vector<1x16xf32>,
        %add3A_1444 = arith.constant 11 : i32
        %add3A_1445 = arith.addi %mul3A_42, %add3A_1444 : i32
        %get3A_1446 = arith.index_cast %add3A_1445 : i32 to index
        %get3A_1447 = arith.constant 64 : index
        %get3A_1448 = tpu.vector_load %arg12[%get3A_1446, %get3A_1447] {strides = array<i32>} : memref<128x128xf32, #tpu.memory_space<vmem>>, vector<1x16xf32>,
        %get3A_1449 = vector.shape_cast %get3A_1448 : vector<1x16xf32> to vector<16xf32>
        %mul3A_1450 = vector.broadcast %squeeze3A_1383 : f32 to vector<16xf32>
        %mul3A_1451 = arith.mulf %get3A_1449, %mul3A_1450 : vector<16xf32>
        %add3A_1452 = arith.constant 11 : i32
        %add3A_1453 = arith.addi %mul3A_42, %add3A_1452 : i32
        %swap3A_1454 = arith.index_cast %add3A_1453 : i32 to index
        %swap3A_1455 = arith.constant 64 : index
        %swap3A_1456 = tpu.vector_load %arg12[%swap3A_1454, %swap3A_1455] {strides = array<i32>} : memref<128x128xf32, #tpu.memory_space<vmem>>, vector<1x16xf32>,
        %swap3A_1457 = vector.shape_cast %swap3A_1456 : vector<1x16xf32> to vector<16xf32>
        %swap3A_1458 = vector.shape_cast %mul3A_1451 : vector<16xf32> to vector<1x16xf32>
        tpu.vector_store %arg12[%swap3A_1454, %swap3A_1455], %swap3A_1458 {strides = array<i32>} : memref<128x128xf32, #tpu.memory_space<vmem>>, vector<1x16xf32>,
        %add3A_1459 = arith.constant 11 : i32
        %add3A_1460 = arith.addi %mul3A_42, %add3A_1459 : i32
        %get3A_1461 = arith.index_cast %add3A_1460 : i32 to index
        %get3A_1462 = arith.constant 80 : index
        %get3A_1463 = tpu.vector_load %arg12[%get3A_1461, %get3A_1462] {strides = array<i32>} : memref<128x128xf32, #tpu.memory_space<vmem>>, vector<1x16xf32>,
        %get3A_1464 = vector.shape_cast %get3A_1463 : vector<1x16xf32> to vector<16xf32>
        %mul3A_1465 = vector.broadcast %squeeze3A_1383 : f32 to vector<16xf32>
        %mul3A_1466 = arith.mulf %get3A_1464, %mul3A_1465 : vector<16xf32>
        %add3A_1467 = arith.constant 11 : i32
        %add3A_1468 = arith.addi %mul3A_42, %add3A_1467 : i32
        %swap3A_1469 = arith.index_cast %add3A_1468 : i32 to index
        %swap3A_1470 = arith.constant 80 : index
        %swap3A_1471 = tpu.vector_load %arg12[%swap3A_1469, %swap3A_1470] {strides = array<i32>} : memref<128x128xf32, #tpu.memory_space<vmem>>, vector<1x16xf32>,
        %swap3A_1472 = vector.shape_cast %swap3A_1471 : vector<1x16xf32> to vector<16xf32>
        %swap3A_1473 = vector.shape_cast %mul3A_1466 : vector<16xf32> to vector<1x16xf32>
        tpu.vector_store %arg12[%swap3A_1469, %swap3A_1470], %swap3A_1473 {strides = array<i32>} : memref<128x128xf32, #tpu.memory_space<vmem>>, vector<1x16xf32>,
        %add3A_1474 = arith.constant 11 : i32
        %add3A_1475 = arith.addi %mul3A_42, %add3A_1474 : i32
        %get3A_1476 = arith.index_cast %add3A_1475 : i32 to index
        %get3A_1477 = arith.constant 96 : index
        %get3A_1478 = tpu.vector_load %arg12[%get3A_1476, %get3A_1477] {strides = array<i32>} : memref<128x128xf32, #tpu.memory_space<vmem>>, vector<1x16xf32>,
        %get3A_1479 = vector.shape_cast %get3A_1478 : vector<1x16xf32> to vector<16xf32>
        %mul3A_1480 = vector.broadcast %squeeze3A_1383 : f32 to vector<16xf32>
        %mul3A_1481 = arith.mulf %get3A_1479, %mul3A_1480 : vector<16xf32>
        %add3A_1482 = arith.constant 11 : i32
        %add3A_1483 = arith.addi %mul3A_42, %add3A_1482 : i32
        %swap3A_1484 = arith.index_cast %add3A_1483 : i32 to index
        %swap3A_1485 = arith.constant 96 : index
        %swap3A_1486 = tpu.vector_load %arg12[%swap3A_1484, %swap3A_1485] {strides = array<i32>} : memref<128x128xf32, #tpu.memory_space<vmem>>, vector<1x16xf32>,
        %swap3A_1487 = vector.shape_cast %swap3A_1486 : vector<1x16xf32> to vector<16xf32>
        %swap3A_1488 = vector.shape_cast %mul3A_1481 : vector<16xf32> to vector<1x16xf32>
        tpu.vector_store %arg12[%swap3A_1484, %swap3A_1485], %swap3A_1488 {strides = array<i32>} : memref<128x128xf32, #tpu.memory_space<vmem>>, vector<1x16xf32>,
        %add3A_1489 = arith.constant 11 : i32
        %add3A_1490 = arith.addi %mul3A_42, %add3A_1489 : i32
        %get3A_1491 = arith.index_cast %add3A_1490 : i32 to index
        %get3A_1492 = arith.constant 112 : index
        %get3A_1493 = tpu.vector_load %arg12[%get3A_1491, %get3A_1492] {strides = array<i32>} : memref<128x128xf32, #tpu.memory_space<vmem>>, vector<1x16xf32>,
        %get3A_1494 = vector.shape_cast %get3A_1493 : vector<1x16xf32> to vector<16xf32>
        %mul3A_1495 = vector.broadcast %squeeze3A_1383 : f32 to vector<16xf32>
        %mul3A_1496 = arith.mulf %get3A_1494, %mul3A_1495 : vector<16xf32>
        %add3A_1497 = arith.constant 11 : i32
        %add3A_1498 = arith.addi %mul3A_42, %add3A_1497 : i32
        %swap3A_1499 = arith.index_cast %add3A_1498 : i32 to index
        %swap3A_1500 = arith.constant 112 : index
        %swap3A_1501 = tpu.vector_load %arg12[%swap3A_1499, %swap3A_1500] {strides = array<i32>} : memref<128x128xf32, #tpu.memory_space<vmem>>, vector<1x16xf32>,
        %swap3A_1502 = vector.shape_cast %swap3A_1501 : vector<1x16xf32> to vector<16xf32>
        %swap3A_1503 = vector.shape_cast %mul3A_1496 : vector<16xf32> to vector<1x16xf32>
        tpu.vector_store %arg12[%swap3A_1499, %swap3A_1500], %swap3A_1503 {strides = array<i32>} : memref<128x128xf32, #tpu.memory_space<vmem>>, vector<1x16xf32>,
        %slice3A_1504 = vector.extract_strided_slice %get3A_40 {offsets = [12], sizes = [1], strides = [1]} : vector<16xf32> to vector<1xf32>
        %squeeze3A_1505 = vector.extract %slice3A_1504[0] : f32 from vector<1xf32>
        %add3A_1506 = arith.constant 12 : i32
        %add3A_1507 = arith.addi %mul3A_42, %add3A_1506 : i32
        %get3A_1508 = arith.index_cast %add3A_1507 : i32 to index
        %get3A_1509 = arith.constant 0 : index
        %get3A_1510 = tpu.vector_load %arg12[%get3A_1508, %get3A_1509] {strides = array<i32>} : memref<128x128xf32, #tpu.memory_space<vmem>>, vector<1x16xf32>,
        %get3A_1511 = vector.shape_cast %get3A_1510 : vector<1x16xf32> to vector<16xf32>
        %mul3A_1512 = vector.broadcast %squeeze3A_1505 : f32 to vector<16xf32>
        %mul3A_1513 = arith.mulf %get3A_1511, %mul3A_1512 : vector<16xf32>
        %add3A_1514 = arith.constant 12 : i32
        %add3A_1515 = arith.addi %mul3A_42, %add3A_1514 : i32
        %swap3A_1516 = arith.index_cast %add3A_1515 : i32 to index
        %swap3A_1517 = arith.constant 0 : index
        %swap3A_1518 = tpu.vector_load %arg12[%swap3A_1516, %swap3A_1517] {strides = array<i32>} : memref<128x128xf32, #tpu.memory_space<vmem>>, vector<1x16xf32>,
        %swap3A_1519 = vector.shape_cast %swap3A_1518 : vector<1x16xf32> to vector<16xf32>
        %swap3A_1520 = vector.shape_cast %mul3A_1513 : vector<16xf32> to vector<1x16xf32>
        tpu.vector_store %arg12[%swap3A_1516, %swap3A_1517], %swap3A_1520 {strides = array<i32>} : memref<128x128xf32, #tpu.memory_space<vmem>>, vector<1x16xf32>,
        %add3A_1521 = arith.constant 12 : i32
        %add3A_1522 = arith.addi %mul3A_42, %add3A_1521 : i32
        %get3A_1523 = arith.index_cast %add3A_1522 : i32 to index
        %get3A_1524 = arith.constant 16 : index
        %get3A_1525 = tpu.vector_load %arg12[%get3A_1523, %get3A_1524] {strides = array<i32>} : memref<128x128xf32, #tpu.memory_space<vmem>>, vector<1x16xf32>,
        %get3A_1526 = vector.shape_cast %get3A_1525 : vector<1x16xf32> to vector<16xf32>
        %mul3A_1527 = vector.broadcast %squeeze3A_1505 : f32 to vector<16xf32>
        %mul3A_1528 = arith.mulf %get3A_1526, %mul3A_1527 : vector<16xf32>
        %add3A_1529 = arith.constant 12 : i32
        %add3A_1530 = arith.addi %mul3A_42, %add3A_1529 : i32
        %swap3A_1531 = arith.index_cast %add3A_1530 : i32 to index
        %swap3A_1532 = arith.constant 16 : index
        %swap3A_1533 = tpu.vector_load %arg12[%swap3A_1531, %swap3A_1532] {strides = array<i32>} : memref<128x128xf32, #tpu.memory_space<vmem>>, vector<1x16xf32>,
        %swap3A_1534 = vector.shape_cast %swap3A_1533 : vector<1x16xf32> to vector<16xf32>
        %swap3A_1535 = vector.shape_cast %mul3A_1528 : vector<16xf32> to vector<1x16xf32>
        tpu.vector_store %arg12[%swap3A_1531, %swap3A_1532], %swap3A_1535 {strides = array<i32>} : memref<128x128xf32, #tpu.memory_space<vmem>>, vector<1x16xf32>,
        %add3A_1536 = arith.constant 12 : i32
        %add3A_1537 = arith.addi %mul3A_42, %add3A_1536 : i32
        %get3A_1538 = arith.index_cast %add3A_1537 : i32 to index
        %get3A_1539 = arith.constant 32 : index
        %get3A_1540 = tpu.vector_load %arg12[%get3A_1538, %get3A_1539] {strides = array<i32>} : memref<128x128xf32, #tpu.memory_space<vmem>>, vector<1x16xf32>,
        %get3A_1541 = vector.shape_cast %get3A_1540 : vector<1x16xf32> to vector<16xf32>
        %mul3A_1542 = vector.broadcast %squeeze3A_1505 : f32 to vector<16xf32>
        %mul3A_1543 = arith.mulf %get3A_1541, %mul3A_1542 : vector<16xf32>
        %add3A_1544 = arith.constant 12 : i32
        %add3A_1545 = arith.addi %mul3A_42, %add3A_1544 : i32
        %swap3A_1546 = arith.index_cast %add3A_1545 : i32 to index
        %swap3A_1547 = arith.constant 32 : index
        %swap3A_1548 = tpu.vector_load %arg12[%swap3A_1546, %swap3A_1547] {strides = array<i32>} : memref<128x128xf32, #tpu.memory_space<vmem>>, vector<1x16xf32>,
        %swap3A_1549 = vector.shape_cast %swap3A_1548 : vector<1x16xf32> to vector<16xf32>
        %swap3A_1550 = vector.shape_cast %mul3A_1543 : vector<16xf32> to vector<1x16xf32>
        tpu.vector_store %arg12[%swap3A_1546, %swap3A_1547], %swap3A_1550 {strides = array<i32>} : memref<128x128xf32, #tpu.memory_space<vmem>>, vector<1x16xf32>,
        %add3A_1551 = arith.constant 12 : i32
        %add3A_1552 = arith.addi %mul3A_42, %add3A_1551 : i32
        %get3A_1553 = arith.index_cast %add3A_1552 : i32 to index
        %get3A_1554 = arith.constant 48 : index
        %get3A_1555 = tpu.vector_load %arg12[%get3A_1553, %get3A_1554] {strides = array<i32>} : memref<128x128xf32, #tpu.memory_space<vmem>>, vector<1x16xf32>,
        %get3A_1556 = vector.shape_cast %get3A_1555 : vector<1x16xf32> to vector<16xf32>
        %mul3A_1557 = vector.broadcast %squeeze3A_1505 : f32 to vector<16xf32>
        %mul3A_1558 = arith.mulf %get3A_1556, %mul3A_1557 : vector<16xf32>
        %add3A_1559 = arith.constant 12 : i32
        %add3A_1560 = arith.addi %mul3A_42, %add3A_1559 : i32
        %swap3A_1561 = arith.index_cast %add3A_1560 : i32 to index
        %swap3A_1562 = arith.constant 48 : index
        %swap3A_1563 = tpu.vector_load %arg12[%swap3A_1561, %swap3A_1562] {strides = array<i32>} : memref<128x128xf32, #tpu.memory_space<vmem>>, vector<1x16xf32>,
        %swap3A_1564 = vector.shape_cast %swap3A_1563 : vector<1x16xf32> to vector<16xf32>
        %swap3A_1565 = vector.shape_cast %mul3A_1558 : vector<16xf32> to vector<1x16xf32>
        tpu.vector_store %arg12[%swap3A_1561, %swap3A_1562], %swap3A_1565 {strides = array<i32>} : memref<128x128xf32, #tpu.memory_space<vmem>>, vector<1x16xf32>,
        %add3A_1566 = arith.constant 12 : i32
        %add3A_1567 = arith.addi %mul3A_42, %add3A_1566 : i32
        %get3A_1568 = arith.index_cast %add3A_1567 : i32 to index
        %get3A_1569 = arith.constant 64 : index
        %get3A_1570 = tpu.vector_load %arg12[%get3A_1568, %get3A_1569] {strides = array<i32>} : memref<128x128xf32, #tpu.memory_space<vmem>>, vector<1x16xf32>,
        %get3A_1571 = vector.shape_cast %get3A_1570 : vector<1x16xf32> to vector<16xf32>
        %mul3A_1572 = vector.broadcast %squeeze3A_1505 : f32 to vector<16xf32>
        %mul3A_1573 = arith.mulf %get3A_1571, %mul3A_1572 : vector<16xf32>
        %add3A_1574 = arith.constant 12 : i32
        %add3A_1575 = arith.addi %mul3A_42, %add3A_1574 : i32
        %swap3A_1576 = arith.index_cast %add3A_1575 : i32 to index
        %swap3A_1577 = arith.constant 64 : index
        %swap3A_1578 = tpu.vector_load %arg12[%swap3A_1576, %swap3A_1577] {strides = array<i32>} : memref<128x128xf32, #tpu.memory_space<vmem>>, vector<1x16xf32>,
        %swap3A_1579 = vector.shape_cast %swap3A_1578 : vector<1x16xf32> to vector<16xf32>
        %swap3A_1580 = vector.shape_cast %mul3A_1573 : vector<16xf32> to vector<1x16xf32>
        tpu.vector_store %arg12[%swap3A_1576, %swap3A_1577], %swap3A_1580 {strides = array<i32>} : memref<128x128xf32, #tpu.memory_space<vmem>>, vector<1x16xf32>,
        %add3A_1581 = arith.constant 12 : i32
        %add3A_1582 = arith.addi %mul3A_42, %add3A_1581 : i32
        %get3A_1583 = arith.index_cast %add3A_1582 : i32 to index
        %get3A_1584 = arith.constant 80 : index
        %get3A_1585 = tpu.vector_load %arg12[%get3A_1583, %get3A_1584] {strides = array<i32>} : memref<128x128xf32, #tpu.memory_space<vmem>>, vector<1x16xf32>,
        %get3A_1586 = vector.shape_cast %get3A_1585 : vector<1x16xf32> to vector<16xf32>
        %mul3A_1587 = vector.broadcast %squeeze3A_1505 : f32 to vector<16xf32>
        %mul3A_1588 = arith.mulf %get3A_1586, %mul3A_1587 : vector<16xf32>
        %add3A_1589 = arith.constant 12 : i32
        %add3A_1590 = arith.addi %mul3A_42, %add3A_1589 : i32
        %swap3A_1591 = arith.index_cast %add3A_1590 : i32 to index
        %swap3A_1592 = arith.constant 80 : index
        %swap3A_1593 = tpu.vector_load %arg12[%swap3A_1591, %swap3A_1592] {strides = array<i32>} : memref<128x128xf32, #tpu.memory_space<vmem>>, vector<1x16xf32>,
        %swap3A_1594 = vector.shape_cast %swap3A_1593 : vector<1x16xf32> to vector<16xf32>
        %swap3A_1595 = vector.shape_cast %mul3A_1588 : vector<16xf32> to vector<1x16xf32>
        tpu.vector_store %arg12[%swap3A_1591, %swap3A_1592], %swap3A_1595 {strides = array<i32>} : memref<128x128xf32, #tpu.memory_space<vmem>>, vector<1x16xf32>,
        %add3A_1596 = arith.constant 12 : i32
        %add3A_1597 = arith.addi %mul3A_42, %add3A_1596 : i32
        %get3A_1598 = arith.index_cast %add3A_1597 : i32 to index
        %get3A_1599 = arith.constant 96 : index
        %get3A_1600 = tpu.vector_load %arg12[%get3A_1598, %get3A_1599] {strides = array<i32>} : memref<128x128xf32, #tpu.memory_space<vmem>>, vector<1x16xf32>,
        %get3A_1601 = vector.shape_cast %get3A_1600 : vector<1x16xf32> to vector<16xf32>
        %mul3A_1602 = vector.broadcast %squeeze3A_1505 : f32 to vector<16xf32>
        %mul3A_1603 = arith.mulf %get3A_1601, %mul3A_1602 : vector<16xf32>
        %add3A_1604 = arith.constant 12 : i32
        %add3A_1605 = arith.addi %mul3A_42, %add3A_1604 : i32
        %swap3A_1606 = arith.index_cast %add3A_1605 : i32 to index
        %swap3A_1607 = arith.constant 96 : index
        %swap3A_1608 = tpu.vector_load %arg12[%swap3A_1606, %swap3A_1607] {strides = array<i32>} : memref<128x128xf32, #tpu.memory_space<vmem>>, vector<1x16xf32>,
        %swap3A_1609 = vector.shape_cast %swap3A_1608 : vector<1x16xf32> to vector<16xf32>
        %swap3A_1610 = vector.shape_cast %mul3A_1603 : vector<16xf32> to vector<1x16xf32>
        tpu.vector_store %arg12[%swap3A_1606, %swap3A_1607], %swap3A_1610 {strides = array<i32>} : memref<128x128xf32, #tpu.memory_space<vmem>>, vector<1x16xf32>,
        %add3A_1611 = arith.constant 12 : i32
        %add3A_1612 = arith.addi %mul3A_42, %add3A_1611 : i32
        %get3A_1613 = arith.index_cast %add3A_1612 : i32 to index
        %get3A_1614 = arith.constant 112 : index
        %get3A_1615 = tpu.vector_load %arg12[%get3A_1613, %get3A_1614] {strides = array<i32>} : memref<128x128xf32, #tpu.memory_space<vmem>>, vector<1x16xf32>,
        %get3A_1616 = vector.shape_cast %get3A_1615 : vector<1x16xf32> to vector<16xf32>
        %mul3A_1617 = vector.broadcast %squeeze3A_1505 : f32 to vector<16xf32>
        %mul3A_1618 = arith.mulf %get3A_1616, %mul3A_1617 : vector<16xf32>
        %add3A_1619 = arith.constant 12 : i32
        %add3A_1620 = arith.addi %mul3A_42, %add3A_1619 : i32
        %swap3A_1621 = arith.index_cast %add3A_1620 : i32 to index
        %swap3A_1622 = arith.constant 112 : index
        %swap3A_1623 = tpu.vector_load %arg12[%swap3A_1621, %swap3A_1622] {strides = array<i32>} : memref<128x128xf32, #tpu.memory_space<vmem>>, vector<1x16xf32>,
        %swap3A_1624 = vector.shape_cast %swap3A_1623 : vector<1x16xf32> to vector<16xf32>
        %swap3A_1625 = vector.shape_cast %mul3A_1618 : vector<16xf32> to vector<1x16xf32>
        tpu.vector_store %arg12[%swap3A_1621, %swap3A_1622], %swap3A_1625 {strides = array<i32>} : memref<128x128xf32, #tpu.memory_space<vmem>>, vector<1x16xf32>,
        %slice3A_1626 = vector.extract_strided_slice %get3A_40 {offsets = [13], sizes = [1], strides = [1]} : vector<16xf32> to vector<1xf32>
        %squeeze3A_1627 = vector.extract %slice3A_1626[0] : f32 from vector<1xf32>
        %add3A_1628 = arith.constant 13 : i32
        %add3A_1629 = arith.addi %mul3A_42, %add3A_1628 : i32
        %get3A_1630 = arith.index_cast %add3A_1629 : i32 to index
        %get3A_1631 = arith.constant 0 : index
        %get3A_1632 = tpu.vector_load %arg12[%get3A_1630, %get3A_1631] {strides = array<i32>} : memref<128x128xf32, #tpu.memory_space<vmem>>, vector<1x16xf32>,
        %get3A_1633 = vector.shape_cast %get3A_1632 : vector<1x16xf32> to vector<16xf32>
        %mul3A_1634 = vector.broadcast %squeeze3A_1627 : f32 to vector<16xf32>
        %mul3A_1635 = arith.mulf %get3A_1633, %mul3A_1634 : vector<16xf32>
        %add3A_1636 = arith.constant 13 : i32
        %add3A_1637 = arith.addi %mul3A_42, %add3A_1636 : i32
        %swap3A_1638 = arith.index_cast %add3A_1637 : i32 to index
        %swap3A_1639 = arith.constant 0 : index
        %swap3A_1640 = tpu.vector_load %arg12[%swap3A_1638, %swap3A_1639] {strides = array<i32>} : memref<128x128xf32, #tpu.memory_space<vmem>>, vector<1x16xf32>,
        %swap3A_1641 = vector.shape_cast %swap3A_1640 : vector<1x16xf32> to vector<16xf32>
        %swap3A_1642 = vector.shape_cast %mul3A_1635 : vector<16xf32> to vector<1x16xf32>
        tpu.vector_store %arg12[%swap3A_1638, %swap3A_1639], %swap3A_1642 {strides = array<i32>} : memref<128x128xf32, #tpu.memory_space<vmem>>, vector<1x16xf32>,
        %add3A_1643 = arith.constant 13 : i32
        %add3A_1644 = arith.addi %mul3A_42, %add3A_1643 : i32
        %get3A_1645 = arith.index_cast %add3A_1644 : i32 to index
        %get3A_1646 = arith.constant 16 : index
        %get3A_1647 = tpu.vector_load %arg12[%get3A_1645, %get3A_1646] {strides = array<i32>} : memref<128x128xf32, #tpu.memory_space<vmem>>, vector<1x16xf32>,
        %get3A_1648 = vector.shape_cast %get3A_1647 : vector<1x16xf32> to vector<16xf32>
        %mul3A_1649 = vector.broadcast %squeeze3A_1627 : f32 to vector<16xf32>
        %mul3A_1650 = arith.mulf %get3A_1648, %mul3A_1649 : vector<16xf32>
        %add3A_1651 = arith.constant 13 : i32
        %add3A_1652 = arith.addi %mul3A_42, %add3A_1651 : i32
        %swap3A_1653 = arith.index_cast %add3A_1652 : i32 to index
        %swap3A_1654 = arith.constant 16 : index
        %swap3A_1655 = tpu.vector_load %arg12[%swap3A_1653, %swap3A_1654] {strides = array<i32>} : memref<128x128xf32, #tpu.memory_space<vmem>>, vector<1x16xf32>,
        %swap3A_1656 = vector.shape_cast %swap3A_1655 : vector<1x16xf32> to vector<16xf32>
        %swap3A_1657 = vector.shape_cast %mul3A_1650 : vector<16xf32> to vector<1x16xf32>
        tpu.vector_store %arg12[%swap3A_1653, %swap3A_1654], %swap3A_1657 {strides = array<i32>} : memref<128x128xf32, #tpu.memory_space<vmem>>, vector<1x16xf32>,
        %add3A_1658 = arith.constant 13 : i32
        %add3A_1659 = arith.addi %mul3A_42, %add3A_1658 : i32
        %get3A_1660 = arith.index_cast %add3A_1659 : i32 to index
        %get3A_1661 = arith.constant 32 : index
        %get3A_1662 = tpu.vector_load %arg12[%get3A_1660, %get3A_1661] {strides = array<i32>} : memref<128x128xf32, #tpu.memory_space<vmem>>, vector<1x16xf32>,
        %get3A_1663 = vector.shape_cast %get3A_1662 : vector<1x16xf32> to vector<16xf32>
        %mul3A_1664 = vector.broadcast %squeeze3A_1627 : f32 to vector<16xf32>
        %mul3A_1665 = arith.mulf %get3A_1663, %mul3A_1664 : vector<16xf32>
        %add3A_1666 = arith.constant 13 : i32
        %add3A_1667 = arith.addi %mul3A_42, %add3A_1666 : i32
        %swap3A_1668 = arith.index_cast %add3A_1667 : i32 to index
        %swap3A_1669 = arith.constant 32 : index
        %swap3A_1670 = tpu.vector_load %arg12[%swap3A_1668, %swap3A_1669] {strides = array<i32>} : memref<128x128xf32, #tpu.memory_space<vmem>>, vector<1x16xf32>,
        %swap3A_1671 = vector.shape_cast %swap3A_1670 : vector<1x16xf32> to vector<16xf32>
        %swap3A_1672 = vector.shape_cast %mul3A_1665 : vector<16xf32> to vector<1x16xf32>
        tpu.vector_store %arg12[%swap3A_1668, %swap3A_1669], %swap3A_1672 {strides = array<i32>} : memref<128x128xf32, #tpu.memory_space<vmem>>, vector<1x16xf32>,
        %add3A_1673 = arith.constant 13 : i32
        %add3A_1674 = arith.addi %mul3A_42, %add3A_1673 : i32
        %get3A_1675 = arith.index_cast %add3A_1674 : i32 to index
        %get3A_1676 = arith.constant 48 : index
        %get3A_1677 = tpu.vector_load %arg12[%get3A_1675, %get3A_1676] {strides = array<i32>} : memref<128x128xf32, #tpu.memory_space<vmem>>, vector<1x16xf32>,
        %get3A_1678 = vector.shape_cast %get3A_1677 : vector<1x16xf32> to vector<16xf32>
        %mul3A_1679 = vector.broadcast %squeeze3A_1627 : f32 to vector<16xf32>
        %mul3A_1680 = arith.mulf %get3A_1678, %mul3A_1679 : vector<16xf32>
        %add3A_1681 = arith.constant 13 : i32
        %add3A_1682 = arith.addi %mul3A_42, %add3A_1681 : i32
        %swap3A_1683 = arith.index_cast %add3A_1682 : i32 to index
        %swap3A_1684 = arith.constant 48 : index
        %swap3A_1685 = tpu.vector_load %arg12[%swap3A_1683, %swap3A_1684] {strides = array<i32>} : memref<128x128xf32, #tpu.memory_space<vmem>>, vector<1x16xf32>,
        %swap3A_1686 = vector.shape_cast %swap3A_1685 : vector<1x16xf32> to vector<16xf32>
        %swap3A_1687 = vector.shape_cast %mul3A_1680 : vector<16xf32> to vector<1x16xf32>
        tpu.vector_store %arg12[%swap3A_1683, %swap3A_1684], %swap3A_1687 {strides = array<i32>} : memref<128x128xf32, #tpu.memory_space<vmem>>, vector<1x16xf32>,
        %add3A_1688 = arith.constant 13 : i32
        %add3A_1689 = arith.addi %mul3A_42, %add3A_1688 : i32
        %get3A_1690 = arith.index_cast %add3A_1689 : i32 to index
        %get3A_1691 = arith.constant 64 : index
        %get3A_1692 = tpu.vector_load %arg12[%get3A_1690, %get3A_1691] {strides = array<i32>} : memref<128x128xf32, #tpu.memory_space<vmem>>, vector<1x16xf32>,
        %get3A_1693 = vector.shape_cast %get3A_1692 : vector<1x16xf32> to vector<16xf32>
        %mul3A_1694 = vector.broadcast %squeeze3A_1627 : f32 to vector<16xf32>
        %mul3A_1695 = arith.mulf %get3A_1693, %mul3A_1694 : vector<16xf32>
        %add3A_1696 = arith.constant 13 : i32
        %add3A_1697 = arith.addi %mul3A_42, %add3A_1696 : i32
        %swap3A_1698 = arith.index_cast %add3A_1697 : i32 to index
        %swap3A_1699 = arith.constant 64 : index
        %swap3A_1700 = tpu.vector_load %arg12[%swap3A_1698, %swap3A_1699] {strides = array<i32>} : memref<128x128xf32, #tpu.memory_space<vmem>>, vector<1x16xf32>,
        %swap3A_1701 = vector.shape_cast %swap3A_1700 : vector<1x16xf32> to vector<16xf32>
        %swap3A_1702 = vector.shape_cast %mul3A_1695 : vector<16xf32> to vector<1x16xf32>
        tpu.vector_store %arg12[%swap3A_1698, %swap3A_1699], %swap3A_1702 {strides = array<i32>} : memref<128x128xf32, #tpu.memory_space<vmem>>, vector<1x16xf32>,
        %add3A_1703 = arith.constant 13 : i32
        %add3A_1704 = arith.addi %mul3A_42, %add3A_1703 : i32
        %get3A_1705 = arith.index_cast %add3A_1704 : i32 to index
        %get3A_1706 = arith.constant 80 : index
        %get3A_1707 = tpu.vector_load %arg12[%get3A_1705, %get3A_1706] {strides = array<i32>} : memref<128x128xf32, #tpu.memory_space<vmem>>, vector<1x16xf32>,
        %get3A_1708 = vector.shape_cast %get3A_1707 : vector<1x16xf32> to vector<16xf32>
        %mul3A_1709 = vector.broadcast %squeeze3A_1627 : f32 to vector<16xf32>
        %mul3A_1710 = arith.mulf %get3A_1708, %mul3A_1709 : vector<16xf32>
        %add3A_1711 = arith.constant 13 : i32
        %add3A_1712 = arith.addi %mul3A_42, %add3A_1711 : i32
        %swap3A_1713 = arith.index_cast %add3A_1712 : i32 to index
        %swap3A_1714 = arith.constant 80 : index
        %swap3A_1715 = tpu.vector_load %arg12[%swap3A_1713, %swap3A_1714] {strides = array<i32>} : memref<128x128xf32, #tpu.memory_space<vmem>>, vector<1x16xf32>,
        %swap3A_1716 = vector.shape_cast %swap3A_1715 : vector<1x16xf32> to vector<16xf32>
        %swap3A_1717 = vector.shape_cast %mul3A_1710 : vector<16xf32> to vector<1x16xf32>
        tpu.vector_store %arg12[%swap3A_1713, %swap3A_1714], %swap3A_1717 {strides = array<i32>} : memref<128x128xf32, #tpu.memory_space<vmem>>, vector<1x16xf32>,
        %add3A_1718 = arith.constant 13 : i32
        %add3A_1719 = arith.addi %mul3A_42, %add3A_1718 : i32
        %get3A_1720 = arith.index_cast %add3A_1719 : i32 to index
        %get3A_1721 = arith.constant 96 : index
        %get3A_1722 = tpu.vector_load %arg12[%get3A_1720, %get3A_1721] {strides = array<i32>} : memref<128x128xf32, #tpu.memory_space<vmem>>, vector<1x16xf32>,
        %get3A_1723 = vector.shape_cast %get3A_1722 : vector<1x16xf32> to vector<16xf32>
        %mul3A_1724 = vector.broadcast %squeeze3A_1627 : f32 to vector<16xf32>
        %mul3A_1725 = arith.mulf %get3A_1723, %mul3A_1724 : vector<16xf32>
        %add3A_1726 = arith.constant 13 : i32
        %add3A_1727 = arith.addi %mul3A_42, %add3A_1726 : i32
        %swap3A_1728 = arith.index_cast %add3A_1727 : i32 to index
        %swap3A_1729 = arith.constant 96 : index
        %swap3A_1730 = tpu.vector_load %arg12[%swap3A_1728, %swap3A_1729] {strides = array<i32>} : memref<128x128xf32, #tpu.memory_space<vmem>>, vector<1x16xf32>,
        %swap3A_1731 = vector.shape_cast %swap3A_1730 : vector<1x16xf32> to vector<16xf32>
        %swap3A_1732 = vector.shape_cast %mul3A_1725 : vector<16xf32> to vector<1x16xf32>
        tpu.vector_store %arg12[%swap3A_1728, %swap3A_1729], %swap3A_1732 {strides = array<i32>} : memref<128x128xf32, #tpu.memory_space<vmem>>, vector<1x16xf32>,
        %add3A_1733 = arith.constant 13 : i32
        %add3A_1734 = arith.addi %mul3A_42, %add3A_1733 : i32
        %get3A_1735 = arith.index_cast %add3A_1734 : i32 to index
        %get3A_1736 = arith.constant 112 : index
        %get3A_1737 = tpu.vector_load %arg12[%get3A_1735, %get3A_1736] {strides = array<i32>} : memref<128x128xf32, #tpu.memory_space<vmem>>, vector<1x16xf32>,
        %get3A_1738 = vector.shape_cast %get3A_1737 : vector<1x16xf32> to vector<16xf32>
        %mul3A_1739 = vector.broadcast %squeeze3A_1627 : f32 to vector<16xf32>
        %mul3A_1740 = arith.mulf %get3A_1738, %mul3A_1739 : vector<16xf32>
        %add3A_1741 = arith.constant 13 : i32
        %add3A_1742 = arith.addi %mul3A_42, %add3A_1741 : i32
        %swap3A_1743 = arith.index_cast %add3A_1742 : i32 to index
        %swap3A_1744 = arith.constant 112 : index
        %swap3A_1745 = tpu.vector_load %arg12[%swap3A_1743, %swap3A_1744] {strides = array<i32>} : memref<128x128xf32, #tpu.memory_space<vmem>>, vector<1x16xf32>,
        %swap3A_1746 = vector.shape_cast %swap3A_1745 : vector<1x16xf32> to vector<16xf32>
        %swap3A_1747 = vector.shape_cast %mul3A_1740 : vector<16xf32> to vector<1x16xf32>
        tpu.vector_store %arg12[%swap3A_1743, %swap3A_1744], %swap3A_1747 {strides = array<i32>} : memref<128x128xf32, #tpu.memory_space<vmem>>, vector<1x16xf32>,
        %slice3A_1748 = vector.extract_strided_slice %get3A_40 {offsets = [14], sizes = [1], strides = [1]} : vector<16xf32> to vector<1xf32>
        %squeeze3A_1749 = vector.extract %slice3A_1748[0] : f32 from vector<1xf32>
        %add3A_1750 = arith.constant 14 : i32
        %add3A_1751 = arith.addi %mul3A_42, %add3A_1750 : i32
        %get3A_1752 = arith.index_cast %add3A_1751 : i32 to index
        %get3A_1753 = arith.constant 0 : index
        %get3A_1754 = tpu.vector_load %arg12[%get3A_1752, %get3A_1753] {strides = array<i32>} : memref<128x128xf32, #tpu.memory_space<vmem>>, vector<1x16xf32>,
        %get3A_1755 = vector.shape_cast %get3A_1754 : vector<1x16xf32> to vector<16xf32>
        %mul3A_1756 = vector.broadcast %squeeze3A_1749 : f32 to vector<16xf32>
        %mul3A_1757 = arith.mulf %get3A_1755, %mul3A_1756 : vector<16xf32>
        %add3A_1758 = arith.constant 14 : i32
        %add3A_1759 = arith.addi %mul3A_42, %add3A_1758 : i32
        %swap3A_1760 = arith.index_cast %add3A_1759 : i32 to index
        %swap3A_1761 = arith.constant 0 : index
        %swap3A_1762 = tpu.vector_load %arg12[%swap3A_1760, %swap3A_1761] {strides = array<i32>} : memref<128x128xf32, #tpu.memory_space<vmem>>, vector<1x16xf32>,
        %swap3A_1763 = vector.shape_cast %swap3A_1762 : vector<1x16xf32> to vector<16xf32>
        %swap3A_1764 = vector.shape_cast %mul3A_1757 : vector<16xf32> to vector<1x16xf32>
        tpu.vector_store %arg12[%swap3A_1760, %swap3A_1761], %swap3A_1764 {strides = array<i32>} : memref<128x128xf32, #tpu.memory_space<vmem>>, vector<1x16xf32>,
        %add3A_1765 = arith.constant 14 : i32
        %add3A_1766 = arith.addi %mul3A_42, %add3A_1765 : i32
        %get3A_1767 = arith.index_cast %add3A_1766 : i32 to index
        %get3A_1768 = arith.constant 16 : index
        %get3A_1769 = tpu.vector_load %arg12[%get3A_1767, %get3A_1768] {strides = array<i32>} : memref<128x128xf32, #tpu.memory_space<vmem>>, vector<1x16xf32>,
        %get3A_1770 = vector.shape_cast %get3A_1769 : vector<1x16xf32> to vector<16xf32>
        %mul3A_1771 = vector.broadcast %squeeze3A_1749 : f32 to vector<16xf32>
        %mul3A_1772 = arith.mulf %get3A_1770, %mul3A_1771 : vector<16xf32>
        %add3A_1773 = arith.constant 14 : i32
        %add3A_1774 = arith.addi %mul3A_42, %add3A_1773 : i32
        %swap3A_1775 = arith.index_cast %add3A_1774 : i32 to index
        %swap3A_1776 = arith.constant 16 : index
        %swap3A_1777 = tpu.vector_load %arg12[%swap3A_1775, %swap3A_1776] {strides = array<i32>} : memref<128x128xf32, #tpu.memory_space<vmem>>, vector<1x16xf32>,
        %swap3A_1778 = vector.shape_cast %swap3A_1777 : vector<1x16xf32> to vector<16xf32>
        %swap3A_1779 = vector.shape_cast %mul3A_1772 : vector<16xf32> to vector<1x16xf32>
        tpu.vector_store %arg12[%swap3A_1775, %swap3A_1776], %swap3A_1779 {strides = array<i32>} : memref<128x128xf32, #tpu.memory_space<vmem>>, vector<1x16xf32>,
        %add3A_1780 = arith.constant 14 : i32
        %add3A_1781 = arith.addi %mul3A_42, %add3A_1780 : i32
        %get3A_1782 = arith.index_cast %add3A_1781 : i32 to index
        %get3A_1783 = arith.constant 32 : index
        %get3A_1784 = tpu.vector_load %arg12[%get3A_1782, %get3A_1783] {strides = array<i32>} : memref<128x128xf32, #tpu.memory_space<vmem>>, vector<1x16xf32>,
        %get3A_1785 = vector.shape_cast %get3A_1784 : vector<1x16xf32> to vector<16xf32>
        %mul3A_1786 = vector.broadcast %squeeze3A_1749 : f32 to vector<16xf32>
        %mul3A_1787 = arith.mulf %get3A_1785, %mul3A_1786 : vector<16xf32>
        %add3A_1788 = arith.constant 14 : i32
        %add3A_1789 = arith.addi %mul3A_42, %add3A_1788 : i32
        %swap3A_1790 = arith.index_cast %add3A_1789 : i32 to index
        %swap3A_1791 = arith.constant 32 : index
        %swap3A_1792 = tpu.vector_load %arg12[%swap3A_1790, %swap3A_1791] {strides = array<i32>} : memref<128x128xf32, #tpu.memory_space<vmem>>, vector<1x16xf32>,
        %swap3A_1793 = vector.shape_cast %swap3A_1792 : vector<1x16xf32> to vector<16xf32>
        %swap3A_1794 = vector.shape_cast %mul3A_1787 : vector<16xf32> to vector<1x16xf32>
        tpu.vector_store %arg12[%swap3A_1790, %swap3A_1791], %swap3A_1794 {strides = array<i32>} : memref<128x128xf32, #tpu.memory_space<vmem>>, vector<1x16xf32>,
        %add3A_1795 = arith.constant 14 : i32
        %add3A_1796 = arith.addi %mul3A_42, %add3A_1795 : i32
        %get3A_1797 = arith.index_cast %add3A_1796 : i32 to index
        %get3A_1798 = arith.constant 48 : index
        %get3A_1799 = tpu.vector_load %arg12[%get3A_1797, %get3A_1798] {strides = array<i32>} : memref<128x128xf32, #tpu.memory_space<vmem>>, vector<1x16xf32>,
        %get3A_1800 = vector.shape_cast %get3A_1799 : vector<1x16xf32> to vector<16xf32>
        %mul3A_1801 = vector.broadcast %squeeze3A_1749 : f32 to vector<16xf32>
        %mul3A_1802 = arith.mulf %get3A_1800, %mul3A_1801 : vector<16xf32>
        %add3A_1803 = arith.constant 14 : i32
        %add3A_1804 = arith.addi %mul3A_42, %add3A_1803 : i32
        %swap3A_1805 = arith.index_cast %add3A_1804 : i32 to index
        %swap3A_1806 = arith.constant 48 : index
        %swap3A_1807 = tpu.vector_load %arg12[%swap3A_1805, %swap3A_1806] {strides = array<i32>} : memref<128x128xf32, #tpu.memory_space<vmem>>, vector<1x16xf32>,
        %swap3A_1808 = vector.shape_cast %swap3A_1807 : vector<1x16xf32> to vector<16xf32>
        %swap3A_1809 = vector.shape_cast %mul3A_1802 : vector<16xf32> to vector<1x16xf32>
        tpu.vector_store %arg12[%swap3A_1805, %swap3A_1806], %swap3A_1809 {strides = array<i32>} : memref<128x128xf32, #tpu.memory_space<vmem>>, vector<1x16xf32>,
        %add3A_1810 = arith.constant 14 : i32
        %add3A_1811 = arith.addi %mul3A_42, %add3A_1810 : i32
        %get3A_1812 = arith.index_cast %add3A_1811 : i32 to index
        %get3A_1813 = arith.constant 64 : index
        %get3A_1814 = tpu.vector_load %arg12[%get3A_1812, %get3A_1813] {strides = array<i32>} : memref<128x128xf32, #tpu.memory_space<vmem>>, vector<1x16xf32>,
        %get3A_1815 = vector.shape_cast %get3A_1814 : vector<1x16xf32> to vector<16xf32>
        %mul3A_1816 = vector.broadcast %squeeze3A_1749 : f32 to vector<16xf32>
        %mul3A_1817 = arith.mulf %get3A_1815, %mul3A_1816 : vector<16xf32>
        %add3A_1818 = arith.constant 14 : i32
        %add3A_1819 = arith.addi %mul3A_42, %add3A_1818 : i32
        %swap3A_1820 = arith.index_cast %add3A_1819 : i32 to index
        %swap3A_1821 = arith.constant 64 : index
        %swap3A_1822 = tpu.vector_load %arg12[%swap3A_1820, %swap3A_1821] {strides = array<i32>} : memref<128x128xf32, #tpu.memory_space<vmem>>, vector<1x16xf32>,
        %swap3A_1823 = vector.shape_cast %swap3A_1822 : vector<1x16xf32> to vector<16xf32>
        %swap3A_1824 = vector.shape_cast %mul3A_1817 : vector<16xf32> to vector<1x16xf32>
        tpu.vector_store %arg12[%swap3A_1820, %swap3A_1821], %swap3A_1824 {strides = array<i32>} : memref<128x128xf32, #tpu.memory_space<vmem>>, vector<1x16xf32>,
        %add3A_1825 = arith.constant 14 : i32
        %add3A_1826 = arith.addi %mul3A_42, %add3A_1825 : i32
        %get3A_1827 = arith.index_cast %add3A_1826 : i32 to index
        %get3A_1828 = arith.constant 80 : index
        %get3A_1829 = tpu.vector_load %arg12[%get3A_1827, %get3A_1828] {strides = array<i32>} : memref<128x128xf32, #tpu.memory_space<vmem>>, vector<1x16xf32>,
        %get3A_1830 = vector.shape_cast %get3A_1829 : vector<1x16xf32> to vector<16xf32>
        %mul3A_1831 = vector.broadcast %squeeze3A_1749 : f32 to vector<16xf32>
        %mul3A_1832 = arith.mulf %get3A_1830, %mul3A_1831 : vector<16xf32>
        %add3A_1833 = arith.constant 14 : i32
        %add3A_1834 = arith.addi %mul3A_42, %add3A_1833 : i32
        %swap3A_1835 = arith.index_cast %add3A_1834 : i32 to index
        %swap3A_1836 = arith.constant 80 : index
        %swap3A_1837 = tpu.vector_load %arg12[%swap3A_1835, %swap3A_1836] {strides = array<i32>} : memref<128x128xf32, #tpu.memory_space<vmem>>, vector<1x16xf32>,
        %swap3A_1838 = vector.shape_cast %swap3A_1837 : vector<1x16xf32> to vector<16xf32>
        %swap3A_1839 = vector.shape_cast %mul3A_1832 : vector<16xf32> to vector<1x16xf32>
        tpu.vector_store %arg12[%swap3A_1835, %swap3A_1836], %swap3A_1839 {strides = array<i32>} : memref<128x128xf32, #tpu.memory_space<vmem>>, vector<1x16xf32>,
        %add3A_1840 = arith.constant 14 : i32
        %add3A_1841 = arith.addi %mul3A_42, %add3A_1840 : i32
        %get3A_1842 = arith.index_cast %add3A_1841 : i32 to index
        %get3A_1843 = arith.constant 96 : index
        %get3A_1844 = tpu.vector_load %arg12[%get3A_1842, %get3A_1843] {strides = array<i32>} : memref<128x128xf32, #tpu.memory_space<vmem>>, vector<1x16xf32>,
        %get3A_1845 = vector.shape_cast %get3A_1844 : vector<1x16xf32> to vector<16xf32>
        %mul3A_1846 = vector.broadcast %squeeze3A_1749 : f32 to vector<16xf32>
        %mul3A_1847 = arith.mulf %get3A_1845, %mul3A_1846 : vector<16xf32>
        %add3A_1848 = arith.constant 14 : i32
        %add3A_1849 = arith.addi %mul3A_42, %add3A_1848 : i32
        %swap3A_1850 = arith.index_cast %add3A_1849 : i32 to index
        %swap3A_1851 = arith.constant 96 : index
        %swap3A_1852 = tpu.vector_load %arg12[%swap3A_1850, %swap3A_1851] {strides = array<i32>} : memref<128x128xf32, #tpu.memory_space<vmem>>, vector<1x16xf32>,
        %swap3A_1853 = vector.shape_cast %swap3A_1852 : vector<1x16xf32> to vector<16xf32>
        %swap3A_1854 = vector.shape_cast %mul3A_1847 : vector<16xf32> to vector<1x16xf32>
        tpu.vector_store %arg12[%swap3A_1850, %swap3A_1851], %swap3A_1854 {strides = array<i32>} : memref<128x128xf32, #tpu.memory_space<vmem>>, vector<1x16xf32>,
        %add3A_1855 = arith.constant 14 : i32
        %add3A_1856 = arith.addi %mul3A_42, %add3A_1855 : i32
        %get3A_1857 = arith.index_cast %add3A_1856 : i32 to index
        %get3A_1858 = arith.constant 112 : index
        %get3A_1859 = tpu.vector_load %arg12[%get3A_1857, %get3A_1858] {strides = array<i32>} : memref<128x128xf32, #tpu.memory_space<vmem>>, vector<1x16xf32>,
        %get3A_1860 = vector.shape_cast %get3A_1859 : vector<1x16xf32> to vector<16xf32>
        %mul3A_1861 = vector.broadcast %squeeze3A_1749 : f32 to vector<16xf32>
        %mul3A_1862 = arith.mulf %get3A_1860, %mul3A_1861 : vector<16xf32>
        %add3A_1863 = arith.constant 14 : i32
        %add3A_1864 = arith.addi %mul3A_42, %add3A_1863 : i32
        %swap3A_1865 = arith.index_cast %add3A_1864 : i32 to index
        %swap3A_1866 = arith.constant 112 : index
        %swap3A_1867 = tpu.vector_load %arg12[%swap3A_1865, %swap3A_1866] {strides = array<i32>} : memref<128x128xf32, #tpu.memory_space<vmem>>, vector<1x16xf32>,
        %swap3A_1868 = vector.shape_cast %swap3A_1867 : vector<1x16xf32> to vector<16xf32>
        %swap3A_1869 = vector.shape_cast %mul3A_1862 : vector<16xf32> to vector<1x16xf32>
        tpu.vector_store %arg12[%swap3A_1865, %swap3A_1866], %swap3A_1869 {strides = array<i32>} : memref<128x128xf32, #tpu.memory_space<vmem>>, vector<1x16xf32>,
        %slice3A_1870 = vector.extract_strided_slice %get3A_40 {offsets = [15], sizes = [1], strides = [1]} : vector<16xf32> to vector<1xf32>
        %squeeze3A_1871 = vector.extract %slice3A_1870[0] : f32 from vector<1xf32>
        %add3A_1872 = arith.constant 15 : i32
        %add3A_1873 = arith.addi %mul3A_42, %add3A_1872 : i32
        %get3A_1874 = arith.index_cast %add3A_1873 : i32 to index
        %get3A_1875 = arith.constant 0 : index
        %get3A_1876 = tpu.vector_load %arg12[%get3A_1874, %get3A_1875] {strides = array<i32>} : memref<128x128xf32, #tpu.memory_space<vmem>>, vector<1x16xf32>,
        %get3A_1877 = vector.shape_cast %get3A_1876 : vector<1x16xf32> to vector<16xf32>
        %mul3A_1878 = vector.broadcast %squeeze3A_1871 : f32 to vector<16xf32>
        %mul3A_1879 = arith.mulf %get3A_1877, %mul3A_1878 : vector<16xf32>
        %add3A_1880 = arith.constant 15 : i32
        %add3A_1881 = arith.addi %mul3A_42, %add3A_1880 : i32
        %swap3A_1882 = arith.index_cast %add3A_1881 : i32 to index
        %swap3A_1883 = arith.constant 0 : index
        %swap3A_1884 = tpu.vector_load %arg12[%swap3A_1882, %swap3A_1883] {strides = array<i32>} : memref<128x128xf32, #tpu.memory_space<vmem>>, vector<1x16xf32>,
        %swap3A_1885 = vector.shape_cast %swap3A_1884 : vector<1x16xf32> to vector<16xf32>
        %swap3A_1886 = vector.shape_cast %mul3A_1879 : vector<16xf32> to vector<1x16xf32>
        tpu.vector_store %arg12[%swap3A_1882, %swap3A_1883], %swap3A_1886 {strides = array<i32>} : memref<128x128xf32, #tpu.memory_space<vmem>>, vector<1x16xf32>,
        %add3A_1887 = arith.constant 15 : i32
        %add3A_1888 = arith.addi %mul3A_42, %add3A_1887 : i32
        %get3A_1889 = arith.index_cast %add3A_1888 : i32 to index
        %get3A_1890 = arith.constant 16 : index
        %get3A_1891 = tpu.vector_load %arg12[%get3A_1889, %get3A_1890] {strides = array<i32>} : memref<128x128xf32, #tpu.memory_space<vmem>>, vector<1x16xf32>,
        %get3A_1892 = vector.shape_cast %get3A_1891 : vector<1x16xf32> to vector<16xf32>
        %mul3A_1893 = vector.broadcast %squeeze3A_1871 : f32 to vector<16xf32>
        %mul3A_1894 = arith.mulf %get3A_1892, %mul3A_1893 : vector<16xf32>
        %add3A_1895 = arith.constant 15 : i32
        %add3A_1896 = arith.addi %mul3A_42, %add3A_1895 : i32
        %swap3A_1897 = arith.index_cast %add3A_1896 : i32 to index
        %swap3A_1898 = arith.constant 16 : index
        %swap3A_1899 = tpu.vector_load %arg12[%swap3A_1897, %swap3A_1898] {strides = array<i32>} : memref<128x128xf32, #tpu.memory_space<vmem>>, vector<1x16xf32>,
        %swap3A_1900 = vector.shape_cast %swap3A_1899 : vector<1x16xf32> to vector<16xf32>
        %swap3A_1901 = vector.shape_cast %mul3A_1894 : vector<16xf32> to vector<1x16xf32>
        tpu.vector_store %arg12[%swap3A_1897, %swap3A_1898], %swap3A_1901 {strides = array<i32>} : memref<128x128xf32, #tpu.memory_space<vmem>>, vector<1x16xf32>,
        %add3A_1902 = arith.constant 15 : i32
        %add3A_1903 = arith.addi %mul3A_42, %add3A_1902 : i32
        %get3A_1904 = arith.index_cast %add3A_1903 : i32 to index
        %get3A_1905 = arith.constant 32 : index
        %get3A_1906 = tpu.vector_load %arg12[%get3A_1904, %get3A_1905] {strides = array<i32>} : memref<128x128xf32, #tpu.memory_space<vmem>>, vector<1x16xf32>,
        %get3A_1907 = vector.shape_cast %get3A_1906 : vector<1x16xf32> to vector<16xf32>
        %mul3A_1908 = vector.broadcast %squeeze3A_1871 : f32 to vector<16xf32>
        %mul3A_1909 = arith.mulf %get3A_1907, %mul3A_1908 : vector<16xf32>
        %add3A_1910 = arith.constant 15 : i32
        %add3A_1911 = arith.addi %mul3A_42, %add3A_1910 : i32
        %swap3A_1912 = arith.index_cast %add3A_1911 : i32 to index
        %swap3A_1913 = arith.constant 32 : index
        %swap3A_1914 = tpu.vector_load %arg12[%swap3A_1912, %swap3A_1913] {strides = array<i32>} : memref<128x128xf32, #tpu.memory_space<vmem>>, vector<1x16xf32>,
        %swap3A_1915 = vector.shape_cast %swap3A_1914 : vector<1x16xf32> to vector<16xf32>
        %swap3A_1916 = vector.shape_cast %mul3A_1909 : vector<16xf32> to vector<1x16xf32>
        tpu.vector_store %arg12[%swap3A_1912, %swap3A_1913], %swap3A_1916 {strides = array<i32>} : memref<128x128xf32, #tpu.memory_space<vmem>>, vector<1x16xf32>,
        %add3A_1917 = arith.constant 15 : i32
        %add3A_1918 = arith.addi %mul3A_42, %add3A_1917 : i32
        %get3A_1919 = arith.index_cast %add3A_1918 : i32 to index
        %get3A_1920 = arith.constant 48 : index
        %get3A_1921 = tpu.vector_load %arg12[%get3A_1919, %get3A_1920] {strides = array<i32>} : memref<128x128xf32, #tpu.memory_space<vmem>>, vector<1x16xf32>,
        %get3A_1922 = vector.shape_cast %get3A_1921 : vector<1x16xf32> to vector<16xf32>
        %mul3A_1923 = vector.broadcast %squeeze3A_1871 : f32 to vector<16xf32>
        %mul3A_1924 = arith.mulf %get3A_1922, %mul3A_1923 : vector<16xf32>
        %add3A_1925 = arith.constant 15 : i32
        %add3A_1926 = arith.addi %mul3A_42, %add3A_1925 : i32
        %swap3A_1927 = arith.index_cast %add3A_1926 : i32 to index
        %swap3A_1928 = arith.constant 48 : index
        %swap3A_1929 = tpu.vector_load %arg12[%swap3A_1927, %swap3A_1928] {strides = array<i32>} : memref<128x128xf32, #tpu.memory_space<vmem>>, vector<1x16xf32>,
        %swap3A_1930 = vector.shape_cast %swap3A_1929 : vector<1x16xf32> to vector<16xf32>
        %swap3A_1931 = vector.shape_cast %mul3A_1924 : vector<16xf32> to vector<1x16xf32>
        tpu.vector_store %arg12[%swap3A_1927, %swap3A_1928], %swap3A_1931 {strides = array<i32>} : memref<128x128xf32, #tpu.memory_space<vmem>>, vector<1x16xf32>,
        %add3A_1932 = arith.constant 15 : i32
        %add3A_1933 = arith.addi %mul3A_42, %add3A_1932 : i32
        %get3A_1934 = arith.index_cast %add3A_1933 : i32 to index
        %get3A_1935 = arith.constant 64 : index
        %get3A_1936 = tpu.vector_load %arg12[%get3A_1934, %get3A_1935] {strides = array<i32>} : memref<128x128xf32, #tpu.memory_space<vmem>>, vector<1x16xf32>,
        %get3A_1937 = vector.shape_cast %get3A_1936 : vector<1x16xf32> to vector<16xf32>
        %mul3A_1938 = vector.broadcast %squeeze3A_1871 : f32 to vector<16xf32>
        %mul3A_1939 = arith.mulf %get3A_1937, %mul3A_1938 : vector<16xf32>
        %add3A_1940 = arith.constant 15 : i32
        %add3A_1941 = arith.addi %mul3A_42, %add3A_1940 : i32
        %swap3A_1942 = arith.index_cast %add3A_1941 : i32 to index
        %swap3A_1943 = arith.constant 64 : index
        %swap3A_1944 = tpu.vector_load %arg12[%swap3A_1942, %swap3A_1943] {strides = array<i32>} : memref<128x128xf32, #tpu.memory_space<vmem>>, vector<1x16xf32>,
        %swap3A_1945 = vector.shape_cast %swap3A_1944 : vector<1x16xf32> to vector<16xf32>
        %swap3A_1946 = vector.shape_cast %mul3A_1939 : vector<16xf32> to vector<1x16xf32>
        tpu.vector_store %arg12[%swap3A_1942, %swap3A_1943], %swap3A_1946 {strides = array<i32>} : memref<128x128xf32, #tpu.memory_space<vmem>>, vector<1x16xf32>,
        %add3A_1947 = arith.constant 15 : i32
        %add3A_1948 = arith.addi %mul3A_42, %add3A_1947 : i32
        %get3A_1949 = arith.index_cast %add3A_1948 : i32 to index
        %get3A_1950 = arith.constant 80 : index
        %get3A_1951 = tpu.vector_load %arg12[%get3A_1949, %get3A_1950] {strides = array<i32>} : memref<128x128xf32, #tpu.memory_space<vmem>>, vector<1x16xf32>,
        %get3A_1952 = vector.shape_cast %get3A_1951 : vector<1x16xf32> to vector<16xf32>
        %mul3A_1953 = vector.broadcast %squeeze3A_1871 : f32 to vector<16xf32>
        %mul3A_1954 = arith.mulf %get3A_1952, %mul3A_1953 : vector<16xf32>
        %add3A_1955 = arith.constant 15 : i32
        %add3A_1956 = arith.addi %mul3A_42, %add3A_1955 : i32
        %swap3A_1957 = arith.index_cast %add3A_1956 : i32 to index
        %swap3A_1958 = arith.constant 80 : index
        %swap3A_1959 = tpu.vector_load %arg12[%swap3A_1957, %swap3A_1958] {strides = array<i32>} : memref<128x128xf32, #tpu.memory_space<vmem>>, vector<1x16xf32>,
        %swap3A_1960 = vector.shape_cast %swap3A_1959 : vector<1x16xf32> to vector<16xf32>
        %swap3A_1961 = vector.shape_cast %mul3A_1954 : vector<16xf32> to vector<1x16xf32>
        tpu.vector_store %arg12[%swap3A_1957, %swap3A_1958], %swap3A_1961 {strides = array<i32>} : memref<128x128xf32, #tpu.memory_space<vmem>>, vector<1x16xf32>,
        %add3A_1962 = arith.constant 15 : i32
        %add3A_1963 = arith.addi %mul3A_42, %add3A_1962 : i32
        %get3A_1964 = arith.index_cast %add3A_1963 : i32 to index
        %get3A_1965 = arith.constant 96 : index
        %get3A_1966 = tpu.vector_load %arg12[%get3A_1964, %get3A_1965] {strides = array<i32>} : memref<128x128xf32, #tpu.memory_space<vmem>>, vector<1x16xf32>,
        %get3A_1967 = vector.shape_cast %get3A_1966 : vector<1x16xf32> to vector<16xf32>
        %mul3A_1968 = vector.broadcast %squeeze3A_1871 : f32 to vector<16xf32>
        %mul3A_1969 = arith.mulf %get3A_1967, %mul3A_1968 : vector<16xf32>
        %add3A_1970 = arith.constant 15 : i32
        %add3A_1971 = arith.addi %mul3A_42, %add3A_1970 : i32
        %swap3A_1972 = arith.index_cast %add3A_1971 : i32 to index
        %swap3A_1973 = arith.constant 96 : index
        %swap3A_1974 = tpu.vector_load %arg12[%swap3A_1972, %swap3A_1973] {strides = array<i32>} : memref<128x128xf32, #tpu.memory_space<vmem>>, vector<1x16xf32>,
        %swap3A_1975 = vector.shape_cast %swap3A_1974 : vector<1x16xf32> to vector<16xf32>
        %swap3A_1976 = vector.shape_cast %mul3A_1969 : vector<16xf32> to vector<1x16xf32>
        tpu.vector_store %arg12[%swap3A_1972, %swap3A_1973], %swap3A_1976 {strides = array<i32>} : memref<128x128xf32, #tpu.memory_space<vmem>>, vector<1x16xf32>,
        %add3A_1977 = arith.constant 15 : i32
        %add3A_1978 = arith.addi %mul3A_42, %add3A_1977 : i32
        %get3A_1979 = arith.index_cast %add3A_1978 : i32 to index
        %get3A_1980 = arith.constant 112 : index
        %get3A_1981 = tpu.vector_load %arg12[%get3A_1979, %get3A_1980] {strides = array<i32>} : memref<128x128xf32, #tpu.memory_space<vmem>>, vector<1x16xf32>,
        %get3A_1982 = vector.shape_cast %get3A_1981 : vector<1x16xf32> to vector<16xf32>
        %mul3A_1983 = vector.broadcast %squeeze3A_1871 : f32 to vector<16xf32>
        %mul3A_1984 = arith.mulf %get3A_1982, %mul3A_1983 : vector<16xf32>
        %add3A_1985 = arith.constant 15 : i32
        %add3A_1986 = arith.addi %mul3A_42, %add3A_1985 : i32
        %swap3A_1987 = arith.index_cast %add3A_1986 : i32 to index
        %swap3A_1988 = arith.constant 112 : index
        %swap3A_1989 = tpu.vector_load %arg12[%swap3A_1987, %swap3A_1988] {strides = array<i32>} : memref<128x128xf32, #tpu.memory_space<vmem>>, vector<1x16xf32>,
        %swap3A_1990 = vector.shape_cast %swap3A_1989 : vector<1x16xf32> to vector<16xf32>
        %swap3A_1991 = vector.shape_cast %mul3A_1984 : vector<16xf32> to vector<1x16xf32>
        tpu.vector_store %arg12[%swap3A_1987, %swap3A_1988], %swap3A_1991 {strides = array<i32>} : memref<128x128xf32, #tpu.memory_space<vmem>>, vector<1x16xf32>,
      }
      %scan3A_35 = arith.constant 8 : i32
      "tpu.region"() ({
        %run_scoped3A = tpu.sem_alloc : memref<!tpu.dma_semaphore, #tpu.memory_space<semaphore_mem>>
        %dma_start3A_36 = arith.constant 0 : i32
        %dma_start3A_37 = arith.constant 0 : i32
        %dma_start3A_38 = tpu.memref_slice %arg13[%dma_start3A_36, %dma_start3A_37] : memref<10112x128xf32, #tpu.memory_space<vmem_shared>> -> memref<10112x128xf32, #tpu.memory_space<vmem_shared>>
        tpu.enqueue_indirect_dma source(%arg12 : memref<128x128xf32, #tpu.memory_space<vmem>>) target(%dma_start3A_38 : memref<10112x128xf32, #tpu.memory_space<vmem_shared>>) offsets(%arg10 : memref<128xi32, #tpu.memory_space<vmem>>) semaphore(%run_scoped3A : memref<!tpu.dma_semaphore, #tpu.memory_space<semaphore_mem>>) {add = true}
        %dma_wait3A_39 = arith.constant 0 : i32
        %dma_wait3A_40 = arith.constant 0 : i32
        %dma_wait3A_41 = tpu.memref_slice %arg13[%dma_wait3A_39, %dma_wait3A_40] : memref<10112x128xf32, #tpu.memory_space<vmem_shared>> -> memref<10112x128xf32, #tpu.memory_space<vmem_shared>>
        tpu.wait_indirect_dma semaphore(%run_scoped3A : memref<!tpu.dma_semaphore, #tpu.memory_space<semaphore_mem>>) src(%arg12 : memref<128x128xf32, #tpu.memory_space<vmem>>) dst(%dma_wait3A_41 : memref<10112x128xf32, #tpu.memory_space<vmem_shared>>)
        tpu.yield
      }) : () -> ()
    }
    %scan3A_11 = arith.constant 79 : i32
    %barrier3A_12 = arith.constant 0 : index
    tpu.barrier barrier_id(%barrier3A_12)
    %mul3A_13 = arith.constant 632 : i32
    %mul3A_14 = arith.muli %arg1, %mul3A_13 : i32
    %eq3A = arith.constant 0 : i32
    %eq3A_15 = arith.cmpi eq, %arg0, %eq3A : i32
    %convert_element_type3A = arith.extui %eq3A_15 : i1 to i32
    %cond3A = arith.constant 0 : i32
    %cond3A_16 = arith.cmpi ne, %convert_element_type3A, %cond3A : i32
    scf.if %cond3A_16 {
      "tpu.region"() ({
        %run_scoped3A = tpu.sem_alloc : memref<!tpu.dma_semaphore, #tpu.memory_space<semaphore_mem>>
        %dma_start3A = arith.constant 0 : i32
        %dma_start3A_22 = tpu.memref_slice %arg7[%mul3A_14, %dma_start3A] : memref<10112x128xf32, #tpu.memory_space<hbm>> -> memref<632x128xf32, #tpu.memory_space<hbm>>
        %dma_start3A_23 = arith.constant 0 : i32
        %dma_start3A_24 = tpu.memref_slice %arg13[%mul3A_14, %dma_start3A_23] : memref<10112x128xf32, #tpu.memory_space<vmem_shared>> -> memref<632x128xf32, #tpu.memory_space<vmem_shared>>
        tpu.enqueue_dma source(%dma_start3A_24 : memref<632x128xf32, #tpu.memory_space<vmem_shared>>) target(%dma_start3A_22 : memref<632x128xf32, #tpu.memory_space<hbm>>) target_semaphore(%run_scoped3A : memref<!tpu.dma_semaphore, #tpu.memory_space<semaphore_mem>>)
        %dma_wait3A = arith.constant 0 : i32
        %dma_wait3A_25 = tpu.memref_slice %arg7[%mul3A_14, %dma_wait3A] : memref<10112x128xf32, #tpu.memory_space<hbm>> -> memref<632x128xf32, #tpu.memory_space<hbm>>
        %dma_wait3A_26 = arith.constant 0 : i32
        %dma_wait3A_27 = tpu.memref_slice %arg13[%mul3A_14, %dma_wait3A_26] : memref<10112x128xf32, #tpu.memory_space<vmem_shared>> -> memref<632x128xf32, #tpu.memory_space<vmem_shared>>
        tpu.wait_dma2 semaphore(%run_scoped3A : memref<!tpu.dma_semaphore, #tpu.memory_space<semaphore_mem>>) src(%dma_wait3A_27 : memref<632x128xf32, #tpu.memory_space<vmem_shared>>) dst(%dma_wait3A_25 : memref<632x128xf32, #tpu.memory_space<hbm>>)
        tpu.yield
      }) : () -> ()
    } else {
    }
    %eq3A_17 = arith.constant 1 : i32
    %eq3A_18 = arith.cmpi eq, %arg0, %eq3A_17 : i32
    %convert_element_type3A_19 = arith.extui %eq3A_18 : i1 to i32
    %cond3A_20 = arith.constant 0 : i32
    %cond3A_21 = arith.cmpi ne, %convert_element_type3A_19, %cond3A_20 : i32
    scf.if %cond3A_21 {
      "tpu.region"() ({
        %run_scoped3A = tpu.sem_alloc : memref<!tpu.dma_semaphore, #tpu.memory_space<semaphore_mem>>
        %dma_start3A = arith.constant 0 : i32
        %dma_start3A_22 = tpu.memref_slice %arg8[%mul3A_14, %dma_start3A] : memref<10112x128xf32, #tpu.memory_space<hbm>> -> memref<632x128xf32, #tpu.memory_space<hbm>>
        %dma_start3A_23 = arith.constant 0 : i32
        %dma_start3A_24 = tpu.memref_slice %arg13[%mul3A_14, %dma_start3A_23] : memref<10112x128xf32, #tpu.memory_space<vmem_shared>> -> memref<632x128xf32, #tpu.memory_space<vmem_shared>>
        tpu.enqueue_dma source(%dma_start3A_24 : memref<632x128xf32, #tpu.memory_space<vmem_shared>>) target(%dma_start3A_22 : memref<632x128xf32, #tpu.memory_space<hbm>>) target_semaphore(%run_scoped3A : memref<!tpu.dma_semaphore, #tpu.memory_space<semaphore_mem>>)
        %dma_wait3A = arith.constant 0 : i32
        %dma_wait3A_25 = tpu.memref_slice %arg8[%mul3A_14, %dma_wait3A] : memref<10112x128xf32, #tpu.memory_space<hbm>> -> memref<632x128xf32, #tpu.memory_space<hbm>>
        %dma_wait3A_26 = arith.constant 0 : i32
        %dma_wait3A_27 = tpu.memref_slice %arg13[%mul3A_14, %dma_wait3A_26] : memref<10112x128xf32, #tpu.memory_space<vmem_shared>> -> memref<632x128xf32, #tpu.memory_space<vmem_shared>>
        tpu.wait_dma2 semaphore(%run_scoped3A : memref<!tpu.dma_semaphore, #tpu.memory_space<semaphore_mem>>) src(%dma_wait3A_27 : memref<632x128xf32, #tpu.memory_space<vmem_shared>>) dst(%dma_wait3A_25 : memref<632x128xf32, #tpu.memory_space<hbm>>)
        tpu.yield
      }) : () -> ()
    } else {
    }
    return
  }
}

module attributes {stable_mosaic.version = 14 : i64} {
  func.func @body(%arg0: i32, %arg1: memref<128x128xf32, #tpu.memory_space<vmem>>, %arg2: memref<128x128xf32, #tpu.memory_space<vmem>>, %arg3: memref<128x128xf32, #tpu.memory_space<vmem>>) attributes {dimension_semantics = [#tpu.dimension_semantics<arbitrary>], iteration_bounds = array<i64: 79>, scalar_prefetch = 0 : i64, scratch_operands = 0 : i64, tpu.core_type = #tpu.core_type<tc>, window_params = [{transform_indices = @transform_0, window_bounds = array<i64: 128, 128>}, {transform_indices = @transform_1, window_bounds = array<i64: 128, 128>}, {transform_indices = @transform_2, window_bounds = array<i64: 128, 128>}]} {
    %get3A = arith.constant 0 : index
    %get3A_0 = arith.constant 0 : index
    %get3A_1 = vector.load %arg1[%get3A, %get3A_0] : memref<128x128xf32, #tpu.memory_space<vmem>>, vector<128x128xf32>
    %get3A_2 = arith.constant 0 : index
    %get3A_3 = arith.constant 0 : index
    %get3A_4 = vector.load %arg2[%get3A_2, %get3A_3] : memref<128x128xf32, #tpu.memory_space<vmem>>, vector<128x128xf32>
    %add3A = arith.addf %get3A_1, %get3A_4 : vector<128x128xf32>
    %swap3A = arith.constant 0 : index
    %swap3A_5 = arith.constant 0 : index
    %swap3A_6 = vector.load %arg3[%swap3A, %swap3A_5] : memref<128x128xf32, #tpu.memory_space<vmem>>, vector<128x128xf32>
    tpu.vector_store %arg3[%swap3A, %swap3A_5], %add3A {strides = array<i32>} : memref<128x128xf32, #tpu.memory_space<vmem>>, vector<128x128xf32>,
    return
  }
  func.func @transform_0(%arg0: i32) -> (i32, i32) {
    %c0_i32 = arith.constant 0 : i32
    %c0_i32_0 = arith.constant 0 : i32
    return %arg0, %c0_i32 : i32, i32
  }
  func.func @transform_1(%arg0: i32) -> (i32, i32) {
    %c0_i32 = arith.constant 0 : i32
    %c0_i32_0 = arith.constant 0 : i32
    return %arg0, %c0_i32 : i32, i32
  }
  func.func @transform_2(%arg0: i32) -> (i32, i32) {
    %c0_i32 = arith.constant 0 : i32
    %c0_i32_0 = arith.constant 0 : i32
    return %arg0, %c0_i32 : i32, i32
  }
}

module attributes {stable_mosaic.version = 14 : i64} {
  func.func @body(%arg0: i32, %arg1: memref<1000x128xf32, #tpu.memory_space<vmem>>, %arg2: memref<128x128xf32, #tpu.memory_space<vmem>>, %arg3: memref<1x128xf32, #tpu.memory_space<vmem>>, %arg4: memref<1000x128xf32, #tpu.memory_space<vmem>>) attributes {dimension_semantics = [#tpu.dimension_semantics<arbitrary>], iteration_bounds = array<i64: 10>, scalar_prefetch = 0 : i64, scratch_operands = 0 : i64, tpu.core_type = #tpu.core_type<tc>, window_params = [{transform_indices = @transform_0, window_bounds = array<i64: 1000, 128>}, {pipeline_mode = #tpu.pipeline_mode<synchronous>, transform_indices = @transform_1, window_bounds = array<i64: 128, 128>}, {pipeline_mode = #tpu.pipeline_mode<synchronous>, transform_indices = @transform_2, window_bounds = array<i64: 1, 128>}, {transform_indices = @transform_3, window_bounds = array<i64: 1000, 128>}]} {
    %get3A = arith.constant 0 : index
    %get3A_0 = arith.constant 0 : index
    %get3A_1 = vector.load %arg1[%get3A, %get3A_0] : memref<1000x128xf32, #tpu.memory_space<vmem>>, vector<1000x128xf32>
    %get3A_2 = arith.constant 0 : index
    %get3A_3 = arith.constant 0 : index
    %get3A_4 = vector.load %arg2[%get3A_2, %get3A_3] : memref<128x128xf32, #tpu.memory_space<vmem>>, vector<128x128xf32>
    %dot_general3A = arith.constant dense<0.000000e+00> : vector<1000x128xf32>
    %dot_general3A_5 = tpu.matmul %get3A_1, %get3A_4, %dot_general3A {dimension_numbers = #tpu.dot_dimension_numbers<[1], [0], [0], [1], [0, 0, 1, 1], [], []>, transpose_lhs_hint = false} : vector<1000x128xf32>, vector<128x128xf32>, vector<1000x128xf32> -> vector<1000x128xf32>
    %get3A_6 = arith.constant 0 : index
    %get3A_7 = arith.constant 0 : index
    %get3A_8 = vector.load %arg3[%get3A_6, %get3A_7] : memref<1x128xf32, #tpu.memory_space<vmem>>, vector<1x128xf32>
    %add3A = vector.broadcast %get3A_8 : vector<1x128xf32> to vector<1000x128xf32>
    %add3A_9 = arith.addf %dot_general3A_5, %add3A : vector<1000x128xf32>
    %swap3A = arith.constant 0 : index
    %swap3A_10 = arith.constant 0 : index
    %swap3A_11 = vector.load %arg4[%swap3A, %swap3A_10] : memref<1000x128xf32, #tpu.memory_space<vmem>>, vector<1000x128xf32>
    tpu.vector_store %arg4[%swap3A, %swap3A_10], %add3A_9 {strides = array<i32>} : memref<1000x128xf32, #tpu.memory_space<vmem>>, vector<1000x128xf32>,
    return
  }
  func.func @transform_0(%arg0: i32) -> (i32, i32) {
    %c0_i32 = arith.constant 0 : i32
    %c0_i32_0 = arith.constant 0 : i32
    return %arg0, %c0_i32 : i32, i32
  }
  func.func @transform_1(%arg0: i32) -> (i32, i32) {
    %c0_i32 = arith.constant 0 : i32
    %c0_i32_0 = arith.constant 0 : i32
    %c0_i32_1 = arith.constant 0 : i32
    return %c0_i32, %c0_i32_0 : i32, i32
  }
  func.func @transform_2(%arg0: i32) -> (i32, i32) {
    %c0_i32 = arith.constant 0 : i32
    %c0_i32_0 = arith.constant 0 : i32
    %c0_i32_1 = arith.constant 0 : i32
    return %c0_i32, %c0_i32_0 : i32, i32
  }
  func.func @transform_3(%arg0: i32) -> (i32, i32) {
    %c0_i32 = arith.constant 0 : i32
    %c0_i32_0 = arith.constant 0 : i32
    return %arg0, %c0_i32 : i32, i32
  }
}

</mosaic_0001>

<sc_bundles>
// kernel: body.8.cloned.1.call-start
scs
__scs_entry_jumppad:
0x0: {  	(pc) =	sbr.rel $0x88, $3  }
0x1: {  	(tag) =	ssettag $0x0;
	lr =	simm.s32 $0x1  }
0x2: {  	[smem:$0x3F9B] =	sst lr;
	_ =	strace $0xD0000000  }
0x3: {  	_ = 	snop  }
0x4: {  	_ = 	snop  }
0x5: {  	_ = 	snop  }
0x6: {  	_ = 	snop  }
0x7: {  	_ = 	snop  }
__scs_overlays_trampoline_lowered:
0x8: {  	[smem:$0x3FAA] =	sst s0  }
0x9: {  	[smem:$0x3FAB] =	sst s1  }
0xa: {  	[smem:$0x3FAC] =	sst s2  }
0xb: {  	[smem:$0x3FAD] =	sst s3  }
0xc: {  	[smem:$0x3FAE] =	sst s4  }
0xd: {  	[smem:$0x3FAF] =	sst s5  }
0xe: {  	[smem:$0x3FB0] =	sst s6  }
0xf: {  	[smem:$0x3FB1] =	sst s7  }
0x10: {  	[smem:$0x3FB2] =	sst s8  }
0x11: {  	[smem:$0x3FB3] =	sst s9;
	s0 =	simm.s32 @!p0 $0x0  }
0x12: {  	s1 =	sld [smem:$0x3F99];
	s0 =	simm.s32 @p0 $0x1  }
0x13: {  	[smem:$0x3FB4] =	sst s0;
	s0 =	simm.s32 @!p1 $0x0  }
0x14: {  	s2 =	sld [smem:$0x3F98];
	s0 =	simm.s32 @p1 $0x1  }
0x15: {  	[smem:$0x3FB5] =	sst s0;
	s0 =	simm.s32 @!p2 $0x0  }
0x16: {  	s3 =	sld [smem:$0x3FDB];
	s0 =	simm.s32 @p2 $0x1  }
0x17: {  	s4 =	simm.s32 $0x1BF5;
	[smem:$0x3FB7] =	sst s0  }
0x18: {  	s0 =	sld [smem:$0x3F9A];
	_ =	swait.ge [sflag:s4], $0x0  }
0x19: {  	s7 =	sld [smem:$0x3F9B]  }
0x1a: {  	s8 =	sadd.s32 $0xFFFFE003, lr  }
0x1b: {  	s9 =	sadd.s32 $0xFFFFFEF7, lr;
	s5 =	simm.s32 $0xFFFFFFFF;
	p2 =	slt.u32 s8, $0xFFFFF086  }
0x1c: {  	p1 =	slt.u32 s9, $0xF7A;
	s5 =	simm.s32 @!p2 $0x0  }
0x1d: {  	s5 =	simm.s32 @p1 $0x1;
	p0 =	seq.s32 s7, s2  }
0x1e: {  	s7 =	smul.u32 @!p0 $0xF7A, s2;
	p2 =	seq.s32 @!p0 s5, $0x0  }
0x1f: {  	s9 =	smul.u32 $0xF7A, s1;
	s8 =	simm.s32 @!p0 $0x1BF5;
	p2 =	por !p2, p0  }
0x20: {  	[sflag:s8] =	ssyncset.s32 @!p0 $0xFFFFF086;
	s6 =	sadd.s32 @!p0 s3, s7;
	s7 =	simm.s32 @!p0 $0x108  }
0x21: {  	s3 =	sadd.s32 s3, s9;
	s6 =	sadd.s32 @!p0 $0x88, s6;
	s7 =	simm.s32 @p2 $0x1082  }
0x22: {  	[simem:s7], [sflag:s8] =	dma.local @!p0 [hbm:s6], $0xF7A  }
0x23: {  	s9 =	sor.u32 $0xD0000000, s2;
	s6 =	simm.s32 $0x108;
	_ =	swait.ge @!p0 [sflag:s8], $0x0  }
0x24: {  	s3 =	sadd.s32 $0x88, s3;
	s6 =	simm.s32 @!p1 $0x1082;
	[sflag:s4] =	ssyncset.s32 $0xFFFFF086  }
0x25: {  	[simem:s6], [sflag:s4] =	dma.local [hbm:s3], $0xF7A  }
0x26: {  	[smem:$0x3F9B] =	sst s1;
	(tag) =	ssettag s2;
	_ =	strace s9  }
0x27: {  	s1 =	sld [smem:$0x3FAB]  }
0x28: {  	s2 =	sld [smem:$0x3FAC]  }
0x29: {  	s4 =	sld [smem:$0x3FAE]  }
0x2a: {  	p0 =	seq.s32 s5, $0x0;
	s5 =	sld [smem:$0x3FAF]  }
0x2b: {  	s6 =	sld [smem:$0x3FB0]  }
0x2c: {  	s7 =	sld [smem:$0x3FB1]  }
0x2d: {  	s3 =	simm.s32 $0x108;
	s8 =	sld [smem:$0x3FB2]  }
0x2e: {  	s3 =	simm.s32 @!p0 $0x1082;
	s9 =	sld [smem:$0x3FB3]  }
0x2f: {  	lr =	sadd.s32 s0, s3;
	s0 =	sld [smem:$0x3FAA]  }
0x30: {  	s3 =	sld [smem:$0x3FAD]  }
0x31: {  	[smem:$0x3FB6] =	sst s10  }
0x32: {  	s10 =	sld [smem:$0x3FB4];
	_ =	sdelay $0x3  }
0x33: {  	p0 =	seq.s32 s10, $0x1;
	s10 =	sld [smem:$0x3FB6];
	_ =	sdelay $0x3  }
0x34: {  	[smem:$0x3FB6] =	sst s10  }
0x35: {  	s10 =	sld [smem:$0x3FB5];
	_ =	sdelay $0x3  }
0x36: {  	p1 =	seq.s32 s10, $0x1;
	s10 =	sld [smem:$0x3FB6];
	_ =	sdelay $0x3  }
0x37: {  	[smem:$0x3FB6] =	sst s10  }
0x38: {  	s10 =	sld [smem:$0x3FB7]  }
0x39: {  	_ = 	snop;
	(pc) =	sbr.ind lr, $3  }
0x3a: {  	_ = 	snop  }
0x3b: {  	_ = 	snop  }
0x3c: {  	p2 =	seq.s32 s10, $0x1;
	s10 =	sld [smem:$0x3FB6]  }
0x3d: {  	_ =	shalt  }
0x3e: {  	_ =	shalt  }
0x3f: {  	_ =	shalt  }
0x40: {  	_ =	shalt  }
0x41: {  	_ =	shalt  }
0x42: {  	_ =	shalt  }
0x43: {  	_ =	shalt  }
0x44: {  	_ =	shalt  }
0x45: {  	_ =	shalt  }
0x46: {  	_ =	shalt  }
0x47: {  	_ =	shalt  }
0x48: {  	_ =	shalt  }
0x49: {  	_ =	shalt  }
0x4a: {  	_ =	shalt  }
0x4b: {  	_ =	shalt  }
0x4c: {  	_ =	shalt  }
0x4d: {  	_ =	shalt  }
0x4e: {  	_ =	shalt  }
0x4f: {  	_ =	shalt  }
0x50: {  	_ =	shalt  }
0x51: {  	_ =	shalt  }
0x52: {  	_ =	shalt  }
0x53: {  	_ =	shalt  }
0x54: {  	_ =	shalt  }
0x55: {  	_ =	shalt  }
0x56: {  	_ =	shalt  }
0x57: {  	_ =	shalt  }
0x58: {  	_ =	shalt  }
0x59: {  	_ =	shalt  }
0x5a: {  	_ =	shalt  }
0x5b: {  	_ =	shalt  }
0x5c: {  	_ =	shalt  }
0x5d: {  	_ =	shalt  }
0x5e: {  	_ =	shalt  }
0x5f: {  	_ =	shalt  }
0x60: {  	_ =	shalt  }
0x61: {  	_ =	shalt  }
0x62: {  	_ =	shalt  }
0x63: {  	_ =	shalt  }
0x64: {  	_ =	shalt  }
0x65: {  	_ =	shalt  }
0x66: {  	_ =	shalt  }
0x67: {  	_ =	shalt  }
0x68: {  	_ =	shalt  }
0x69: {  	_ =	shalt  }
0x6a: {  	_ =	shalt  }
0x6b: {  	_ =	shalt  }
0x6c: {  	_ =	shalt  }
0x6d: {  	_ =	shalt  }
0x6e: {  	_ =	shalt  }
0x6f: {  	_ =	shalt  }
0x70: {  	_ =	shalt  }
0x71: {  	_ =	shalt  }
0x72: {  	_ =	shalt  }
0x73: {  	_ =	shalt  }
0x74: {  	_ =	shalt  }
0x75: {  	_ =	shalt  }
0x76: {  	_ =	shalt  }
0x77: {  	_ =	shalt  }
0x78: {  	_ =	shalt  }
0x79: {  	_ =	shalt  }
0x7a: {  	_ =	shalt  }
0x7b: {  	_ =	shalt  }
0x7c: {  	_ =	shalt  }
0x7d: {  	_ =	shalt  }
0x7e: {  	_ =	shalt  }
0x7f: {  	_ =	shalt  }
0x80: {  	_ =	shalt  }
0x81: {  	_ =	shalt  }
0x82: {  	_ =	shalt  }
0x83: {  	_ =	shalt  }
0x84: {  	_ =	shalt  }
0x85: {  	_ =	shalt  }
0x86: {  	_ =	shalt  }
0x87: {  	_ =	shalt  }
.Lfunc_end0:
.L_simem_size_0:
called_computation_lowered:
.L_overlay_start_0:
0x88: {  	s2 =	sld [smem:$0x3FD9]  }
0x89: {  	s3 =	sld [smem:$0x3FFE];
	_ =	sdelay $0x1  }
0x8a: {  	s1 =	srdreg.scid  }
0x8b: {  	s0 =	sand.u32 $0x1, s1  }
0x8c: {  	s17 =	sshll.u32 s0, $0xA;
	s2 =	sadd.s32 s3, s2  }
0x8d: {  	s2 =	sadd.s32 s2, s17  }
0x8e: {  	[smem:$0x3FC2] =	sst s2  }
0x8f: {  	_ = 	snop  }
0x90: {  	s2 =	sld [smem:$0x3FD0];
	(tm) =	ssettm $0x1  }
0x91: {  	s18 =	sld [smem:$0x3FFB];
	_ =	sdelay $0x3  }
0x92: {  	_ =	strace s18  }
0x93: {  	s3 =	sld [smem:$0x3FFC];
	_ =	sdelay $0x3  }
0x94: {  	_ =	strace s3  }
0x95: {  	s3 =	sld [smem:$0x3FFD];
	_ =	sdelay $0x3  }
0x96: {  	_ =	strace s3  }
0x97: {  	_ =	strace $0x8FFFFFFF  }
0x98: {  	s19 =	sld [smem:$0x3FDB];
	_ =	sdelay $0x1  }
0x99: {  	s4 =	simm.s32 $_scs_section_size  }
0x9a: {  	s5 =	simm.s32 $_size__tile_overlayer_lowered;
	s6 =	simm.s32 $_tile_overlayer_lowered  }
0x9b: {  	s22 =	simm.s32 $0x1BFF;
	s21 =	sshll.u32 s6, $0x1;
	s3 =	sadd.s32 s4, s19  }
0x9c: {  	s7 =	simm.s32 $0x0;
	s20 =	sshll.u32 s5, $0x1;
	s5 =	sadd.s32 s21, s3  }
0x9d: {  	[timem:s7], [sflag:s22] =	dma.local [hbm:s5], s20  }
0x9e: {  	_ =	swait.ge [sflag:s22], s20  }
0x9f: {  	s4 =	ssub.s32 $0x0, s20;
	[sflag:s22] =	ssyncset.done $0x0  }
0xa0: {  	[sflag:s22] =	ssyncadd.s32 s4;
	_ =	sdelay $0x1  }
0xa1: {  	s23 =	simm.s32 $0x1B8B  }
0xa2: {  	_ =	swait.ge [sflag:s23], $0x1  }
0xa3: {  	[sflag:s23] =	ssyncset.done $0x0  }
0xa4: {  	s25 =	simm.s32 $0x1B8E;
	s24 =	sld [smem:$0x3FFE];
	[sflag:s23] =	ssyncadd.s32 $0xFFFFFFFF  }
0xa5: {  	s26 =	simm.s32 $execute0_lowered;
	[smem:$0x3FD2] =	sst s25  }
0xa6: {  	s5 =	sshll.u32 s26, $0x1;
	_ =	strace $0x80000046;
	[dreg:$0x1] =	wrdreg $0xFFFFFFFF  }
0xa7: {  	s28 =	simm.s32 $_size_execute0_lowered;
	s3 =	sadd.s32 s3, s5;
	[dreg:$0x0] =	wrdreg $0x0  }
0xa8: {  	s5 =	sshll.u32 s28, $0x1;
	[dreg:$0x2] =	wrdreg s3  }
0xa9: {  	[dreg:$0x3] =	wrdreg s5  }
0xaa: {  	[dreg:$0x4] =	wrdreg $0xC0  }
0xab: {  	_ =	task [dreg:s7], $0x5FFFF  }
0xac: {  	[dreg:$0x1] =	wrdreg $0xFFFFFFFF  }
0xad: {  	[dreg:$0x0] =	wrdreg $0x60  }
0xae: {  	[dreg:$0x2] =	wrdreg s24  }
0xaf: {  	[dreg:$0x3] =	wrdreg s2  }
0xb0: {  	[dreg:$0x4] =	wrdreg $0x41800  }
0xb1: {  	[dreg:$0x5] =	wrdreg $0x9  }
0xb2: {  	_ =	task.clear_ibuf [dreg:s7], $0x6FFFF;
	_ =	strace $0x90000046  }
0xb3: {  	s29 =	simm.s32 $0x9;
	_ =	strace $0x80000048  }
0xb4: {  	_ =	swait.ge [sflag:s29], $0x1  }
0xb5: {  	[sflag:s29] =	ssyncadd.s32 $0xFFFFFFFF  }
0xb6: {  	_ =	strace $0x90000048  }
0xb7: {  	_ =	sfence  }
0xb8: {  	s30 =	sld [smem:$0x0];
	_ =	sdelay $0x2  }
0xb9: {  	s31 =	sshll.u32 s1, $0xD;
	s1 =	sshrl.u32 s1, $0x2  }
0xba: {  	s3 =	sand.u32 $0x4000, s31;
	s1 =	sadd.s32 s1, s30  }
0xbb: {  	s0 =	sor.u32 s3, s0;
	s1 =	sshll.u32 s1, $0x11  }
0xbc: {  	s0 =	sor.u32 s1, s0  }
0xbd: {  	s0 =	sadd.s32 $0x8F2B, s0  }
0xbe: {  	[sflag:s0] =	ssyncadd.remote.s32 $0x1  }
0xbf: {  	_ =	sfence.sel $0xFFFF  }
0xc0: {  	[dreg:$0x0] =	wrdreg $0xFFFFFFFF;
	(pc) =	sbr.abs _section_cstart, $3  }
0xc1: {  	[dreg:$0x1] =	wrdreg $0xFFFFFFFF  }
0xc2: {  	_ =	task.clear_ibuf [dreg:s7], $0x2FFFF;
	_ =	strace $0x9FFFFFFF  }
0xc3: {  	(tm) =	ssettm $0x7FFFFFFF  }
tec
execute0_lowered:
.L_overlay_start_1:
0x0: {  	(tag) =	ssettag $0x1  }
0x1: {  	s8 =	rddreg [dreg:$0x0]  }
0x2: {  	s1 =	rddreg [dreg:$0x1]  }
0x3: {  	s2 =	rddreg [dreg:$0x2]  }
0x4: {  	s0 =	rddreg [dreg:$0x3];
	s4 =	simm.s32 $0x0  }
0x5: {  	s3 =	stileid.u32;
	s7 =	srdreg.scid;
	s16 =	simm.s32 $0x8C200  }
0x6: {  	s17 =	simm.s32 $0x180;
	s18 =	simm.s32 $0x1;
	[smem:$0x7FF] =	sst s4  }
0x7: {  	s5 =	sadd.s32 $0x1E00, s8;
	s9 =	smul.u32 $0x2780, s3;
	s6 =	sadd.s32 $0x29600, s8  }
0x8: {  	s10 =	sand.u32 $0x1, s7;
	s11 =	smul.u32 $0x4F000, s3;
	s7 =	sadd.s32 $0x33400, s8  }
0x9: {  	s13 =	sshll.u32 s3, $0x1;
	s31 =	sshll.u32 s3, $0x6;
	_ =	strace $0x80000047  }
0xa: {  	s29 =	ssub.s32 $0x2, s10;
	s13 =	sor.u32 s10, s13;
	p0 =	seq.s32 s10, $0x1  }
0xb: {  	s12 =	sadd.s32 s9, s8;
	s30 =	sshrl.u32 s29, $0x1;
	s11 =	sshrl.u32 s11, $0x2  }
0xc: {  	s9 =	sor.u32 $0x1C02, s31;
	s16 =	simm.s32 @!p0 $0x64A00;
	s10 =	smul.u32 $0x4F, s13  }
0xd: {  	s14 =	ssub.s32 s29, s30;
	s15 =	sadd.s32 s11, s2;
	s8 =	sadd.s32 $0x3D200, s12  }
0xe: {  	s12 =	sadd.s32 s16, s12;
	s16 =	simm.s32 $0x100;
	s11 =	smax.u32 s14, $0x1  }
0xf: {  	s13 =	sshrl.u32 s15, $0x3;
	s14 =	simm.s32 $0x2;
	s15 =	simm.s32 $0x80  }
.LBB2_1:
0x10: {  	[spmem:s13], [sflag:s9] =	dma.local [hbm:s8], $0x2780  }
0x11: {  	_ =	swait.ge [sflag:s14], $0x2780  }
0x12: {  	[sflag:s14] =	ssyncset.done $0x0  }
0x13: {  	[sflag:s14] =	ssyncadd.s32 $0xFFFFD880  }
0x14: {  	s19 =	simm.s32 $0x0;
	[bflag:$0x0] =	sbarrier.arrive $0xFFFF  }
.LBB2_2:
0x15: {  	s20 =	sadd.s32 s10, s19  }
0x16: {  	s20 =	sshll.u32 s20, $0x4  }
0x17: {  	s22 =	simm.s32 $0x0;
	s21 =	sadd.s32 s1, s20  }
0x18: {  	[tilespmem:s22], [sflag:$0x2] =	stream.linear.gather [hbm4b:s21+s22], $0x80, $0x38;
	[tilespmem:$0x17D80] =	vst v63  }
0x19: {  	_ =	swait.ge [sflag:s14], $0x80  }
0x1a: {  	[sflag:s14] =	ssyncset.done $0x0  }
0x1b: {  	s29 =	sadd.s32 s6, s20;
	[sflag:s14] =	ssyncadd.s32 $0xFFFFFF80  }
0x1c: {  	[tilespmem:s15], [sflag:$0x2] =	stream.linear.gather [hbm4b:s29+s22], $0x80, $0x38;
	[tilespmem:$0x17D80] =	vst v63  }
0x1d: {  	_ =	swait.ge [sflag:s14], $0x80  }
0x1e: {  	[sflag:s14] =	ssyncset.done $0x0  }
0x1f: {  	s20 =	sadd.s32 s7, s20;
	[sflag:s14] =	ssyncadd.s32 $0xFFFFFF80  }
0x20: {  	[tilespmem:s16], [sflag:$0x2] =	stream.linear.gather [hbm4b:s20+s22], $0x80, $0x38;
	[tilespmem:$0x17D80] =	vst v63  }
0x21: {  	_ =	swait.ge [sflag:s14], $0x80  }
0x22: {  	[sflag:s14] =	ssyncset.done $0x0  }
0x23: {  	[sflag:s14] =	ssyncadd.s32 $0xFFFFFF80  }
0x24: {  	[tilespmem:s17], [sflag:$0x1] =	stream.indirect.gather [hbm4b:s5+s15], $0x80, s22, s15, $0xb8;
	[tilespmem:$0x17D80] =	vst v63  }
0x25: {  	_ =	swait.ge [sflag:s18], $0x4000  }
0x26: {  	s30 =	simm.s32 $0x0;
	[sflag:s18] =	ssyncset.done $0x0  }
0x27: {  	s31 =	simm.s32 $0x0;
	s20 =	sand.u32 $0x3FFFFFF0, s30;
	[sflag:s18] =	ssyncadd.s32 $0xFFFFC000  }
0x28: {  	v0 =	vld [tilespmem:s20+$0x100];
	s20 =	sand.u32 $0x3FFFF800, s31  }
0x29: {  	v6 =	vld [tilespmem:s20+$0x240]  }
0x2a: {  	v2 =	vld [tilespmem:s20+$0x1A0]  }
0x2b: {  	v3 =	vld [tilespmem:s20+$0x1B0]  }
0x2c: {  	v9 =	vld [tilespmem:s20+$0x1E0]  }
0x2d: {  	v10 =	vld [tilespmem:s20+$0x1F0];
	v1 =	vbroadcast v0, $0x0  }
0x2e: {  	v11 =	vld [tilespmem:s20+$0x200]  }
0x2f: {  	v12 =	vld [tilespmem:s20+$0x210];
	v2 =	vmul.f32 v2, v1  }
0x30: {  	v13 =	vld [tilespmem:s20+$0x220];
	v3 =	vmul.f32 v3, v1  }
0x31: {  	v8 =	vld [tilespmem:s20+$0x230];
	v28 =	vbroadcast v0, $0x1;
	v27 =	vmul.f32 v9, v1;
	[tilespmem:s20+$0x1A0] =	vst v2  }
0x32: {  	v7 =	vld [tilespmem:s20+$0x250];
	v10 =	vmul.f32 v10, v1;
	[tilespmem:s20+$0x1B0] =	vst v3  }
0x33: {  	v5 =	vld [tilespmem:s20+$0x6F0];
	v11 =	vmul.f32 v11, v28;
	[tilespmem:s20+$0x1E0] =	vst v27  }
0x34: {  	v30 =	vld [tilespmem:s20+$0x270];
	v12 =	vmul.f32 v12, v28;
	[tilespmem:s20+$0x1F0] =	vst v10  }
0x35: {  	v31 =	vld [tilespmem:s20+$0x280];
	v13 =	vmul.f32 v13, v28;
	[tilespmem:s20+$0x200] =	vst v11  }
0x36: {  	v32 =	vld [tilespmem:s20+$0x290];
	v8 =	vmul.f32 v8, v28;
	[tilespmem:s20+$0x210] =	vst v12  }
0x37: {  	v29 =	vld [tilespmem:s20+$0x260];
	v6 =	vmul.f32 v6, v28;
	[tilespmem:s20+$0x220] =	vst v13  }
0x38: {  	v33 =	vld [tilespmem:s20+$0x2A0];
	v14 =	vbroadcast v0, $0x2;
	v7 =	vmul.f32 v7, v28;
	[tilespmem:s20+$0x230] =	vst v8  }
0x39: {  	v34 =	vld [tilespmem:s20+$0x2B0];
	v9 =	vmul.f32 v30, v28;
	[tilespmem:s20+$0x240] =	vst v6  }
0x3a: {  	v35 =	vld [tilespmem:s20+$0x2C0];
	v4 =	vbroadcast v0, $0xA;
	v37 =	vmul.f32 v31, v14;
	[tilespmem:s20+$0x250] =	vst v7  }
0x3b: {  	v36 =	vld [tilespmem:s20+$0x2D0];
	v39 =	vmul.f32 v32, v14;
	[tilespmem:s20+$0x270] =	vst v9  }
0x3c: {  	v38 =	vld [tilespmem:s20+$0x2E0];
	v2 =	vmul.f32 v5, v4;
	[tilespmem:s20+$0x280] =	vst v37  }
0x3d: {  	v40 =	vld [tilespmem:s20+$0x2F0];
	v10 =	vmul.f32 v29, v28;
	[tilespmem:s20+$0x290] =	vst v39  }
0x3e: {  	v41 =	vld [tilespmem:s20+$0x300];
	v8 =	vmul.f32 v33, v14;
	[tilespmem:s20+$0x6F0] =	vst v2  }
0x3f: {  	v42 =	vld [tilespmem:s20+$0x310];
	v6 =	vmul.f32 v34, v14;
	[tilespmem:s20+$0x260] =	vst v10  }
0x40: {  	v43 =	vld [tilespmem:s20+$0x320];
	v7 =	vmul.f32 v35, v14;
	[tilespmem:s20+$0x2A0] =	vst v8  }
0x41: {  	v44 =	vld [tilespmem:s20+$0x330];
	v46 =	vbroadcast v0, $0x3;
	v9 =	vmul.f32 v38, v14;
	[tilespmem:s20+$0x2B0] =	vst v6  }
0x42: {  	v45 =	vld [tilespmem:s20+$0x340];
	v11 =	vmul.f32 v40, v14;
	[tilespmem:s20+$0x2C0] =	vst v7  }
0x43: {  	v47 =	vld [tilespmem:s20+$0x350];
	v12 =	vmul.f32 v41, v46;
	[tilespmem:s20+$0x2E0] =	vst v9  }
0x44: {  	v48 =	vld [tilespmem:s20+$0x360];
	v10 =	vmul.f32 v36, v14;
	[tilespmem:s20+$0x2F0] =	vst v11  }
0x45: {  	v49 =	vld [tilespmem:s20+$0x370];
	v8 =	vmul.f32 v42, v46;
	[tilespmem:s20+$0x300] =	vst v12  }
0x46: {  	v50 =	vld [tilespmem:s20+$0x380];
	v6 =	vmul.f32 v43, v46;
	[tilespmem:s20+$0x2D0] =	vst v10  }
0x47: {  	v51 =	vld [tilespmem:s20+$0x390];
	v7 =	vmul.f32 v44, v46;
	[tilespmem:s20+$0x310] =	vst v8  }
0x48: {  	v52 =	vld [tilespmem:s20+$0x3A0];
	v9 =	vmul.f32 v47, v46;
	[tilespmem:s20+$0x320] =	vst v6  }
0x49: {  	v53 =	vld [tilespmem:s20+$0x3B0];
	v11 =	vmul.f32 v48, v46;
	[tilespmem:s20+$0x330] =	vst v7  }
0x4a: {  	v54 =	vld [tilespmem:s20+$0x3C0];
	v55 =	vbroadcast v0, $0x4;
	v12 =	vmul.f32 v49, v46;
	[tilespmem:s20+$0x350] =	vst v9  }
0x4b: {  	v56 =	vld [tilespmem:s20+$0x3D0];
	v10 =	vmul.f32 v45, v46;
	[tilespmem:s20+$0x360] =	vst v11  }
0x4c: {  	v57 =	vld [tilespmem:s20+$0x3E0];
	v8 =	vmul.f32 v50, v55;
	[tilespmem:s20+$0x370] =	vst v12  }
0x4d: {  	v58 =	vld [tilespmem:s20+$0x3F0];
	v6 =	vmul.f32 v51, v55;
	[tilespmem:s20+$0x340] =	vst v10  }
0x4e: {  	v59 =	vld [tilespmem:s20+$0x400];
	v7 =	vmul.f32 v52, v55;
	[tilespmem:s20+$0x380] =	vst v8  }
0x4f: {  	v60 =	vld [tilespmem:s20+$0x410];
	v9 =	vmul.f32 v54, v55;
	[tilespmem:s20+$0x390] =	vst v6  }
0x50: {  	v61 =	vld [tilespmem:s20+$0x420];
	v11 =	vmul.f32 v56, v55;
	[tilespmem:s20+$0x3A0] =	vst v7  }
0x51: {  	v62 =	vld [tilespmem:s20+$0x430];
	v12 =	vmul.f32 v57, v55;
	[tilespmem:s20+$0x3C0] =	vst v9  }
0x52: {  	v63 =	vld [tilespmem:s20+$0x440];
	v16 =	vbroadcast v0, $0x5;
	v10 =	vmul.f32 v53, v55;
	[tilespmem:s20+$0x3D0] =	vst v11  }
0x53: {  	v17 =	vld [tilespmem:s20+$0x450];
	v8 =	vmul.f32 v58, v55;
	[tilespmem:s20+$0x3E0] =	vst v12  }
0x54: {  	v18 =	vld [tilespmem:s20+$0x460];
	v6 =	vmul.f32 v59, v16;
	[tilespmem:s20+$0x3B0] =	vst v10  }
0x55: {  	v19 =	vld [tilespmem:s20+$0x470];
	v7 =	vmul.f32 v60, v16;
	[tilespmem:s20+$0x3F0] =	vst v8  }
0x56: {  	v20 =	vld [tilespmem:s20+$0x480];
	v9 =	vmul.f32 v62, v16;
	[tilespmem:s20+$0x400] =	vst v6  }
0x57: {  	v21 =	vld [tilespmem:s20+$0x490];
	v11 =	vmul.f32 v63, v16;
	[tilespmem:s20+$0x410] =	vst v7  }
0x58: {  	v22 =	vld [tilespmem:s20+$0x4A0];
	v12 =	vmul.f32 v17, v16;
	[tilespmem:s20+$0x430] =	vst v9  }
0x59: {  	v23 =	vld [tilespmem:s20+$0x4B0];
	v10 =	vmul.f32 v61, v16;
	[tilespmem:s20+$0x440] =	vst v11  }
0x5a: {  	v24 =	vld [tilespmem:s20+$0x4C0];
	v25 =	vbroadcast v0, $0x6;
	v8 =	vmul.f32 v18, v16;
	[tilespmem:s20+$0x450] =	vst v12  }
0x5b: {  	v56 =	vld [tilespmem:s20+$0x680];
	v6 =	vmul.f32 v19, v16;
	[tilespmem:s20+$0x420] =	vst v10  }
0x5c: {  	v26 =	vld [tilespmem:s20+$0x4D0];
	v7 =	vmul.f32 v20, v25;
	[tilespmem:s20+$0x460] =	vst v8  }
0x5d: {  	v30 =	vld [tilespmem:s20+$0x510];
	v9 =	vmul.f32 v22, v25;
	[tilespmem:s20+$0x470] =	vst v6  }
0x5e: {  	v27 =	vld [tilespmem:s20+$0x4E0];
	v11 =	vmul.f32 v23, v25;
	[tilespmem:s20+$0x480] =	vst v7  }
0x5f: {  	v28 =	vld [tilespmem:s20+$0x4F0];
	v12 =	vmul.f32 v24, v25;
	[tilespmem:s20+$0x4A0] =	vst v9  }
0x60: {  	v31 =	vld [tilespmem:s20+$0x520];
	v62 =	vmul.f32 v56, v4;
	[tilespmem:s20+$0x4B0] =	vst v11  }
0x61: {  	v32 =	vld [tilespmem:s20+$0x530];
	v10 =	vmul.f32 v21, v25;
	[tilespmem:s20+$0x4C0] =	vst v12  }
0x62: {  	v3 =	vld [tilespmem:s20+$0x700];
	v8 =	vmul.f32 v26, v25;
	[tilespmem:s20+$0x680] =	vst v62  }
0x63: {  	v5 =	vld [tilespmem:s20+$0x710];
	v34 =	vbroadcast v0, $0x7;
	v6 =	vmul.f32 v27, v25;
	[tilespmem:s20+$0x490] =	vst v10  }
0x64: {  	v29 =	vld [tilespmem:s20+$0x500];
	v7 =	vmul.f32 v28, v25;
	[tilespmem:s20+$0x4D0] =	vst v8  }
0x65: {  	v60 =	vld [tilespmem:s20+$0x6C0];
	v9 =	vmul.f32 v30, v34;
	[tilespmem:s20+$0x4E0] =	vst v6  }
0x66: {  	v33 =	vld [tilespmem:s20+$0x540];
	v24 =	vbroadcast v0, $0xB;
	v11 =	vmul.f32 v31, v34;
	[tilespmem:s20+$0x4F0] =	vst v7  }
0x67: {  	v35 =	vld [tilespmem:s20+$0x550];
	v12 =	vmul.f32 v32, v34;
	[tilespmem:s20+$0x510] =	vst v9  }
0x68: {  	v38 =	vld [tilespmem:s20+$0x580];
	v3 =	vmul.f32 v3, v24;
	[tilespmem:s20+$0x520] =	vst v11  }
0x69: {  	v36 =	vld [tilespmem:s20+$0x560];
	v5 =	vmul.f32 v5, v24;
	[tilespmem:s20+$0x530] =	vst v12  }
0x6a: {  	v2 =	vld [tilespmem:s20+$0x950];
	v19 =	vmul.f32 v60, v4;
	[tilespmem:s20+$0x700] =	vst v3  }
0x6b: {  	v39 =	vld [tilespmem:s20+$0x590];
	v10 =	vmul.f32 v29, v34;
	[tilespmem:s20+$0x710] =	vst v5  }
0x6c: {  	v40 =	vld [tilespmem:s20+$0x5A0];
	v8 =	vmul.f32 v33, v34;
	[tilespmem:s20+$0x6C0] =	vst v19  }
0x6d: {  	v43 =	vbroadcast v0, $0x8;
	v61 =	vld [tilespmem:s20+$0x6D0];
	v6 =	vmul.f32 v35, v34;
	[tilespmem:s20+$0x500] =	vst v10  }
0x6e: {  	v16 =	vld [tilespmem:s20+$0x180];
	v7 =	vmul.f32 v36, v34;
	[tilespmem:s20+$0x540] =	vst v8  }
0x6f: {  	v37 =	vld [tilespmem:s20+$0x570];
	v9 =	vmul.f32 v38, v43;
	[tilespmem:s20+$0x550] =	vst v6  }
0x70: {  	v41 =	vld [tilespmem:s20+$0x5B0];
	v11 =	vmul.f32 v39, v43;
	[tilespmem:s20+$0x560] =	vst v7  }
0x71: {  	v42 =	vld [tilespmem:s20+$0x5C0];
	v12 =	vmul.f32 v40, v43;
	[tilespmem:s20+$0x580] =	vst v9  }
0x72: {  	v44 =	vld [tilespmem:s20+$0x5D0];
	v21 =	vmul.f32 v61, v4;
	[tilespmem:s20+$0x590] =	vst v11  }
0x73: {  	v46 =	vld [tilespmem:s20+$0x5F0];
	v25 =	vmul.f32 v1, v16;
	[tilespmem:s20+$0x5A0] =	vst v12  }
0x74: {  	v47 =	vld [tilespmem:s20+$0x600];
	v10 =	vmul.f32 v37, v34;
	[tilespmem:s20+$0x6D0] =	vst v21  }
0x75: {  	v48 =	vld [tilespmem:s20+$0x610];
	v8 =	vmul.f32 v41, v43;
	[tilespmem:s20+$0x180] =	vst v25  }
0x76: {  	v6 =	vmul.f32 v42, v43;
	[tilespmem:s20+$0x570] =	vst v10  }
0x77: {  	v52 =	vbroadcast v0, $0x9;
	v27 =	vld [tilespmem:s20+$0x750];
	v7 =	vmul.f32 v44, v43;
	[tilespmem:s20+$0x5B0] =	vst v8  }
0x78: {  	v30 =	vld [tilespmem:s20+$0x780];
	v9 =	vmul.f32 v46, v43;
	[tilespmem:s20+$0x5C0] =	vst v6  }
0x79: {  	v28 =	vld [tilespmem:s20+$0x760];
	v3 =	vbroadcast v0, $0xF;
	v11 =	vmul.f32 v47, v52;
	[tilespmem:s20+$0x5D0] =	vst v7  }
0x7a: {  	v45 =	vld [tilespmem:s20+$0x5E0];
	v12 =	vmul.f32 v48, v52;
	[tilespmem:s20+$0x5F0] =	vst v9  }
0x7b: {  	v49 =	vld [tilespmem:s20+$0x620];
	v35 =	vbroadcast v0, $0xC;
	v2 =	vmul.f32 v2, v3;
	[tilespmem:s20+$0x600] =	vst v11  }
0x7c: {  	v50 =	vld [tilespmem:s20+$0x630];
	v32 =	vmul.f32 v27, v24;
	[tilespmem:s20+$0x610] =	vst v12  }
0x7d: {  	v51 =	vld [tilespmem:s20+$0x640];
	v14 =	vmul.f32 v30, v35;
	[tilespmem:s20+$0x950] =	vst v2  }
0x7e: {  	v54 =	vld [tilespmem:s20+$0x660];
	v40 =	vmul.f32 v28, v24;
	[tilespmem:s20+$0x750] =	vst v32  }
0x7f: {  	v55 =	vld [tilespmem:s20+$0x670];
	v10 =	vmul.f32 v45, v43;
	[tilespmem:s20+$0x780] =	vst v14  }
0x80: {  	v18 =	vld [tilespmem:s20+$0x1C0];
	v8 =	vmul.f32 v49, v52;
	[tilespmem:s20+$0x760] =	vst v40  }
0x81: {  	v38 =	vld [tilespmem:s20+$0x7F0];
	v6 =	vmul.f32 v50, v52;
	[tilespmem:s20+$0x5E0] =	vst v10  }
0x82: {  	v29 =	vld [tilespmem:s20+$0x770];
	v7 =	vmul.f32 v51, v52;
	[tilespmem:s20+$0x620] =	vst v8  }
0x83: {  	v33 =	vld [tilespmem:s20+$0x7B0];
	v9 =	vmul.f32 v54, v52;
	[tilespmem:s20+$0x630] =	vst v6  }
0x84: {  	v53 =	vld [tilespmem:s20+$0x650];
	v11 =	vmul.f32 v55, v52;
	[tilespmem:s20+$0x640] =	vst v7  }
0x85: {  	v57 =	vld [tilespmem:s20+$0x690];
	v2 =	vmul.f32 v18, v1;
	[tilespmem:s20+$0x660] =	vst v9  }
0x86: {  	v58 =	vld [tilespmem:s20+$0x6A0];
	v14 =	vmul.f32 v38, v35;
	[tilespmem:s20+$0x670] =	vst v11  }
0x87: {  	v59 =	vld [tilespmem:s20+$0x6B0];
	v5 =	vmul.f32 v29, v24;
	[tilespmem:s20+$0x1C0] =	vst v2  }
0x88: {  	v63 =	vld [tilespmem:s20+$0x6E0];
	v62 =	vmul.f32 v33, v35;
	[tilespmem:s20+$0x7F0] =	vst v14  }
0x89: {  	v17 =	vld [tilespmem:s20+$0x190];
	v10 =	vmul.f32 v53, v52;
	[tilespmem:s20+$0x770] =	vst v5  }
0x8a: {  	v20 =	vld [tilespmem:s20+$0x1D0];
	v8 =	vmul.f32 v57, v4;
	[tilespmem:s20+$0x7B0] =	vst v62  }
0x8b: {  	v61 =	vld [tilespmem:s20+$0x970];
	v6 =	vmul.f32 v58, v4;
	[tilespmem:s20+$0x650] =	vst v10  }
0x8c: {  	v46 =	vld [tilespmem:s20+$0x860];
	v7 =	vmul.f32 v59, v4;
	[tilespmem:s20+$0x690] =	vst v8  }
0x8d: {  	v22 =	vld [tilespmem:s20+$0x720];
	v4 =	vmul.f32 v63, v4;
	[tilespmem:s20+$0x6A0] =	vst v6  }
0x8e: {  	v23 =	vld [tilespmem:s20+$0x730];
	v11 =	vmul.f32 v17, v1;
	[tilespmem:s20+$0x6B0] =	vst v7  }
0x8f: {  	v26 =	vld [tilespmem:s20+$0x740];
	v44 =	vbroadcast v0, $0xD;
	v1 =	vmul.f32 v20, v1;
	[tilespmem:s20+$0x6E0] =	vst v4  }
0x90: {  	v31 =	vld [tilespmem:s20+$0x790];
	v63 =	vmul.f32 v61, v3;
	[tilespmem:s20+$0x190] =	vst v11  }
0x91: {  	v34 =	vld [tilespmem:s20+$0x7C0];
	v51 =	vmul.f32 v46, v44;
	[tilespmem:s20+$0x1D0] =	vst v1  }
0x92: {  	v41 =	vld [tilespmem:s20+$0x820];
	v6 =	vmul.f32 v22, v24;
	[tilespmem:s20+$0x970] =	vst v63  }
0x93: {  	v7 =	vmul.f32 v23, v24;
	v1 =	vld [tilespmem:s20+$0x810];
	[tilespmem:s20+$0x860] =	vst v51  }
0x94: {  	v49 =	vld [tilespmem:s20+$0x8A0];
	v4 =	vmul.f32 v26, v24;
	[tilespmem:s20+$0x720] =	vst v6  }
0x95: {  	v50 =	vld [tilespmem:s20+$0x8B0];
	v8 =	vmul.f32 v31, v35;
	[tilespmem:s20+$0x730] =	vst v7  }
0x96: {  	v36 =	vld [tilespmem:s20+$0x7D0];
	v11 =	vmul.f32 v34, v35;
	[tilespmem:s20+$0x740] =	vst v4  }
0x97: {  	v37 =	vld [tilespmem:s20+$0x7E0];
	v0 =	vbroadcast v0, $0xE;
	v10 =	vmul.f32 v41, v44;
	[tilespmem:s20+$0x790] =	vst v8  }
0x98: {  	v39 =	vld [tilespmem:s20+$0x800];
	[tilespmem:s20+$0x7C0] =	vst v11;
	v1 =	vmul.f32 v1, v44  }
0x99: {  	v42 =	vld [tilespmem:s20+$0x830];
	v9 =	vmul.f32 v49, v0;
	[tilespmem:s20+$0x820] =	vst v10  }
0x9a: {  	v5 =	vmul.f32 v50, v0;
	[tilespmem:s20+$0x810] =	vst v1;
	v1 =	vld [tilespmem:s20+$0x880]  }
0x9b: {  	v48 =	vld [tilespmem:s20+$0x890];
	v7 =	vmul.f32 v36, v35;
	[tilespmem:s20+$0x8A0] =	vst v9  }
0x9c: {  	v57 =	vld [tilespmem:s20+$0x920];
	v4 =	vmul.f32 v37, v35;
	[tilespmem:s20+$0x8B0] =	vst v5  }
0x9d: {  	v45 =	vld [tilespmem:s20+$0x850];
	v8 =	vmul.f32 v39, v44;
	[tilespmem:s20+$0x7D0] =	vst v7  }
0x9e: {  	v47 =	vld [tilespmem:s20+$0x870];
	v11 =	vmul.f32 v42, v44;
	[tilespmem:s20+$0x7E0] =	vst v4  }
0x9f: {  	v43 =	vld [tilespmem:s20+$0x840];
	[tilespmem:s20+$0x800] =	vst v8;
	v1 =	vmul.f32 v1, v0  }
0xa0: {  	v55 =	vld [tilespmem:s20+$0x900];
	v10 =	vmul.f32 v48, v0;
	[tilespmem:s20+$0x830] =	vst v11  }
0xa1: {  	v5 =	vmul.f32 v57, v3;
	[tilespmem:s20+$0x880] =	vst v1;
	v1 =	vld [tilespmem:s20+$0x8F0]  }
0xa2: {  	v52 =	vld [tilespmem:s20+$0x8C0];
	v4 =	vmul.f32 v45, v44;
	[tilespmem:s20+$0x890] =	vst v10  }
0xa3: {  	v56 =	vld [tilespmem:s20+$0x910];
	v8 =	vmul.f32 v47, v44;
	[tilespmem:s20+$0x920] =	vst v5  }
0xa4: {  	v54 =	vld [tilespmem:s20+$0x8E0];
	v7 =	vmul.f32 v43, v44;
	[tilespmem:s20+$0x850] =	vst v4  }
0xa5: {  	v58 =	vld [tilespmem:s20+$0x930];
	v10 =	vmul.f32 v55, v3;
	[tilespmem:s20+$0x870] =	vst v8  }
0xa6: {  	v53 =	vld [tilespmem:s20+$0x8D0];
	[tilespmem:s20+$0x840] =	vst v7;
	v1 =	vmul.f32 v1, v0  }
0xa7: {  	v59 =	vld [tilespmem:s20+$0x940];
	v4 =	vmul.f32 v52, v0;
	[tilespmem:s20+$0x900] =	vst v10  }
0xa8: {  	v60 =	vld [tilespmem:s20+$0x960];
	[tilespmem:s20+$0x8F0] =	vst v1;
	v1 =	vmul.f32 v56, v3  }
0xa9: {  	v8 =	vmul.f32 v54, v0;
	[tilespmem:s20+$0x8C0] =	vst v4  }
0xaa: {  	v2 =	vld [tilespmem:s20+$0x7A0];
	[tilespmem:s20+$0x910] =	vst v1;
	v1 =	vmul.f32 v58, v3  }
0xab: {  	[tilespmem:s20+$0x8E0] =	vst v8;
	v0 =	vmul.f32 v53, v0  }
0xac: {  	[tilespmem:s20+$0x930] =	vst v1;
	v1 =	vmul.f32 v59, v3  }
0xad: {  	[tilespmem:s20+$0x8D0] =	vst v0;
	v3 =	vmul.f32 v60, v3  }
0xae: {  	[tilespmem:s20+$0x940] =	vst v1  }
0xaf: {  	s21 =	simm.s32 $0x1;
	v1 =	vmul.f32 v2, v35;
	[tilespmem:s20+$0x960] =	vst v3  }
.LBB2_3:
0xb0: {  	s22 =	sshll.u32 s21, $0x4  }
0xb1: {  	p0 =	sne.s32 s21, $0x7;
	[tilespmem:s20+$0x7A0] =	vst v1;
	s20 =	smov.u32 s21;
	s21 =	sadd.s32 $0x1, s21  }
0xb2: {  	s22 =	sand.u32 $0x3FFFFFF0, s22  }
0xb3: {  	s20 =	sshll.u32 s20, $0xB;
	v0 =	vld [tilespmem:s22+$0x100]  }
0xb4: {  	s20 =	sand.u32 $0x3FFFF800, s20  }
0xb5: {  	v7 =	vld [tilespmem:s20+$0x240]  }
0xb6: {  	v8 =	vld [tilespmem:s20+$0x250]  }
0xb7: {  	v9 =	vld [tilespmem:s20+$0x230]  }
0xb8: {  	v1 =	vbroadcast v0, $0x0;
	v2 =	vld [tilespmem:s20+$0x1A0];
	v6 =	vbroadcast v0, $0x4  }
0xb9: {  	v4 =	vld [tilespmem:s20+$0x1B0]  }
0xba: {  	v5 =	vld [tilespmem:s20+$0x6F0]  }
0xbb: {  	v10 =	vld [tilespmem:s20+$0x1E0]  }
0xbc: {  	v11 =	vld [tilespmem:s20+$0x1F0]  }
0xbd: {  	v3 =	vbroadcast v0, $0xA;
	v2 =	vmul.f32 v2, v1;
	v12 =	vld [tilespmem:s20+$0x200]  }
0xbe: {  	v4 =	vmul.f32 v4, v1;
	v13 =	vld [tilespmem:s20+$0x210]  }
0xbf: {  	[tilespmem:s20+$0x1A0] =	vst v2;
	v14 =	vld [tilespmem:s20+$0x220];
	v2 =	vmul.f32 v5, v3  }
0xc0: {  	[tilespmem:s20+$0x1B0] =	vst v4;
	v5 =	vmul.f32 v10, v1;
	v10 =	vbroadcast v0, $0x1;
	v4 =	vld [tilespmem:s20+$0x700]  }
0xc1: {  	v11 =	vmul.f32 v11, v1;
	[tilespmem:s20+$0x6F0] =	vst v2;
	v2 =	vld [tilespmem:s20+$0x950]  }
0xc2: {  	[tilespmem:s20+$0x1E0] =	vst v5;
	v12 =	vmul.f32 v12, v10;
	v5 =	vld [tilespmem:s20+$0x710]  }
0xc3: {  	[tilespmem:s20+$0x1F0] =	vst v11;
	v11 =	vmul.f32 v13, v10;
	v13 =	vld [tilespmem:s20+$0x260]  }
0xc4: {  	[tilespmem:s20+$0x200] =	vst v12;
	v12 =	vmul.f32 v14, v10;
	v14 =	vld [tilespmem:s20+$0x270]  }
0xc5: {  	v9 =	vmul.f32 v9, v10;
	[tilespmem:s20+$0x210] =	vst v11;
	v11 =	vld [tilespmem:s20+$0x280]  }
0xc6: {  	v7 =	vmul.f32 v7, v10;
	[tilespmem:s20+$0x220] =	vst v12;
	v12 =	vld [tilespmem:s20+$0x290]  }
0xc7: {  	v8 =	vmul.f32 v8, v10;
	[tilespmem:s20+$0x230] =	vst v9;
	v9 =	vld [tilespmem:s20+$0x2A0]  }
0xc8: {  	[tilespmem:s20+$0x240] =	vst v7;
	v7 =	vmul.f32 v13, v10;
	v13 =	vbroadcast v0, $0x2;
	v15 =	vld [tilespmem:s20+$0x2B0]  }
0xc9: {  	[tilespmem:s20+$0x250] =	vst v8;
	v8 =	vmul.f32 v14, v10;
	v10 =	vld [tilespmem:s20+$0x2C0]  }
0xca: {  	[tilespmem:s20+$0x260] =	vst v7;
	v7 =	vmul.f32 v11, v13;
	v11 =	vld [tilespmem:s20+$0x2D0]  }
0xcb: {  	[tilespmem:s20+$0x270] =	vst v8;
	v8 =	vmul.f32 v12, v13;
	v12 =	vld [tilespmem:s20+$0x2E0]  }
0xcc: {  	[tilespmem:s20+$0x280] =	vst v7;
	v7 =	vmul.f32 v9, v13;
	v9 =	vld [tilespmem:s20+$0x2F0]  }
0xcd: {  	[tilespmem:s20+$0x290] =	vst v8;
	v8 =	vmul.f32 v15, v13;
	v14 =	vld [tilespmem:s20+$0x300]  }
0xce: {  	[tilespmem:s20+$0x2A0] =	vst v7;
	v7 =	vmul.f32 v10, v13;
	v10 =	vld [tilespmem:s20+$0x310]  }
0xcf: {  	[tilespmem:s20+$0x2B0] =	vst v8;
	v8 =	vmul.f32 v11, v13;
	v11 =	vld [tilespmem:s20+$0x320]  }
0xd0: {  	[tilespmem:s20+$0x2C0] =	vst v7;
	v7 =	vmul.f32 v12, v13;
	v12 =	vbroadcast v0, $0x3;
	v15 =	vld [tilespmem:s20+$0x330]  }
0xd1: {  	[tilespmem:s20+$0x2D0] =	vst v8;
	v8 =	vmul.f32 v9, v13;
	v9 =	vld [tilespmem:s20+$0x340]  }
0xd2: {  	[tilespmem:s20+$0x2E0] =	vst v7;
	v7 =	vmul.f32 v14, v12;
	v13 =	vld [tilespmem:s20+$0x350]  }
0xd3: {  	[tilespmem:s20+$0x2F0] =	vst v8;
	v8 =	vmul.f32 v10, v12;
	v10 =	vld [tilespmem:s20+$0x360]  }
0xd4: {  	[tilespmem:s20+$0x300] =	vst v7;
	v7 =	vmul.f32 v11, v12;
	v11 =	vld [tilespmem:s20+$0x370]  }
0xd5: {  	[tilespmem:s20+$0x310] =	vst v8;
	v8 =	vmul.f32 v15, v12;
	v14 =	vld [tilespmem:s20+$0x380]  }
0xd6: {  	[tilespmem:s20+$0x320] =	vst v7;
	v7 =	vmul.f32 v9, v12;
	v9 =	vld [tilespmem:s20+$0x390]  }
0xd7: {  	[tilespmem:s20+$0x330] =	vst v8;
	v8 =	vmul.f32 v13, v12;
	v13 =	vld [tilespmem:s20+$0x3A0]  }
0xd8: {  	[tilespmem:s20+$0x340] =	vst v7;
	v7 =	vmul.f32 v10, v12;
	v10 =	vld [tilespmem:s20+$0x3B0]  }
0xd9: {  	[tilespmem:s20+$0x350] =	vst v8;
	v8 =	vmul.f32 v11, v12;
	v11 =	vld [tilespmem:s20+$0x3C0]  }
0xda: {  	[tilespmem:s20+$0x360] =	vst v7;
	v7 =	vmul.f32 v14, v6;
	v12 =	vld [tilespmem:s20+$0x3D0]  }
0xdb: {  	[tilespmem:s20+$0x370] =	vst v8;
	v8 =	vmul.f32 v9, v6;
	v9 =	vld [tilespmem:s20+$0x3E0]  }
0xdc: {  	[tilespmem:s20+$0x380] =	vst v7;
	v7 =	vmul.f32 v13, v6;
	v13 =	vld [tilespmem:s20+$0x3F0]  }
0xdd: {  	[tilespmem:s20+$0x390] =	vst v8;
	v8 =	vmul.f32 v10, v6;
	v10 =	vld [tilespmem:s20+$0x400]  }
0xde: {  	[tilespmem:s20+$0x3A0] =	vst v7;
	v7 =	vmul.f32 v11, v6;
	v11 =	vld [tilespmem:s20+$0x410]  }
0xdf: {  	[tilespmem:s20+$0x3B0] =	vst v8;
	v8 =	vmul.f32 v12, v6;
	v12 =	vld [tilespmem:s20+$0x420]  }
0xe0: {  	[tilespmem:s20+$0x3C0] =	vst v7;
	v7 =	vmul.f32 v9, v6;
	v9 =	vbroadcast v0, $0x5;
	v14 =	vld [tilespmem:s20+$0x430]  }
0xe1: {  	[tilespmem:s20+$0x3D0] =	vst v8;
	v6 =	vmul.f32 v13, v6;
	v8 =	vld [tilespmem:s20+$0x440]  }
0xe2: {  	[tilespmem:s20+$0x3E0] =	vst v7;
	v7 =	vmul.f32 v10, v9;
	v10 =	vld [tilespmem:s20+$0x450]  }
0xe3: {  	[tilespmem:s20+$0x3F0] =	vst v6;
	v6 =	vmul.f32 v11, v9;
	v11 =	vld [tilespmem:s20+$0x460]  }
0xe4: {  	[tilespmem:s20+$0x400] =	vst v7;
	v7 =	vmul.f32 v12, v9;
	v12 =	vld [tilespmem:s20+$0x470]  }
0xe5: {  	[tilespmem:s20+$0x410] =	vst v6;
	v6 =	vmul.f32 v14, v9;
	v13 =	vld [tilespmem:s20+$0x480]  }
0xe6: {  	[tilespmem:s20+$0x420] =	vst v7;
	v7 =	vmul.f32 v8, v9;
	v8 =	vld [tilespmem:s20+$0x490]  }
0xe7: {  	[tilespmem:s20+$0x430] =	vst v6;
	v6 =	vmul.f32 v10, v9;
	v10 =	vld [tilespmem:s20+$0x4A0]  }
0xe8: {  	[tilespmem:s20+$0x440] =	vst v7;
	v7 =	vmul.f32 v11, v9;
	v11 =	vbroadcast v0, $0x6;
	v14 =	vld [tilespmem:s20+$0x4B0]  }
0xe9: {  	[tilespmem:s20+$0x450] =	vst v6;
	v6 =	vmul.f32 v12, v9;
	v9 =	vld [tilespmem:s20+$0x4C0]  }
0xea: {  	[tilespmem:s20+$0x460] =	vst v7;
	v7 =	vmul.f32 v13, v11;
	v12 =	vld [tilespmem:s20+$0x4D0]  }
0xeb: {  	[tilespmem:s20+$0x470] =	vst v6;
	v6 =	vmul.f32 v8, v11;
	v8 =	vld [tilespmem:s20+$0x4E0]  }
0xec: {  	[tilespmem:s20+$0x480] =	vst v7;
	v7 =	vmul.f32 v10, v11;
	v10 =	vld [tilespmem:s20+$0x4F0]  }
0xed: {  	[tilespmem:s20+$0x490] =	vst v6;
	v6 =	vmul.f32 v14, v11;
	v13 =	vld [tilespmem:s20+$0x500]  }
0xee: {  	[tilespmem:s20+$0x4A0] =	vst v7;
	v7 =	vmul.f32 v9, v11;
	v9 =	vld [tilespmem:s20+$0x510]  }
0xef: {  	[tilespmem:s20+$0x4B0] =	vst v6;
	v6 =	vmul.f32 v12, v11;
	v12 =	vld [tilespmem:s20+$0x520]  }
0xf0: {  	[tilespmem:s20+$0x4C0] =	vst v7;
	v7 =	vmul.f32 v8, v11;
	v8 =	vbroadcast v0, $0x7;
	v14 =	vld [tilespmem:s20+$0x530]  }
0xf1: {  	[tilespmem:s20+$0x4D0] =	vst v6;
	v6 =	vmul.f32 v10, v11;
	v10 =	vld [tilespmem:s20+$0x540]  }
0xf2: {  	[tilespmem:s20+$0x4E0] =	vst v7;
	v7 =	vmul.f32 v13, v8;
	v11 =	vld [tilespmem:s20+$0x550]  }
0xf3: {  	[tilespmem:s20+$0x4F0] =	vst v6;
	v6 =	vmul.f32 v9, v8;
	v9 =	vld [tilespmem:s20+$0x560]  }
0xf4: {  	[tilespmem:s20+$0x500] =	vst v7;
	v7 =	vmul.f32 v12, v8;
	v12 =	vld [tilespmem:s20+$0x570]  }
0xf5: {  	[tilespmem:s20+$0x510] =	vst v6;
	v6 =	vmul.f32 v14, v8;
	v13 =	vld [tilespmem:s20+$0x580]  }
0xf6: {  	[tilespmem:s20+$0x520] =	vst v7;
	v7 =	vmul.f32 v10, v8;
	v10 =	vld [tilespmem:s20+$0x590]  }
0xf7: {  	[tilespmem:s20+$0x530] =	vst v6;
	v6 =	vmul.f32 v11, v8;
	v11 =	vld [tilespmem:s20+$0x5A0]  }
0xf8: {  	[tilespmem:s20+$0x540] =	vst v7;
	v7 =	vmul.f32 v9, v8;
	v9 =	vbroadcast v0, $0x8;
	v14 =	vld [tilespmem:s20+$0x5B0]  }
0xf9: {  	[tilespmem:s20+$0x550] =	vst v6;
	v6 =	vmul.f32 v12, v8;
	v8 =	vld [tilespmem:s20+$0x5C0]  }
0xfa: {  	[tilespmem:s20+$0x560] =	vst v7;
	v7 =	vmul.f32 v13, v9;
	v12 =	vld [tilespmem:s20+$0x5D0]  }
0xfb: {  	[tilespmem:s20+$0x570] =	vst v6;
	v6 =	vmul.f32 v10, v9;
	v10 =	vld [tilespmem:s20+$0x5E0]  }
0xfc: {  	[tilespmem:s20+$0x580] =	vst v7;
	v7 =	vmul.f32 v11, v9;
	v11 =	vld [tilespmem:s20+$0x5F0]  }
0xfd: {  	[tilespmem:s20+$0x590] =	vst v6;
	v6 =	vmul.f32 v14, v9;
	v13 =	vld [tilespmem:s20+$0x600]  }
0xfe: {  	[tilespmem:s20+$0x5A0] =	vst v7;
	v7 =	vmul.f32 v8, v9;
	v8 =	vld [tilespmem:s20+$0x610]  }
0xff: {  	[tilespmem:s20+$0x5B0] =	vst v6;
	v6 =	vmul.f32 v12, v9;
	v12 =	vld [tilespmem:s20+$0x620]  }
0x100: {  	[tilespmem:s20+$0x5C0] =	vst v7;
	v7 =	vmul.f32 v10, v9;
	v10 =	vbroadcast v0, $0x9;
	v14 =	vld [tilespmem:s20+$0x630]  }
0x101: {  	[tilespmem:s20+$0x5D0] =	vst v6;
	v6 =	vmul.f32 v11, v9;
	v9 =	vld [tilespmem:s20+$0x640]  }
0x102: {  	[tilespmem:s20+$0x5E0] =	vst v7;
	v7 =	vmul.f32 v13, v10;
	v11 =	vld [tilespmem:s20+$0x650]  }
0x103: {  	[tilespmem:s20+$0x5F0] =	vst v6;
	v6 =	vmul.f32 v8, v10;
	v8 =	vld [tilespmem:s20+$0x660]  }
0x104: {  	[tilespmem:s20+$0x600] =	vst v7;
	v7 =	vmul.f32 v12, v10;
	v12 =	vld [tilespmem:s20+$0x670]  }
0x105: {  	[tilespmem:s20+$0x610] =	vst v6;
	v6 =	vmul.f32 v14, v10;
	v13 =	vld [tilespmem:s20+$0x680]  }
0x106: {  	[tilespmem:s20+$0x620] =	vst v7;
	v7 =	vmul.f32 v9, v10;
	v9 =	vld [tilespmem:s20+$0x690]  }
0x107: {  	[tilespmem:s20+$0x630] =	vst v6;
	v6 =	vmul.f32 v11, v10;
	v11 =	vld [tilespmem:s20+$0x6A0]  }
0x108: {  	[tilespmem:s20+$0x640] =	vst v7;
	v7 =	vmul.f32 v8, v10;
	v8 =	vld [tilespmem:s20+$0x6B0]  }
0x109: {  	[tilespmem:s20+$0x650] =	vst v6;
	v6 =	vmul.f32 v12, v10;
	v10 =	vld [tilespmem:s20+$0x6C0]  }
0x10a: {  	[tilespmem:s20+$0x660] =	vst v7;
	v7 =	vmul.f32 v13, v3;
	v12 =	vld [tilespmem:s20+$0x6D0]  }
0x10b: {  	[tilespmem:s20+$0x670] =	vst v6;
	v6 =	vmul.f32 v9, v3;
	v9 =	vld [tilespmem:s20+$0x6E0]  }
0x10c: {  	v13 =	vld [tilespmem:s20+$0x180];
	[tilespmem:s20+$0x680] =	vst v7;
	v7 =	vmul.f32 v11, v3  }
0x10d: {  	v11 =	vld [tilespmem:s20+$0x190];
	[tilespmem:s20+$0x690] =	vst v6;
	v6 =	vmul.f32 v8, v3  }
0x10e: {  	v8 =	vld [tilespmem:s20+$0x1C0];
	[tilespmem:s20+$0x6A0] =	vst v7;
	v7 =	vmul.f32 v10, v3  }
0x10f: {  	v10 =	vld [tilespmem:s20+$0x1D0];
	[tilespmem:s20+$0x6B0] =	vst v6;
	v6 =	vmul.f32 v12, v3  }
0x110: {  	[tilespmem:s20+$0x6C0] =	vst v7;
	v7 =	vmul.f32 v9, v3;
	v9 =	vbroadcast v0, $0xB;
	v12 =	vld [tilespmem:s20+$0x720]  }
0x111: {  	v3 =	vbroadcast v0, $0xF;
	v13 =	vmul.f32 v1, v13;
	[tilespmem:s20+$0x6D0] =	vst v6;
	v6 =	vld [tilespmem:s20+$0x730]  }
0x112: {  	v11 =	vmul.f32 v11, v1;
	[tilespmem:s20+$0x6E0] =	vst v7;
	v4 =	vmul.f32 v4, v9;
	v7 =	vld [tilespmem:s20+$0x740]  }
0x113: {  	v5 =	vmul.f32 v5, v9;
	[tilespmem:s20+$0x180] =	vst v13;
	v8 =	vmul.f32 v8, v1;
	v13 =	vld [tilespmem:s20+$0x750]  }
0x114: {  	v2 =	vmul.f32 v2, v3;
	v10 =	vmul.f32 v10, v1;
	[tilespmem:s20+$0x700] =	vst v4;
	v1 =	vld [tilespmem:s20+$0x760]  }
0x115: {  	[tilespmem:s20+$0x710] =	vst v5;
	v4 =	vmul.f32 v12, v9;
	v5 =	vld [tilespmem:s20+$0x770]  }
0x116: {  	v6 =	vmul.f32 v6, v9;
	v12 =	vld [tilespmem:s20+$0x780];
	[tilespmem:s20+$0x950] =	vst v2  }
0x117: {  	[tilespmem:s20+$0x190] =	vst v11;
	v2 =	vmul.f32 v7, v9;
	v7 =	vld [tilespmem:s20+$0x790]  }
0x118: {  	[tilespmem:s20+$0x1C0] =	vst v8;
	v8 =	vmul.f32 v13, v9;
	v11 =	vld [tilespmem:s20+$0x7A0]  }
0x119: {  	v13 =	vbroadcast v0, $0xC;
	[tilespmem:s20+$0x720] =	vst v4;
	v4 =	vmul.f32 v1, v9;
	v14 =	vld [tilespmem:s20+$0x7B0]  }
0x11a: {  	[tilespmem:s20+$0x750] =	vst v8;
	v5 =	vmul.f32 v5, v9;
	v8 =	vld [tilespmem:s20+$0x7C0]  }
0x11b: {  	[tilespmem:s20+$0x730] =	vst v6;
	v1 =	vmul.f32 v12, v13;
	v6 =	vld [tilespmem:s20+$0x7D0]  }
0x11c: {  	[tilespmem:s20+$0x740] =	vst v2;
	v2 =	vmul.f32 v7, v13;
	v7 =	vld [tilespmem:s20+$0x7E0]  }
0x11d: {  	[tilespmem:s20+$0x780] =	vst v1;
	v1 =	vmul.f32 v11, v13;
	v9 =	vld [tilespmem:s20+$0x7F0]  }
0x11e: {  	[tilespmem:s20+$0x790] =	vst v2;
	v2 =	vld [tilespmem:s20+$0x800]  }
0x11f: {  	[tilespmem:s20+$0x1D0] =	vst v10;
	v8 =	vmul.f32 v8, v13;
	v10 =	vld [tilespmem:s20+$0x810]  }
0x120: {  	[tilespmem:s20+$0x760] =	vst v4;
	v4 =	vmul.f32 v6, v13;
	v6 =	vld [tilespmem:s20+$0x820]  }
0x121: {  	[tilespmem:s20+$0x7C0] =	vst v8;
	v7 =	vmul.f32 v7, v13;
	v8 =	vbroadcast v0, $0xD;
	v11 =	vld [tilespmem:s20+$0x830]  }
0x122: {  	[tilespmem:s20+$0x7D0] =	vst v4;
	v4 =	vmul.f32 v9, v13;
	v9 =	vld [tilespmem:s20+$0x840]  }
0x123: {  	[tilespmem:s20+$0x7E0] =	vst v7;
	v2 =	vmul.f32 v2, v8;
	v7 =	vld [tilespmem:s20+$0x850]  }
0x124: {  	[tilespmem:s20+$0x7F0] =	vst v4;
	v4 =	vmul.f32 v10, v8;
	v10 =	vld [tilespmem:s20+$0x860]  }
0x125: {  	[tilespmem:s20+$0x800] =	vst v2;
	v2 =	vmul.f32 v6, v8;
	v6 =	vld [tilespmem:s20+$0x870]  }
0x126: {  	[tilespmem:s20+$0x810] =	vst v4;
	v4 =	vmul.f32 v11, v8;
	v11 =	vld [tilespmem:s20+$0x880]  }
0x127: {  	[tilespmem:s20+$0x820] =	vst v2;
	v2 =	vmul.f32 v9, v8;
	v9 =	vld [tilespmem:s20+$0x890]  }
0x128: {  	[tilespmem:s20+$0x830] =	vst v4;
	v4 =	vmul.f32 v7, v8;
	v7 =	vld [tilespmem:s20+$0x8A0]  }
0x129: {  	v0 =	vbroadcast v0, $0xE;
	[tilespmem:s20+$0x770] =	vst v5;
	v5 =	vmul.f32 v10, v8;
	v10 =	vld [tilespmem:s20+$0x8B0]  }
0x12a: {  	[tilespmem:s20+$0x850] =	vst v4;
	v4 =	vmul.f32 v6, v8;
	v6 =	vld [tilespmem:s20+$0x8C0]  }
0x12b: {  	[tilespmem:s20+$0x860] =	vst v5;
	v5 =	vmul.f32 v11, v0;
	v8 =	vld [tilespmem:s20+$0x8D0]  }
0x12c: {  	[tilespmem:s20+$0x870] =	vst v4;
	v4 =	vmul.f32 v9, v0;
	v9 =	vld [tilespmem:s20+$0x8E0]  }
0x12d: {  	[tilespmem:s20+$0x880] =	vst v5;
	v5 =	vmul.f32 v7, v0;
	v7 =	vld [tilespmem:s20+$0x8F0]  }
0x12e: {  	[tilespmem:s20+$0x890] =	vst v4;
	v4 =	vmul.f32 v10, v0;
	v10 =	vld [tilespmem:s20+$0x900]  }
0x12f: {  	[tilespmem:s20+$0x8A0] =	vst v5;
	v5 =	vmul.f32 v6, v0;
	v6 =	vld [tilespmem:s20+$0x910]  }
0x130: {  	[tilespmem:s20+$0x8B0] =	vst v4;
	v4 =	vmul.f32 v8, v0;
	v8 =	vld [tilespmem:s20+$0x920]  }
0x131: {  	[tilespmem:s20+$0x8C0] =	vst v5;
	v5 =	vmul.f32 v9, v0;
	v9 =	vld [tilespmem:s20+$0x930]  }
0x132: {  	[tilespmem:s20+$0x840] =	vst v2;
	v0 =	vmul.f32 v7, v0;
	v2 =	vld [tilespmem:s20+$0x940]  }
0x133: {  	[tilespmem:s20+$0x8E0] =	vst v5;
	v5 =	vmul.f32 v10, v3;
	v7 =	vld [tilespmem:s20+$0x960]  }
0x134: {  	[tilespmem:s20+$0x8F0] =	vst v0;
	v0 =	vmul.f32 v6, v3;
	v6 =	vld [tilespmem:s20+$0x970]  }
0x135: {  	[tilespmem:s20+$0x900] =	vst v5;
	v5 =	vmul.f32 v8, v3  }
0x136: {  	[tilespmem:s20+$0x910] =	vst v0;
	v0 =	vmul.f32 v9, v3  }
0x137: {  	v8 =	vmul.f32 v14, v13;
	[tilespmem:s20+$0x920] =	vst v5  }
0x138: {  	[tilespmem:s20+$0x930] =	vst v0;
	v0 =	vmul.f32 v2, v3  }
.Ltmp0:
0x139: {  	[tilespmem:s20+$0x7B0] =	vst v8;
	v2 =	vmul.f32 v6, v3;
	(pc) =	sbr.rel @p0 .LBB2_3-.Ltmp0, $4  }
0x13a: {  	[tilespmem:s20+$0x940] =	vst v0  }
0x13b: {  	v0 =	vmul.f32 v7, v3;
	[tilespmem:s20+$0x970] =	vst v2  }
0x13c: {  	[tilespmem:s20+$0x8D0] =	vst v4  }
0x13d: {  	[tilespmem:s20+$0x960] =	vst v0  }
0x13e: {  	s19 =	sadd.s32 $0x1, s19  }
0x13f: {  	p0 =	sne.s32 s19, $0x4F  }
.Ltmp1:
0x140: {  	[tilespmem:s20+$0x7A0] =	vst v1;
	(pc) =	sbr.rel @p0 .LBB2_2-.Ltmp1, $4  }
0x141: {  	[spmem:s2] =	stream.indirect.scatter.add.f32 [tilespmem:s17], [sflag:$0x2], $0x80, s15, s15, $0xb8;
	[tilespmem:$0x17D80] =	vst v63  }
0x142: {  	_ =	swait.ge [sflag:s14], $0x4000  }
0x143: {  	[sflag:s14] =	ssyncset.done $0x0  }
0x144: {  	[sflag:s14] =	ssyncadd.s32 $0xFFFFC000  }
0x145: {  	s4 =	sadd.s32 $0x1, s4  }
0x146: {  	p0 =	sne.s32 s4, s11  }
.Ltmp2:
0x147: {  	[bflag:$0x0] =	sbarrier.arrive $0xFFFF;
	(pc) =	sbr.rel @p0 .LBB2_1-.Ltmp2, $4  }
0x148: {  	[hbm:s12], [sflag:s9] =	dma.local [spmem:s13], $0x2780  }
0x149: {  	_ =	swait.ge [sflag:s14], $0x2780  }
0x14a: {  	[sflag:s14] =	ssyncset.done $0x0  }
0x14b: {  	[sflag:s14] =	ssyncadd.s32 $0xFFFFD880  }
0x14c: {  	_ =	sfence.sel $0x180000  }
0x14d: {  	[bflag:$0x0] =	sbarrier.arrive $0xFFFF  }
0x14e: {  	p0 =	sne.s32 s3, $0x0;
	_ =	strace $0x90000047  }
0x14f: {  	s0 =	sadd.s32 @!p0 $0x100000, s0;
	[bflag:$0x2] =	sbarrier.arrive $0xFFFF  }
0x150: {  	[sflag:s0] =	ssyncadd.tile.s32 @!p0 $0x1;
	_ =	shalt  }
.Lfunc_end2:
_tile_overlayer_lowered:
.L_overlay_start_2:
0x151: {  	(tag) =	ssettag $0x2  }
0x152: {  	s0 =	rddreg [dreg:$0x0];
	s2 =	stileid.u32  }
0x153: {  	s1 =	rddreg [dreg:$0x1];
	p0 =	sne.s32 s2, $0x0  }
0x154: {  	s3 =	rddreg [dreg:$0x2];
	[bflag:$0x3] =	sbarrier.arrive $0xFFFF;
	s2 =	simm.s32 @!p0 $0x1C02  }
0x155: {  	[timem:s3], [sflag:s2] =	dma.local @!p0 [hbm:s0], s1  }
0x156: {  	s0 =	simm.s32 @!p0 $0x2  }
0x157: {  	_ =	swait.ge @!p0 [sflag:s0], s1  }
0x158: {  	s1 =	ssub.s32 @!p0 $0x0, s1;
	[sflag:s0] =	ssyncset.done @!p0 $0x0  }
0x159: {  	[sflag:s0] =	ssyncadd.s32 @!p0 s1  }
0x15a: {  	[bflag:$0x3] =	sbarrier.arrive $0xFFFF  }
0x15b: {  	_ =	shalt  }

</sc_bundles>
